<compile_context>
chip_gen: v7x
topology: tpu7x:2x2x1
jax: 0.10.2.dev20260603
libtpu: 0.0.44.dev20260713+nightly
codegen_flags: <defaults>
</compile_context>

<pallas_src>
import functools

import jax
import jax.numpy as jnp
from jax import lax
from jax.experimental import pallas as pl
from jax.experimental.pallas import tpu as pltpu
from jax.experimental.pallas import tpu_sc as plsc

N = 10000
E = 320000
D = 128
H = 32

NC = 2
NS = 16
NW = NC * NS
K = 128
C = 80
E_PAD = NW * C * K
TOT = E_PAD // K
CN = 120
CS = (TOT // NS) - CN
N_PAD = 10240
RPT = N_PAD // NS

_mesh = plsc.VectorSubcoreMesh(core_axis_name="c", subcore_axis_name="s")



@functools.partial(
    pl.kernel,
    out_type=jax.ShapeDtypeStruct((NC, N_PAD), jnp.float32),
    mesh=_mesh,
    scratch_types=[
        pltpu.VMEM((C, K), jnp.int32),
        pltpu.VMEM((K,), jnp.float32),
        pltpu.VMEM_SHARED((N_PAD,), jnp.float32),
    ],
)
def _sc_degree(dst_hbm, zeros_hbm, ones_hbm, out_hbm, dst_v, ones_v, acc):
    c = lax.axis_index("c")
    s = lax.axis_index("s")
    wid = c * NS + s
    pltpu.sync_copy(dst_hbm.at[wid], dst_v)
    pltpu.sync_copy(ones_hbm, ones_v)
    pltpu.sync_copy(zeros_hbm.at[pl.ds(s * RPT, RPT)],
                    acc.at[pl.ds(s * RPT, RPT)])
    plsc.subcore_barrier()

    def body(j, carry):
        pltpu.sync_copy(ones_v, acc.at[dst_v.at[j]], add=True)
        return carry

    lax.fori_loop(0, C, body, 0)
    plsc.subcore_barrier()
    pltpu.sync_copy(acc.at[pl.ds(s * RPT, RPT)],
                    out_hbm.at[c, pl.ds(s * RPT, RPT)])


@functools.partial(
    pl.kernel,
    out_type=jax.ShapeDtypeStruct((NC, N_PAD, H), jnp.float32),
    mesh=_mesh,
    compiler_params=pltpu.CompilerParams(use_tc_tiling_on_sc=False),
    scratch_types=[
        pltpu.VMEM((CN, K), jnp.int32),
        pltpu.VMEM((CN, K), jnp.int32),
        [pltpu.VMEM((K, H), jnp.float32)] * 4,
        [pltpu.SemaphoreType.DMA] * 4,
        pltpu.VMEM_SHARED((N_PAD, H), jnp.float32),
    ],
)
def _sc_aggregate(hs_hbm, srcn_hbm, dstn_hbm, srcs_hbm, dsts_hbm, zeros_hbm,
                  out_hbm, src_v, dst_v, rows, gsems, acc):
    c = lax.axis_index("c")
    s = lax.axis_index("s")
    pltpu.sync_copy(zeros_hbm.at[pl.ds(s * RPT, RPT)],
                    acc.at[pl.ds(s * RPT, RPT)])

    NB = 4

    def run(cnt):
        for t in range(NB):
            pltpu.async_copy(hs_hbm.at[src_v.at[t]], rows[t], gsems[t])

        def stage(j, t, prefetch):
            pltpu.make_async_copy(hs_hbm.at[src_v.at[j]], rows[t],
                                  gsems[t]).wait()
            pltpu.sync_copy(rows[t], acc.at[dst_v.at[j]], add=True)
            if prefetch:
                pltpu.async_copy(hs_hbm.at[src_v.at[j + NB]], rows[t],
                                 gsems[t])

        def body(i, carry):
            j = i * NB
            for t in range(NB):
                stage(j + t, t, True)
            return carry

        lax.fori_loop(0, cnt // NB - 1, body, 0)
        for t in range(NB):
            stage(cnt - NB + t, t, False)

    @pl.when(c == 0)
    def _():
        pltpu.sync_copy(srcn_hbm.at[s], src_v)
        pltpu.sync_copy(dstn_hbm.at[s], dst_v)
        plsc.subcore_barrier()
        run(CN)

    @pl.when(c == 1)
    def _():
        pltpu.sync_copy(srcs_hbm.at[s], src_v.at[pl.ds(0, CS)])
        pltpu.sync_copy(dsts_hbm.at[s], dst_v.at[pl.ds(0, CS)])
        plsc.subcore_barrier()
        run(CS)

    plsc.subcore_barrier()
    pltpu.sync_copy(acc.at[pl.ds(s * RPT, RPT)],
                    out_hbm.at[c, pl.ds(s * RPT, RPT)])



import numpy as np

NP4 = N_PAD // 4
BP = 512
HP = 4 * H

_EXPAND = np.kron(np.eye(4, dtype=np.float32),
                  np.ones((1, H), np.float32))


def _dinv128(degp_ref, exp_ref):
    deg = degp_ref[0] + degp_ref[1] + 1.0
    dinv4 = lax.rsqrt(deg)
    return jnp.dot(dinv4, exp_ref[...], preferred_element_type=jnp.float32,
                   precision=lax.Precision.HIGHEST)


def _tc1_body(x0_ref, x1_ref, x2_ref, x3_ref, w1_ref, degp_ref, exp_ref,
              hs_ref):
    w1 = w1_ref[...]
    hs = [jnp.dot(xr[...], w1, preferred_element_type=jnp.float32)
          for xr in (x0_ref, x1_ref, x2_ref, x3_ref)]
    hp = jnp.concatenate(hs, axis=1)
    hs_ref[...] = hp * _dinv128(degp_ref, exp_ref)


def _tc2_body(aggp_ref, hs1_ref, degp_ref, exp_ref, b1_ref, w2_ref,
              r_ref, hs2_ref):
    dinv = _dinv128(degp_ref, exp_ref)
    ssum = aggp_ref[0] + aggp_ref[1] + hs1_ref[...]
    agg1 = ssum * dinv + b1_ref[...]
    r = jnp.maximum(agg1, 0.0)
    r_ref[...] = r
    h2 = jnp.dot(r, w2_ref[...], preferred_element_type=jnp.float32)
    hs2_ref[...] = h2 * dinv


def _tc3_body(aggp_ref, hs2_ref, r_ref, degp_ref, exp_ref, b2_ref, wout_ref,
              bout_ref, out_ref):
    dinv = _dinv128(degp_ref, exp_ref)
    ssum = aggp_ref[0] + aggp_ref[1] + hs2_ref[...]
    agg2 = ssum * dinv + b2_ref[...]
    hout = r_ref[...] + agg2
    z = jnp.dot(hout, wout_ref[...], preferred_element_type=jnp.float32)
    out_ref[...] = jnp.tanh(z + bout_ref[...]) * 5.0


def _prow_spec(h):
    return pl.BlockSpec((BP, h), lambda i: (i, 0))


def _bcast_spec(shape):
    nd = len(shape)
    return pl.BlockSpec(shape, lambda i: (0,) * nd)


_degp_spec = pl.BlockSpec((2, BP, 4), lambda i: (0, i, 0))
_aggp_spec = pl.BlockSpec((2, BP, HP), lambda i: (0, i, 0))
_grid = (NP4 // BP,)


_NBLK = NP4 // BP


def _tc1(x_pad, w1, degp4):
    xspecs = [pl.BlockSpec((BP, D), functools.partial(
        lambda i, k: (i + _NBLK * k, 0), k=k)) for k in range(4)]
    return pl.pallas_call(
        _tc1_body,
        grid=_grid,
        in_specs=xspecs + [_bcast_spec((D, H)), _degp_spec,
                           _bcast_spec((4, HP))],
        out_specs=_prow_spec(HP),
        out_shape=jax.ShapeDtypeStruct((NP4, HP), jnp.float32),
    )(x_pad, x_pad, x_pad, x_pad, w1, degp4, jnp.asarray(_EXPAND))


def _tc2(aggp, hs1, degp4, b1p, w2d):
    return pl.pallas_call(
        _tc2_body,
        grid=_grid,
        in_specs=[_aggp_spec, _prow_spec(HP), _degp_spec,
                  _bcast_spec((4, HP)), _bcast_spec((1, HP)),
                  _bcast_spec((HP, HP))],
        out_specs=[_prow_spec(HP), _prow_spec(HP)],
        out_shape=[jax.ShapeDtypeStruct((NP4, HP), jnp.float32),
                   jax.ShapeDtypeStruct((NP4, HP), jnp.float32)],
    )(aggp, hs1, degp4, jnp.asarray(_EXPAND), b1p, w2d)


def _tc3(aggp, hs2, r, degp4, b2p, woutd, boutp):
    return pl.pallas_call(
        _tc3_body,
        grid=_grid,
        in_specs=[_aggp_spec, _prow_spec(HP), _prow_spec(HP), _degp_spec,
                  _bcast_spec((4, HP)), _bcast_spec((1, HP)),
                  _bcast_spec((HP, 4)), _bcast_spec((1, 4))],
        out_specs=_prow_spec(4),
        out_shape=jax.ShapeDtypeStruct((NP4, 4), jnp.float32),
    )(aggp, hs2, r, degp4, jnp.asarray(_EXPAND), b2p, woutd, boutp)



def kernel(x, edge_index, W1, b1, W2, b2, W_out, b_out):
    src = edge_index[0]
    dst = edge_index[1]
    pad = jnp.full((E_PAD - E,), N, dtype=jnp.int32)

    def perm(a):
        return 4 * (a % NP4) + a // NP4

    srcf = perm(jnp.concatenate([src, pad])).reshape(TOT, K)
    dstf = perm(jnp.concatenate([dst, pad])).reshape(TOT, K)
    dst3 = dstf.reshape(NW, C, K)
    srcn = srcf[:NS * CN].reshape(NS, CN, K)
    srcs = srcf[NS * CN:].reshape(NS, CS, K)
    dstn = dstf[:NS * CN].reshape(NS, CN, K)
    dsts = dstf[NS * CN:].reshape(NS, CS, K)

    x_pad = jnp.zeros((N_PAD, D), jnp.float32).at[:N].set(x)
    zeros1 = jnp.zeros((N_PAD,), jnp.float32)
    zeros2 = jnp.zeros((N_PAD, H), jnp.float32)
    ones = jnp.ones((K,), jnp.float32)

    eye4 = jnp.eye(4, dtype=jnp.float32)
    w2d = jnp.kron(eye4, W2)
    woutd = jnp.kron(eye4, W_out)
    b1p = jnp.tile(b1, 4).reshape(1, HP)
    b2p = jnp.tile(b2, 4).reshape(1, HP)
    boutp = jnp.tile(b_out, 4).reshape(1, 4)

    degp4 = _sc_degree(dst3, zeros1, ones).reshape(NC, NP4, 4)
    hs1 = _tc1(x_pad, W1, degp4)
    aggp1 = _sc_aggregate(hs1.reshape(N_PAD, H), srcn, dstn, srcs, dsts,
                          zeros2)
    r, hs2 = _tc2(aggp1.reshape(NC, NP4, HP), hs1, degp4, b1p, w2d)
    aggp2 = _sc_aggregate(hs2.reshape(N_PAD, H), srcn, dstn, srcs, dsts,
                          zeros2)
    out = _tc3(aggp2.reshape(NC, NP4, HP), hs2, r, degp4, b2p, woutd, boutp)
    return out.T.reshape(N_PAD, 1)[:N]

# --- scband reference (transcript-rebuilt; emitter-appended) ---
"""Pipeline reference for scband-financial-gnn-3083786518836 (READ-ONLY COPY).

The authoritative reference and input builder live on the scoring server;
editing this copy changes nothing except your own understanding.
"""

import jax, jax.numpy as jnp
import numpy as np

N = 10000
E = 320000
D = 128
H = 32


def setup_inputs(seed: int = 0) -> dict:
    key = jax.random.key(seed)
    ks = jax.random.split(key, 8)
    x = jax.random.normal(ks[0], (N, D), dtype=jnp.float32)
    edge_index = jax.random.randint(ks[1], (2, E), 0, N, dtype=jnp.int32)
    W1 = jax.random.normal(ks[2], (D, H), dtype=jnp.float32) * (1.0 / np.sqrt(D))
    b1 = jnp.zeros((H,), dtype=jnp.float32)
    W2 = jax.random.normal(ks[3], (H, H), dtype=jnp.float32) * (1.0 / np.sqrt(H))
    b2 = jnp.zeros((H,), dtype=jnp.float32)
    W_out = jax.random.normal(ks[4], (H, 1), dtype=jnp.float32) * (1.0 / np.sqrt(H))
    b_out = jnp.zeros((1,), dtype=jnp.float32)
    return {"x": x, "edge_index": edge_index, "W1": W1, "b1": b1, "W2": W2, "b2": b2, "W_out": W_out, "b_out": b_out}


def _gcn_conv(x, edge_index, W, b):
    n = x.shape[0]
    loop = jnp.arange(n, dtype=edge_index.dtype)
    src = jnp.concatenate([edge_index[0], loop])
    dst = jnp.concatenate([edge_index[1], loop])
    deg = jnp.zeros((n,), dtype=x.dtype).at[dst].add(1.0)
    deg_inv_sqrt = jnp.where(deg > 0, jax.lax.rsqrt(deg), 0.0)
    norm = deg_inv_sqrt[src] * deg_inv_sqrt[dst]
    h = x @ W
    msgs = h[src] * norm[:, None]
    out = jnp.zeros((n, W.shape[1]), dtype=x.dtype).at[dst].add(msgs)
    return out + b


def reference(x, edge_index, W1, b1, W2, b2, W_out, b_out):
    h = _gcn_conv(x, edge_index, W1, b1)
    h = jax.nn.relu(h)
    # dropout(p=0.3) is identity in eval mode
    h2 = _gcn_conv(h, edge_index, W2, b2)
    h = h + h2
    out = h @ W_out + b_out
    out = jnp.tanh(out) * 5.0
    return out

if __name__ == "__main__":
    import jax
    _d = setup_inputs()
    print(jax.jit(kernel)(*tuple(_d.values())))

</pallas_src>

<mosaic_0001>
#map = affine_map<(d0, d1) -> (0, 0)>
#map1 = affine_map<(d0, d1) -> (0, 0, 0)>
module attributes {stable_mosaic.version = 14 : i64} {
  func.func @_sc_aggregate(%arg0: i32, %arg1: i32, %arg2: memref<10240x32xf32, #tpu.memory_space<hbm>>, %arg3: memref<16x120x128xi32, #tpu.memory_space<hbm>>, %arg4: memref<16x120x128xi32, #tpu.memory_space<hbm>>, %arg5: memref<16x40x128xi32, #tpu.memory_space<hbm>>, %arg6: memref<16x40x128xi32, #tpu.memory_space<hbm>>, %arg7: memref<10240x32xf32, #tpu.memory_space<hbm>>, %arg8: memref<2x10240x32xf32, #tpu.memory_space<hbm>>, %arg9: memref<120x128xi32, #tpu.memory_space<vmem>>, %arg10: memref<120x128xi32, #tpu.memory_space<vmem>>, %arg11: memref<128x32xf32, #tpu.memory_space<vmem>>, %arg12: memref<128x32xf32, #tpu.memory_space<vmem>>, %arg13: memref<128x32xf32, #tpu.memory_space<vmem>>, %arg14: memref<128x32xf32, #tpu.memory_space<vmem>>, %arg15: memref<!tpu.dma_semaphore, #tpu.memory_space<semaphore_mem>>, %arg16: memref<!tpu.dma_semaphore, #tpu.memory_space<semaphore_mem>>, %arg17: memref<!tpu.dma_semaphore, #tpu.memory_space<semaphore_mem>>, %arg18: memref<!tpu.dma_semaphore, #tpu.memory_space<semaphore_mem>>, %arg19: memref<10240x32xf32, #tpu.memory_space<vmem_shared>>) attributes {dimension_semantics = [#tpu.dimension_semantics<core_parallel>, #tpu.dimension_semantics<subcore_parallel>], iteration_bounds = array<i64: 2, 16>, scalar_prefetch = 0 : i64, scratch_operands = 11 : i64, tpu.core_type = #tpu.core_type<sc_vector_subcore>, window_params = [{transform_indices = #map}, {transform_indices = #map1}, {transform_indices = #map1}, {transform_indices = #map1}, {transform_indices = #map1}, {transform_indices = #map}, {transform_indices = #map1}]} {
    %mul3A = arith.constant 640 : i32
    %mul3A_0 = arith.muli %arg1, %mul3A : i32
    %mul3A_1 = arith.constant 640 : i32
    %mul3A_2 = arith.muli %arg1, %mul3A_1 : i32
    "tpu.region"() ({
      %run_scoped3A = tpu.sem_alloc : memref<!tpu.dma_semaphore, #tpu.memory_space<semaphore_mem>>
      %dma_start3A = arith.constant 0 : i32
      %dma_start3A_14 = tpu.memref_slice %arg19[%mul3A_2, %dma_start3A] : memref<10240x32xf32, #tpu.memory_space<vmem_shared>> -> memref<640x32xf32, #tpu.memory_space<vmem_shared>>
      %dma_start3A_15 = arith.constant 0 : i32
      %dma_start3A_16 = tpu.memref_slice %arg7[%mul3A_0, %dma_start3A_15] : memref<10240x32xf32, #tpu.memory_space<hbm>> -> memref<640x32xf32, #tpu.memory_space<hbm>>
      tpu.enqueue_dma source(%dma_start3A_16 : memref<640x32xf32, #tpu.memory_space<hbm>>) target(%dma_start3A_14 : memref<640x32xf32, #tpu.memory_space<vmem_shared>>) target_semaphore(%run_scoped3A : memref<!tpu.dma_semaphore, #tpu.memory_space<semaphore_mem>>)
      %dma_wait3A = arith.constant 0 : i32
      %dma_wait3A_17 = tpu.memref_slice %arg19[%mul3A_2, %dma_wait3A] : memref<10240x32xf32, #tpu.memory_space<vmem_shared>> -> memref<640x32xf32, #tpu.memory_space<vmem_shared>>
      %dma_wait3A_18 = arith.constant 0 : i32
      %dma_wait3A_19 = tpu.memref_slice %arg7[%mul3A_0, %dma_wait3A_18] : memref<10240x32xf32, #tpu.memory_space<hbm>> -> memref<640x32xf32, #tpu.memory_space<hbm>>
      tpu.wait_dma2 semaphore(%run_scoped3A : memref<!tpu.dma_semaphore, #tpu.memory_space<semaphore_mem>>) src(%dma_wait3A_19 : memref<640x32xf32, #tpu.memory_space<hbm>>) dst(%dma_wait3A_17 : memref<640x32xf32, #tpu.memory_space<vmem_shared>>)
      tpu.yield
    }) : () -> ()
    %eq3A = arith.constant 0 : i32
    %eq3A_3 = arith.cmpi eq, %arg0, %eq3A : i32
    %convert_element_type3A = arith.extui %eq3A_3 : i1 to i32
    %cond3A = arith.constant 0 : i32
    %cond3A_4 = arith.cmpi ne, %convert_element_type3A, %cond3A : i32
    scf.if %cond3A_4 {
      "tpu.region"() ({
        %run_scoped3A_77 = tpu.sem_alloc : memref<!tpu.dma_semaphore, #tpu.memory_space<semaphore_mem>>
        %dma_start3A_78 = arith.constant 0 : i32
        %dma_start3A_79 = arith.constant 0 : i32
        %dma_start3A_80 = tpu.memref_slice %arg3[%arg1, %dma_start3A_78, %dma_start3A_79] : memref<16x120x128xi32, #tpu.memory_space<hbm>> -> memref<1x120x128xi32, #tpu.memory_space<hbm>>
        %dma_start3A_81 = tpu.memref_squeeze %dma_start3A_80 : memref<1x120x128xi32, #tpu.memory_space<hbm>> -> memref<120x128xi32, #tpu.memory_space<hbm>>
        %dma_start3A_82 = arith.constant 0 : i32
        %dma_start3A_83 = arith.constant 0 : i32
        %dma_start3A_84 = tpu.memref_slice %arg3[%arg1, %dma_start3A_82, %dma_start3A_83] : memref<16x120x128xi32, #tpu.memory_space<hbm>> -> memref<1x120x128xi32, #tpu.memory_space<hbm>>
        %dma_start3A_85 = tpu.memref_squeeze %dma_start3A_84 : memref<1x120x128xi32, #tpu.memory_space<hbm>> -> memref<120x128xi32, #tpu.memory_space<hbm>>
        tpu.enqueue_dma source(%dma_start3A_85 : memref<120x128xi32, #tpu.memory_space<hbm>>) target(%arg9 : memref<120x128xi32, #tpu.memory_space<vmem>>) target_semaphore(%run_scoped3A_77 : memref<!tpu.dma_semaphore, #tpu.memory_space<semaphore_mem>>)
        %dma_wait3A_86 = arith.constant 0 : i32
        %dma_wait3A_87 = arith.constant 0 : i32
        %dma_wait3A_88 = tpu.memref_slice %arg3[%arg1, %dma_wait3A_86, %dma_wait3A_87] : memref<16x120x128xi32, #tpu.memory_space<hbm>> -> memref<1x120x128xi32, #tpu.memory_space<hbm>>
        %dma_wait3A_89 = tpu.memref_squeeze %dma_wait3A_88 : memref<1x120x128xi32, #tpu.memory_space<hbm>> -> memref<120x128xi32, #tpu.memory_space<hbm>>
        %dma_wait3A_90 = arith.constant 0 : i32
        %dma_wait3A_91 = arith.constant 0 : i32
        %dma_wait3A_92 = tpu.memref_slice %arg3[%arg1, %dma_wait3A_90, %dma_wait3A_91] : memref<16x120x128xi32, #tpu.memory_space<hbm>> -> memref<1x120x128xi32, #tpu.memory_space<hbm>>
        %dma_wait3A_93 = tpu.memref_squeeze %dma_wait3A_92 : memref<1x120x128xi32, #tpu.memory_space<hbm>> -> memref<120x128xi32, #tpu.memory_space<hbm>>
        tpu.wait_dma2 semaphore(%run_scoped3A_77 : memref<!tpu.dma_semaphore, #tpu.memory_space<semaphore_mem>>) src(%dma_wait3A_93 : memref<120x128xi32, #tpu.memory_space<hbm>>) dst(%arg9 : memref<120x128xi32, #tpu.memory_space<vmem>>)
        tpu.yield
      }) : () -> ()
      "tpu.region"() ({
        %run_scoped3A_77 = tpu.sem_alloc : memref<!tpu.dma_semaphore, #tpu.memory_space<semaphore_mem>>
        %dma_start3A_78 = arith.constant 0 : i32
        %dma_start3A_79 = arith.constant 0 : i32
        %dma_start3A_80 = tpu.memref_slice %arg4[%arg1, %dma_start3A_78, %dma_start3A_79] : memref<16x120x128xi32, #tpu.memory_space<hbm>> -> memref<1x120x128xi32, #tpu.memory_space<hbm>>
        %dma_start3A_81 = tpu.memref_squeeze %dma_start3A_80 : memref<1x120x128xi32, #tpu.memory_space<hbm>> -> memref<120x128xi32, #tpu.memory_space<hbm>>
        %dma_start3A_82 = arith.constant 0 : i32
        %dma_start3A_83 = arith.constant 0 : i32
        %dma_start3A_84 = tpu.memref_slice %arg4[%arg1, %dma_start3A_82, %dma_start3A_83] : memref<16x120x128xi32, #tpu.memory_space<hbm>> -> memref<1x120x128xi32, #tpu.memory_space<hbm>>
        %dma_start3A_85 = tpu.memref_squeeze %dma_start3A_84 : memref<1x120x128xi32, #tpu.memory_space<hbm>> -> memref<120x128xi32, #tpu.memory_space<hbm>>
        tpu.enqueue_dma source(%dma_start3A_85 : memref<120x128xi32, #tpu.memory_space<hbm>>) target(%arg10 : memref<120x128xi32, #tpu.memory_space<vmem>>) target_semaphore(%run_scoped3A_77 : memref<!tpu.dma_semaphore, #tpu.memory_space<semaphore_mem>>)
        %dma_wait3A_86 = arith.constant 0 : i32
        %dma_wait3A_87 = arith.constant 0 : i32
        %dma_wait3A_88 = tpu.memref_slice %arg4[%arg1, %dma_wait3A_86, %dma_wait3A_87] : memref<16x120x128xi32, #tpu.memory_space<hbm>> -> memref<1x120x128xi32, #tpu.memory_space<hbm>>
        %dma_wait3A_89 = tpu.memref_squeeze %dma_wait3A_88 : memref<1x120x128xi32, #tpu.memory_space<hbm>> -> memref<120x128xi32, #tpu.memory_space<hbm>>
        %dma_wait3A_90 = arith.constant 0 : i32
        %dma_wait3A_91 = arith.constant 0 : i32
        %dma_wait3A_92 = tpu.memref_slice %arg4[%arg1, %dma_wait3A_90, %dma_wait3A_91] : memref<16x120x128xi32, #tpu.memory_space<hbm>> -> memref<1x120x128xi32, #tpu.memory_space<hbm>>
        %dma_wait3A_93 = tpu.memref_squeeze %dma_wait3A_92 : memref<1x120x128xi32, #tpu.memory_space<hbm>> -> memref<120x128xi32, #tpu.memory_space<hbm>>
        tpu.wait_dma2 semaphore(%run_scoped3A_77 : memref<!tpu.dma_semaphore, #tpu.memory_space<semaphore_mem>>) src(%dma_wait3A_93 : memref<120x128xi32, #tpu.memory_space<hbm>>) dst(%arg10 : memref<120x128xi32, #tpu.memory_space<vmem>>)
        tpu.yield
      }) : () -> ()
      %barrier3A_14 = arith.constant 0 : index
      tpu.barrier barrier_id(%barrier3A_14)
      %dma_start3A = arith.constant 0 : i32
      %dma_start3A_15 = arith.constant 0 : i32
      %dma_start3A_16 = tpu.memref_slice %arg9[%dma_start3A, %dma_start3A_15] : memref<120x128xi32, #tpu.memory_space<vmem>> -> memref<1x128xi32, #tpu.memory_space<vmem>>
      %dma_start3A_17 = tpu.memref_squeeze %dma_start3A_16 : memref<1x128xi32, #tpu.memory_space<vmem>> -> memref<128xi32, #tpu.memory_space<vmem>>
      %dma_start3A_18 = arith.constant 0 : i32
      %dma_start3A_19 = arith.constant 0 : i32
      %dma_start3A_20 = tpu.memref_slice %arg2[%dma_start3A_18, %dma_start3A_19] : memref<10240x32xf32, #tpu.memory_space<hbm>> -> memref<10240x32xf32, #tpu.memory_space<hbm>>
      tpu.enqueue_indirect_dma source(%dma_start3A_20 : memref<10240x32xf32, #tpu.memory_space<hbm>>) target(%arg11 : memref<128x32xf32, #tpu.memory_space<vmem>>) offsets(%dma_start3A_17 : memref<128xi32, #tpu.memory_space<vmem>>) semaphore(%arg15 : memref<!tpu.dma_semaphore, #tpu.memory_space<semaphore_mem>>)
      %dma_start3A_21 = arith.constant 1 : i32
      %dma_start3A_22 = arith.constant 0 : i32
      %dma_start3A_23 = tpu.memref_slice %arg9[%dma_start3A_21, %dma_start3A_22] : memref<120x128xi32, #tpu.memory_space<vmem>> -> memref<1x128xi32, #tpu.memory_space<vmem>>
      %dma_start3A_24 = tpu.memref_squeeze %dma_start3A_23 : memref<1x128xi32, #tpu.memory_space<vmem>> -> memref<128xi32, #tpu.memory_space<vmem>>
      %dma_start3A_25 = arith.constant 0 : i32
      %dma_start3A_26 = arith.constant 0 : i32
      %dma_start3A_27 = tpu.memref_slice %arg2[%dma_start3A_25, %dma_start3A_26] : memref<10240x32xf32, #tpu.memory_space<hbm>> -> memref<10240x32xf32, #tpu.memory_space<hbm>>
      tpu.enqueue_indirect_dma source(%dma_start3A_27 : memref<10240x32xf32, #tpu.memory_space<hbm>>) target(%arg12 : memref<128x32xf32, #tpu.memory_space<vmem>>) offsets(%dma_start3A_24 : memref<128xi32, #tpu.memory_space<vmem>>) semaphore(%arg16 : memref<!tpu.dma_semaphore, #tpu.memory_space<semaphore_mem>>)
      %dma_start3A_28 = arith.constant 2 : i32
      %dma_start3A_29 = arith.constant 0 : i32
      %dma_start3A_30 = tpu.memref_slice %arg9[%dma_start3A_28, %dma_start3A_29] : memref<120x128xi32, #tpu.memory_space<vmem>> -> memref<1x128xi32, #tpu.memory_space<vmem>>
      %dma_start3A_31 = tpu.memref_squeeze %dma_start3A_30 : memref<1x128xi32, #tpu.memory_space<vmem>> -> memref<128xi32, #tpu.memory_space<vmem>>
      %dma_start3A_32 = arith.constant 0 : i32
      %dma_start3A_33 = arith.constant 0 : i32
      %dma_start3A_34 = tpu.memref_slice %arg2[%dma_start3A_32, %dma_start3A_33] : memref<10240x32xf32, #tpu.memory_space<hbm>> -> memref<10240x32xf32, #tpu.memory_space<hbm>>
      tpu.enqueue_indirect_dma source(%dma_start3A_34 : memref<10240x32xf32, #tpu.memory_space<hbm>>) target(%arg13 : memref<128x32xf32, #tpu.memory_space<vmem>>) offsets(%dma_start3A_31 : memref<128xi32, #tpu.memory_space<vmem>>) semaphore(%arg17 : memref<!tpu.dma_semaphore, #tpu.memory_space<semaphore_mem>>)
      %dma_start3A_35 = arith.constant 3 : i32
      %dma_start3A_36 = arith.constant 0 : i32
      %dma_start3A_37 = tpu.memref_slice %arg9[%dma_start3A_35, %dma_start3A_36] : memref<120x128xi32, #tpu.memory_space<vmem>> -> memref<1x128xi32, #tpu.memory_space<vmem>>
      %dma_start3A_38 = tpu.memref_squeeze %dma_start3A_37 : memref<1x128xi32, #tpu.memory_space<vmem>> -> memref<128xi32, #tpu.memory_space<vmem>>
      %dma_start3A_39 = arith.constant 0 : i32
      %dma_start3A_40 = arith.constant 0 : i32
      %dma_start3A_41 = tpu.memref_slice %arg2[%dma_start3A_39, %dma_start3A_40] : memref<10240x32xf32, #tpu.memory_space<hbm>> -> memref<10240x32xf32, #tpu.memory_space<hbm>>
      tpu.enqueue_indirect_dma source(%dma_start3A_41 : memref<10240x32xf32, #tpu.memory_space<hbm>>) target(%arg14 : memref<128x32xf32, #tpu.memory_space<vmem>>) offsets(%dma_start3A_38 : memref<128xi32, #tpu.memory_space<vmem>>) semaphore(%arg18 : memref<!tpu.dma_semaphore, #tpu.memory_space<semaphore_mem>>)
      %scan3A = arith.constant 0 : i32
      %scan3A_42 = arith.constant 0 : i32
      %scan3A_43 = arith.constant 29 : i32
      %scan3A_44 = arith.addi %scan3A_42, %scan3A_43 : i32
      %scan3A_45 = arith.constant 1 : i32
      scf.for %scan3A_77 = %scan3A_42 to %scan3A_44 step %scan3A_45  : i32 {
        %mul3A_78 = arith.constant 4 : i32
        %mul3A_79 = arith.muli %scan3A_77, %mul3A_78 : i32
        %add3A = arith.constant 0 : i32
        %add3A_80 = arith.addi %mul3A_79, %add3A : i32
        %dma_wait3A_81 = arith.constant 0 : i32
        %dma_wait3A_82 = tpu.memref_slice %arg9[%add3A_80, %dma_wait3A_81] : memref<120x128xi32, #tpu.memory_space<vmem>> -> memref<1x128xi32, #tpu.memory_space<vmem>>
        %dma_wait3A_83 = tpu.memref_squeeze %dma_wait3A_82 : memref<1x128xi32, #tpu.memory_space<vmem>> -> memref<128xi32, #tpu.memory_space<vmem>>
        %dma_wait3A_84 = arith.constant 0 : i32
        %dma_wait3A_85 = arith.constant 0 : i32
        %dma_wait3A_86 = tpu.memref_slice %arg2[%dma_wait3A_84, %dma_wait3A_85] : memref<10240x32xf32, #tpu.memory_space<hbm>> -> memref<10240x32xf32, #tpu.memory_space<hbm>>
        tpu.wait_indirect_dma semaphore(%arg15 : memref<!tpu.dma_semaphore, #tpu.memory_space<semaphore_mem>>) src(%dma_wait3A_86 : memref<10240x32xf32, #tpu.memory_space<hbm>>) dst(%arg11 : memref<128x32xf32, #tpu.memory_space<vmem>>)
        "tpu.region"() ({
          %run_scoped3A_143 = tpu.sem_alloc : memref<!tpu.dma_semaphore, #tpu.memory_space<semaphore_mem>>
          %dma_start3A_144 = arith.constant 0 : i32
          %dma_start3A_145 = tpu.memref_slice %arg10[%add3A_80, %dma_start3A_144] : memref<120x128xi32, #tpu.memory_space<vmem>> -> memref<1x128xi32, #tpu.memory_space<vmem>>
          %dma_start3A_146 = tpu.memref_squeeze %dma_start3A_145 : memref<1x128xi32, #tpu.memory_space<vmem>> -> memref<128xi32, #tpu.memory_space<vmem>>
          %dma_start3A_147 = arith.constant 0 : i32
          %dma_start3A_148 = arith.constant 0 : i32
          %dma_start3A_149 = tpu.memref_slice %arg19[%dma_start3A_147, %dma_start3A_148] : memref<10240x32xf32, #tpu.memory_space<vmem_shared>> -> memref<10240x32xf32, #tpu.memory_space<vmem_shared>>
          tpu.enqueue_indirect_dma source(%arg11 : memref<128x32xf32, #tpu.memory_space<vmem>>) target(%dma_start3A_149 : memref<10240x32xf32, #tpu.memory_space<vmem_shared>>) offsets(%dma_start3A_146 : memref<128xi32, #tpu.memory_space<vmem>>) semaphore(%run_scoped3A_143 : memref<!tpu.dma_semaphore, #tpu.memory_space<semaphore_mem>>) {add = true}
          %dma_wait3A_150 = arith.constant 0 : i32
          %dma_wait3A_151 = tpu.memref_slice %arg10[%add3A_80, %dma_wait3A_150] : memref<120x128xi32, #tpu.memory_space<vmem>> -> memref<1x128xi32, #tpu.memory_space<vmem>>
          %dma_wait3A_152 = tpu.memref_squeeze %dma_wait3A_151 : memref<1x128xi32, #tpu.memory_space<vmem>> -> memref<128xi32, #tpu.memory_space<vmem>>
          %dma_wait3A_153 = arith.constant 0 : i32
          %dma_wait3A_154 = arith.constant 0 : i32
          %dma_wait3A_155 = tpu.memref_slice %arg19[%dma_wait3A_153, %dma_wait3A_154] : memref<10240x32xf32, #tpu.memory_space<vmem_shared>> -> memref<10240x32xf32, #tpu.memory_space<vmem_shared>>
          tpu.wait_indirect_dma semaphore(%run_scoped3A_143 : memref<!tpu.dma_semaphore, #tpu.memory_space<semaphore_mem>>) src(%arg11 : memref<128x32xf32, #tpu.memory_space<vmem>>) dst(%dma_wait3A_155 : memref<10240x32xf32, #tpu.memory_space<vmem_shared>>)
          tpu.yield
        }) : () -> ()
        %add3A_87 = arith.constant 4 : i32
        %add3A_88 = arith.addi %add3A_80, %add3A_87 : i32
        %dma_start3A_89 = arith.constant 0 : i32
        %dma_start3A_90 = tpu.memref_slice %arg9[%add3A_88, %dma_start3A_89] : memref<120x128xi32, #tpu.memory_space<vmem>> -> memref<1x128xi32, #tpu.memory_space<vmem>>
        %dma_start3A_91 = tpu.memref_squeeze %dma_start3A_90 : memref<1x128xi32, #tpu.memory_space<vmem>> -> memref<128xi32, #tpu.memory_space<vmem>>
        %dma_start3A_92 = arith.constant 0 : i32
        %dma_start3A_93 = arith.constant 0 : i32
        %dma_start3A_94 = tpu.memref_slice %arg2[%dma_start3A_92, %dma_start3A_93] : memref<10240x32xf32, #tpu.memory_space<hbm>> -> memref<10240x32xf32, #tpu.memory_space<hbm>>
        tpu.enqueue_indirect_dma source(%dma_start3A_94 : memref<10240x32xf32, #tpu.memory_space<hbm>>) target(%arg11 : memref<128x32xf32, #tpu.memory_space<vmem>>) offsets(%dma_start3A_91 : memref<128xi32, #tpu.memory_space<vmem>>) semaphore(%arg15 : memref<!tpu.dma_semaphore, #tpu.memory_space<semaphore_mem>>)
        %add3A_95 = arith.constant 1 : i32
        %add3A_96 = arith.addi %mul3A_79, %add3A_95 : i32
        %dma_wait3A_97 = arith.constant 0 : i32
        %dma_wait3A_98 = tpu.memref_slice %arg9[%add3A_96, %dma_wait3A_97] : memref<120x128xi32, #tpu.memory_space<vmem>> -> memref<1x128xi32, #tpu.memory_space<vmem>>
        %dma_wait3A_99 = tpu.memref_squeeze %dma_wait3A_98 : memref<1x128xi32, #tpu.memory_space<vmem>> -> memref<128xi32, #tpu.memory_space<vmem>>
        %dma_wait3A_100 = arith.constant 0 : i32
        %dma_wait3A_101 = arith.constant 0 : i32
        %dma_wait3A_102 = tpu.memref_slice %arg2[%dma_wait3A_100, %dma_wait3A_101] : memref<10240x32xf32, #tpu.memory_space<hbm>> -> memref<10240x32xf32, #tpu.memory_space<hbm>>
        tpu.wait_indirect_dma semaphore(%arg16 : memref<!tpu.dma_semaphore, #tpu.memory_space<semaphore_mem>>) src(%dma_wait3A_102 : memref<10240x32xf32, #tpu.memory_space<hbm>>) dst(%arg12 : memref<128x32xf32, #tpu.memory_space<vmem>>)
        "tpu.region"() ({
          %run_scoped3A_143 = tpu.sem_alloc : memref<!tpu.dma_semaphore, #tpu.memory_space<semaphore_mem>>
          %dma_start3A_144 = arith.constant 0 : i32
          %dma_start3A_145 = tpu.memref_slice %arg10[%add3A_96, %dma_start3A_144] : memref<120x128xi32, #tpu.memory_space<vmem>> -> memref<1x128xi32, #tpu.memory_space<vmem>>
          %dma_start3A_146 = tpu.memref_squeeze %dma_start3A_145 : memref<1x128xi32, #tpu.memory_space<vmem>> -> memref<128xi32, #tpu.memory_space<vmem>>
          %dma_start3A_147 = arith.constant 0 : i32
          %dma_start3A_148 = arith.constant 0 : i32
          %dma_start3A_149 = tpu.memref_slice %arg19[%dma_start3A_147, %dma_start3A_148] : memref<10240x32xf32, #tpu.memory_space<vmem_shared>> -> memref<10240x32xf32, #tpu.memory_space<vmem_shared>>
          tpu.enqueue_indirect_dma source(%arg12 : memref<128x32xf32, #tpu.memory_space<vmem>>) target(%dma_start3A_149 : memref<10240x32xf32, #tpu.memory_space<vmem_shared>>) offsets(%dma_start3A_146 : memref<128xi32, #tpu.memory_space<vmem>>) semaphore(%run_scoped3A_143 : memref<!tpu.dma_semaphore, #tpu.memory_space<semaphore_mem>>) {add = true}
          %dma_wait3A_150 = arith.constant 0 : i32
          %dma_wait3A_151 = tpu.memref_slice %arg10[%add3A_96, %dma_wait3A_150] : memref<120x128xi32, #tpu.memory_space<vmem>> -> memref<1x128xi32, #tpu.memory_space<vmem>>
          %dma_wait3A_152 = tpu.memref_squeeze %dma_wait3A_151 : memref<1x128xi32, #tpu.memory_space<vmem>> -> memref<128xi32, #tpu.memory_space<vmem>>
          %dma_wait3A_153 = arith.constant 0 : i32
          %dma_wait3A_154 = arith.constant 0 : i32
          %dma_wait3A_155 = tpu.memref_slice %arg19[%dma_wait3A_153, %dma_wait3A_154] : memref<10240x32xf32, #tpu.memory_space<vmem_shared>> -> memref<10240x32xf32, #tpu.memory_space<vmem_shared>>
          tpu.wait_indirect_dma semaphore(%run_scoped3A_143 : memref<!tpu.dma_semaphore, #tpu.memory_space<semaphore_mem>>) src(%arg12 : memref<128x32xf32, #tpu.memory_space<vmem>>) dst(%dma_wait3A_155 : memref<10240x32xf32, #tpu.memory_space<vmem_shared>>)
          tpu.yield
        }) : () -> ()
        %add3A_103 = arith.constant 4 : i32
        %add3A_104 = arith.addi %add3A_96, %add3A_103 : i32
        %dma_start3A_105 = arith.constant 0 : i32
        %dma_start3A_106 = tpu.memref_slice %arg9[%add3A_104, %dma_start3A_105] : memref<120x128xi32, #tpu.memory_space<vmem>> -> memref<1x128xi32, #tpu.memory_space<vmem>>
        %dma_start3A_107 = tpu.memref_squeeze %dma_start3A_106 : memref<1x128xi32, #tpu.memory_space<vmem>> -> memref<128xi32, #tpu.memory_space<vmem>>
        %dma_start3A_108 = arith.constant 0 : i32
        %dma_start3A_109 = arith.constant 0 : i32
        %dma_start3A_110 = tpu.memref_slice %arg2[%dma_start3A_108, %dma_start3A_109] : memref<10240x32xf32, #tpu.memory_space<hbm>> -> memref<10240x32xf32, #tpu.memory_space<hbm>>
        tpu.enqueue_indirect_dma source(%dma_start3A_110 : memref<10240x32xf32, #tpu.memory_space<hbm>>) target(%arg12 : memref<128x32xf32, #tpu.memory_space<vmem>>) offsets(%dma_start3A_107 : memref<128xi32, #tpu.memory_space<vmem>>) semaphore(%arg16 : memref<!tpu.dma_semaphore, #tpu.memory_space<semaphore_mem>>)
        %add3A_111 = arith.constant 2 : i32
        %add3A_112 = arith.addi %mul3A_79, %add3A_111 : i32
        %dma_wait3A_113 = arith.constant 0 : i32
        %dma_wait3A_114 = tpu.memref_slice %arg9[%add3A_112, %dma_wait3A_113] : memref<120x128xi32, #tpu.memory_space<vmem>> -> memref<1x128xi32, #tpu.memory_space<vmem>>
        %dma_wait3A_115 = tpu.memref_squeeze %dma_wait3A_114 : memref<1x128xi32, #tpu.memory_space<vmem>> -> memref<128xi32, #tpu.memory_space<vmem>>
        %dma_wait3A_116 = arith.constant 0 : i32
        %dma_wait3A_117 = arith.constant 0 : i32
        %dma_wait3A_118 = tpu.memref_slice %arg2[%dma_wait3A_116, %dma_wait3A_117] : memref<10240x32xf32, #tpu.memory_space<hbm>> -> memref<10240x32xf32, #tpu.memory_space<hbm>>
        tpu.wait_indirect_dma semaphore(%arg17 : memref<!tpu.dma_semaphore, #tpu.memory_space<semaphore_mem>>) src(%dma_wait3A_118 : memref<10240x32xf32, #tpu.memory_space<hbm>>) dst(%arg13 : memref<128x32xf32, #tpu.memory_space<vmem>>)
        "tpu.region"() ({
          %run_scoped3A_143 = tpu.sem_alloc : memref<!tpu.dma_semaphore, #tpu.memory_space<semaphore_mem>>
          %dma_start3A_144 = arith.constant 0 : i32
          %dma_start3A_145 = tpu.memref_slice %arg10[%add3A_112, %dma_start3A_144] : memref<120x128xi32, #tpu.memory_space<vmem>> -> memref<1x128xi32, #tpu.memory_space<vmem>>
          %dma_start3A_146 = tpu.memref_squeeze %dma_start3A_145 : memref<1x128xi32, #tpu.memory_space<vmem>> -> memref<128xi32, #tpu.memory_space<vmem>>
          %dma_start3A_147 = arith.constant 0 : i32
          %dma_start3A_148 = arith.constant 0 : i32
          %dma_start3A_149 = tpu.memref_slice %arg19[%dma_start3A_147, %dma_start3A_148] : memref<10240x32xf32, #tpu.memory_space<vmem_shared>> -> memref<10240x32xf32, #tpu.memory_space<vmem_shared>>
          tpu.enqueue_indirect_dma source(%arg13 : memref<128x32xf32, #tpu.memory_space<vmem>>) target(%dma_start3A_149 : memref<10240x32xf32, #tpu.memory_space<vmem_shared>>) offsets(%dma_start3A_146 : memref<128xi32, #tpu.memory_space<vmem>>) semaphore(%run_scoped3A_143 : memref<!tpu.dma_semaphore, #tpu.memory_space<semaphore_mem>>) {add = true}
          %dma_wait3A_150 = arith.constant 0 : i32
          %dma_wait3A_151 = tpu.memref_slice %arg10[%add3A_112, %dma_wait3A_150] : memref<120x128xi32, #tpu.memory_space<vmem>> -> memref<1x128xi32, #tpu.memory_space<vmem>>
          %dma_wait3A_152 = tpu.memref_squeeze %dma_wait3A_151 : memref<1x128xi32, #tpu.memory_space<vmem>> -> memref<128xi32, #tpu.memory_space<vmem>>
          %dma_wait3A_153 = arith.constant 0 : i32
          %dma_wait3A_154 = arith.constant 0 : i32
          %dma_wait3A_155 = tpu.memref_slice %arg19[%dma_wait3A_153, %dma_wait3A_154] : memref<10240x32xf32, #tpu.memory_space<vmem_shared>> -> memref<10240x32xf32, #tpu.memory_space<vmem_shared>>
          tpu.wait_indirect_dma semaphore(%run_scoped3A_143 : memref<!tpu.dma_semaphore, #tpu.memory_space<semaphore_mem>>) src(%arg13 : memref<128x32xf32, #tpu.memory_space<vmem>>) dst(%dma_wait3A_155 : memref<10240x32xf32, #tpu.memory_space<vmem_shared>>)
          tpu.yield
        }) : () -> ()
        %add3A_119 = arith.constant 4 : i32
        %add3A_120 = arith.addi %add3A_112, %add3A_119 : i32
        %dma_start3A_121 = arith.constant 0 : i32
        %dma_start3A_122 = tpu.memref_slice %arg9[%add3A_120, %dma_start3A_121] : memref<120x128xi32, #tpu.memory_space<vmem>> -> memref<1x128xi32, #tpu.memory_space<vmem>>
        %dma_start3A_123 = tpu.memref_squeeze %dma_start3A_122 : memref<1x128xi32, #tpu.memory_space<vmem>> -> memref<128xi32, #tpu.memory_space<vmem>>
        %dma_start3A_124 = arith.constant 0 : i32
        %dma_start3A_125 = arith.constant 0 : i32
        %dma_start3A_126 = tpu.memref_slice %arg2[%dma_start3A_124, %dma_start3A_125] : memref<10240x32xf32, #tpu.memory_space<hbm>> -> memref<10240x32xf32, #tpu.memory_space<hbm>>
        tpu.enqueue_indirect_dma source(%dma_start3A_126 : memref<10240x32xf32, #tpu.memory_space<hbm>>) target(%arg13 : memref<128x32xf32, #tpu.memory_space<vmem>>) offsets(%dma_start3A_123 : memref<128xi32, #tpu.memory_space<vmem>>) semaphore(%arg17 : memref<!tpu.dma_semaphore, #tpu.memory_space<semaphore_mem>>)
        %add3A_127 = arith.constant 3 : i32
        %add3A_128 = arith.addi %mul3A_79, %add3A_127 : i32
        %dma_wait3A_129 = arith.constant 0 : i32
        %dma_wait3A_130 = tpu.memref_slice %arg9[%add3A_128, %dma_wait3A_129] : memref<120x128xi32, #tpu.memory_space<vmem>> -> memref<1x128xi32, #tpu.memory_space<vmem>>
        %dma_wait3A_131 = tpu.memref_squeeze %dma_wait3A_130 : memref<1x128xi32, #tpu.memory_space<vmem>> -> memref<128xi32, #tpu.memory_space<vmem>>
        %dma_wait3A_132 = arith.constant 0 : i32
        %dma_wait3A_133 = arith.constant 0 : i32
        %dma_wait3A_134 = tpu.memref_slice %arg2[%dma_wait3A_132, %dma_wait3A_133] : memref<10240x32xf32, #tpu.memory_space<hbm>> -> memref<10240x32xf32, #tpu.memory_space<hbm>>
        tpu.wait_indirect_dma semaphore(%arg18 : memref<!tpu.dma_semaphore, #tpu.memory_space<semaphore_mem>>) src(%dma_wait3A_134 : memref<10240x32xf32, #tpu.memory_space<hbm>>) dst(%arg14 : memref<128x32xf32, #tpu.memory_space<vmem>>)
        "tpu.region"() ({
          %run_scoped3A_143 = tpu.sem_alloc : memref<!tpu.dma_semaphore, #tpu.memory_space<semaphore_mem>>
          %dma_start3A_144 = arith.constant 0 : i32
          %dma_start3A_145 = tpu.memref_slice %arg10[%add3A_128, %dma_start3A_144] : memref<120x128xi32, #tpu.memory_space<vmem>> -> memref<1x128xi32, #tpu.memory_space<vmem>>
          %dma_start3A_146 = tpu.memref_squeeze %dma_start3A_145 : memref<1x128xi32, #tpu.memory_space<vmem>> -> memref<128xi32, #tpu.memory_space<vmem>>
          %dma_start3A_147 = arith.constant 0 : i32
          %dma_start3A_148 = arith.constant 0 : i32
          %dma_start3A_149 = tpu.memref_slice %arg19[%dma_start3A_147, %dma_start3A_148] : memref<10240x32xf32, #tpu.memory_space<vmem_shared>> -> memref<10240x32xf32, #tpu.memory_space<vmem_shared>>
          tpu.enqueue_indirect_dma source(%arg14 : memref<128x32xf32, #tpu.memory_space<vmem>>) target(%dma_start3A_149 : memref<10240x32xf32, #tpu.memory_space<vmem_shared>>) offsets(%dma_start3A_146 : memref<128xi32, #tpu.memory_space<vmem>>) semaphore(%run_scoped3A_143 : memref<!tpu.dma_semaphore, #tpu.memory_space<semaphore_mem>>) {add = true}
          %dma_wait3A_150 = arith.constant 0 : i32
          %dma_wait3A_151 = tpu.memref_slice %arg10[%add3A_128, %dma_wait3A_150] : memref<120x128xi32, #tpu.memory_space<vmem>> -> memref<1x128xi32, #tpu.memory_space<vmem>>
          %dma_wait3A_152 = tpu.memref_squeeze %dma_wait3A_151 : memref<1x128xi32, #tpu.memory_space<vmem>> -> memref<128xi32, #tpu.memory_space<vmem>>
          %dma_wait3A_153 = arith.constant 0 : i32
          %dma_wait3A_154 = arith.constant 0 : i32
          %dma_wait3A_155 = tpu.memref_slice %arg19[%dma_wait3A_153, %dma_wait3A_154] : memref<10240x32xf32, #tpu.memory_space<vmem_shared>> -> memref<10240x32xf32, #tpu.memory_space<vmem_shared>>
          tpu.wait_indirect_dma semaphore(%run_scoped3A_143 : memref<!tpu.dma_semaphore, #tpu.memory_space<semaphore_mem>>) src(%arg14 : memref<128x32xf32, #tpu.memory_space<vmem>>) dst(%dma_wait3A_155 : memref<10240x32xf32, #tpu.memory_space<vmem_shared>>)
          tpu.yield
        }) : () -> ()
        %add3A_135 = arith.constant 4 : i32
        %add3A_136 = arith.addi %add3A_128, %add3A_135 : i32
        %dma_start3A_137 = arith.constant 0 : i32
        %dma_start3A_138 = tpu.memref_slice %arg9[%add3A_136, %dma_start3A_137] : memref<120x128xi32, #tpu.memory_space<vmem>> -> memref<1x128xi32, #tpu.memory_space<vmem>>
        %dma_start3A_139 = tpu.memref_squeeze %dma_start3A_138 : memref<1x128xi32, #tpu.memory_space<vmem>> -> memref<128xi32, #tpu.memory_space<vmem>>
        %dma_start3A_140 = arith.constant 0 : i32
        %dma_start3A_141 = arith.constant 0 : i32
        %dma_start3A_142 = tpu.memref_slice %arg2[%dma_start3A_140, %dma_start3A_141] : memref<10240x32xf32, #tpu.memory_space<hbm>> -> memref<10240x32xf32, #tpu.memory_space<hbm>>
        tpu.enqueue_indirect_dma source(%dma_start3A_142 : memref<10240x32xf32, #tpu.memory_space<hbm>>) target(%arg14 : memref<128x32xf32, #tpu.memory_space<vmem>>) offsets(%dma_start3A_139 : memref<128xi32, #tpu.memory_space<vmem>>) semaphore(%arg18 : memref<!tpu.dma_semaphore, #tpu.memory_space<semaphore_mem>>)
      }
      %scan3A_46 = arith.constant 29 : i32
      %dma_wait3A = arith.constant 116 : i32
      %dma_wait3A_47 = arith.constant 0 : i32
      %dma_wait3A_48 = tpu.memref_slice %arg9[%dma_wait3A, %dma_wait3A_47] : memref<120x128xi32, #tpu.memory_space<vmem>> -> memref<1x128xi32, #tpu.memory_space<vmem>>
      %dma_wait3A_49 = tpu.memref_squeeze %dma_wait3A_48 : memref<1x128xi32, #tpu.memory_space<vmem>> -> memref<128xi32, #tpu.memory_space<vmem>>
      %dma_wait3A_50 = arith.constant 0 : i32
      %dma_wait3A_51 = arith.constant 0 : i32
      %dma_wait3A_52 = tpu.memref_slice %arg2[%dma_wait3A_50, %dma_wait3A_51] : memref<10240x32xf32, #tpu.memory_space<hbm>> -> memref<10240x32xf32, #tpu.memory_space<hbm>>
      tpu.wait_indirect_dma semaphore(%arg15 : memref<!tpu.dma_semaphore, #tpu.memory_space<semaphore_mem>>) src(%dma_wait3A_52 : memref<10240x32xf32, #tpu.memory_space<hbm>>) dst(%arg11 : memref<128x32xf32, #tpu.memory_space<vmem>>)
      %run_scoped3A = arith.constant 116 : i32
      "tpu.region"() ({
        %run_scoped3A_77 = tpu.sem_alloc : memref<!tpu.dma_semaphore, #tpu.memory_space<semaphore_mem>>
        %dma_start3A_78 = arith.constant 0 : i32
        %dma_start3A_79 = tpu.memref_slice %arg10[%run_scoped3A, %dma_start3A_78] : memref<120x128xi32, #tpu.memory_space<vmem>> -> memref<1x128xi32, #tpu.memory_space<vmem>>
        %dma_start3A_80 = tpu.memref_squeeze %dma_start3A_79 : memref<1x128xi32, #tpu.memory_space<vmem>> -> memref<128xi32, #tpu.memory_space<vmem>>
        %dma_start3A_81 = arith.constant 0 : i32
        %dma_start3A_82 = arith.constant 0 : i32
        %dma_start3A_83 = tpu.memref_slice %arg19[%dma_start3A_81, %dma_start3A_82] : memref<10240x32xf32, #tpu.memory_space<vmem_shared>> -> memref<10240x32xf32, #tpu.memory_space<vmem_shared>>
        tpu.enqueue_indirect_dma source(%arg11 : memref<128x32xf32, #tpu.memory_space<vmem>>) target(%dma_start3A_83 : memref<10240x32xf32, #tpu.memory_space<vmem_shared>>) offsets(%dma_start3A_80 : memref<128xi32, #tpu.memory_space<vmem>>) semaphore(%run_scoped3A_77 : memref<!tpu.dma_semaphore, #tpu.memory_space<semaphore_mem>>) {add = true}
        %dma_wait3A_84 = arith.constant 0 : i32
        %dma_wait3A_85 = tpu.memref_slice %arg10[%run_scoped3A, %dma_wait3A_84] : memref<120x128xi32, #tpu.memory_space<vmem>> -> memref<1x128xi32, #tpu.memory_space<vmem>>
        %dma_wait3A_86 = tpu.memref_squeeze %dma_wait3A_85 : memref<1x128xi32, #tpu.memory_space<vmem>> -> memref<128xi32, #tpu.memory_space<vmem>>
        %dma_wait3A_87 = arith.constant 0 : i32
        %dma_wait3A_88 = arith.constant 0 : i32
        %dma_wait3A_89 = tpu.memref_slice %arg19[%dma_wait3A_87, %dma_wait3A_88] : memref<10240x32xf32, #tpu.memory_space<vmem_shared>> -> memref<10240x32xf32, #tpu.memory_space<vmem_shared>>
        tpu.wait_indirect_dma semaphore(%run_scoped3A_77 : memref<!tpu.dma_semaphore, #tpu.memory_space<semaphore_mem>>) src(%arg11 : memref<128x32xf32, #tpu.memory_space<vmem>>) dst(%dma_wait3A_89 : memref<10240x32xf32, #tpu.memory_space<vmem_shared>>)
        tpu.yield
      }) : () -> ()
      %dma_wait3A_53 = arith.constant 117 : i32
      %dma_wait3A_54 = arith.constant 0 : i32
      %dma_wait3A_55 = tpu.memref_slice %arg9[%dma_wait3A_53, %dma_wait3A_54] : memref<120x128xi32, #tpu.memory_space<vmem>> -> memref<1x128xi32, #tpu.memory_space<vmem>>
      %dma_wait3A_56 = tpu.memref_squeeze %dma_wait3A_55 : memref<1x128xi32, #tpu.memory_space<vmem>> -> memref<128xi32, #tpu.memory_space<vmem>>
      %dma_wait3A_57 = arith.constant 0 : i32
      %dma_wait3A_58 = arith.constant 0 : i32
      %dma_wait3A_59 = tpu.memref_slice %arg2[%dma_wait3A_57, %dma_wait3A_58] : memref<10240x32xf32, #tpu.memory_space<hbm>> -> memref<10240x32xf32, #tpu.memory_space<hbm>>
      tpu.wait_indirect_dma semaphore(%arg16 : memref<!tpu.dma_semaphore, #tpu.memory_space<semaphore_mem>>) src(%dma_wait3A_59 : memref<10240x32xf32, #tpu.memory_space<hbm>>) dst(%arg12 : memref<128x32xf32, #tpu.memory_space<vmem>>)
      %run_scoped3A_60 = arith.constant 117 : i32
      "tpu.region"() ({
        %run_scoped3A_77 = tpu.sem_alloc : memref<!tpu.dma_semaphore, #tpu.memory_space<semaphore_mem>>
        %dma_start3A_78 = arith.constant 0 : i32
        %dma_start3A_79 = tpu.memref_slice %arg10[%run_scoped3A_60, %dma_start3A_78] : memref<120x128xi32, #tpu.memory_space<vmem>> -> memref<1x128xi32, #tpu.memory_space<vmem>>
        %dma_start3A_80 = tpu.memref_squeeze %dma_start3A_79 : memref<1x128xi32, #tpu.memory_space<vmem>> -> memref<128xi32, #tpu.memory_space<vmem>>
        %dma_start3A_81 = arith.constant 0 : i32
        %dma_start3A_82 = arith.constant 0 : i32
        %dma_start3A_83 = tpu.memref_slice %arg19[%dma_start3A_81, %dma_start3A_82] : memref<10240x32xf32, #tpu.memory_space<vmem_shared>> -> memref<10240x32xf32, #tpu.memory_space<vmem_shared>>
        tpu.enqueue_indirect_dma source(%arg12 : memref<128x32xf32, #tpu.memory_space<vmem>>) target(%dma_start3A_83 : memref<10240x32xf32, #tpu.memory_space<vmem_shared>>) offsets(%dma_start3A_80 : memref<128xi32, #tpu.memory_space<vmem>>) semaphore(%run_scoped3A_77 : memref<!tpu.dma_semaphore, #tpu.memory_space<semaphore_mem>>) {add = true}
        %dma_wait3A_84 = arith.constant 0 : i32
        %dma_wait3A_85 = tpu.memref_slice %arg10[%run_scoped3A_60, %dma_wait3A_84] : memref<120x128xi32, #tpu.memory_space<vmem>> -> memref<1x128xi32, #tpu.memory_space<vmem>>
        %dma_wait3A_86 = tpu.memref_squeeze %dma_wait3A_85 : memref<1x128xi32, #tpu.memory_space<vmem>> -> memref<128xi32, #tpu.memory_space<vmem>>
        %dma_wait3A_87 = arith.constant 0 : i32
        %dma_wait3A_88 = arith.constant 0 : i32
        %dma_wait3A_89 = tpu.memref_slice %arg19[%dma_wait3A_87, %dma_wait3A_88] : memref<10240x32xf32, #tpu.memory_space<vmem_shared>> -> memref<10240x32xf32, #tpu.memory_space<vmem_shared>>
        tpu.wait_indirect_dma semaphore(%run_scoped3A_77 : memref<!tpu.dma_semaphore, #tpu.memory_space<semaphore_mem>>) src(%arg12 : memref<128x32xf32, #tpu.memory_space<vmem>>) dst(%dma_wait3A_89 : memref<10240x32xf32, #tpu.memory_space<vmem_shared>>)
        tpu.yield
      }) : () -> ()
      %dma_wait3A_61 = arith.constant 118 : i32
      %dma_wait3A_62 = arith.constant 0 : i32
      %dma_wait3A_63 = tpu.memref_slice %arg9[%dma_wait3A_61, %dma_wait3A_62] : memref<120x128xi32, #tpu.memory_space<vmem>> -> memref<1x128xi32, #tpu.memory_space<vmem>>
      %dma_wait3A_64 = tpu.memref_squeeze %dma_wait3A_63 : memref<1x128xi32, #tpu.memory_space<vmem>> -> memref<128xi32, #tpu.memory_space<vmem>>
      %dma_wait3A_65 = arith.constant 0 : i32
      %dma_wait3A_66 = arith.constant 0 : i32
      %dma_wait3A_67 = tpu.memref_slice %arg2[%dma_wait3A_65, %dma_wait3A_66] : memref<10240x32xf32, #tpu.memory_space<hbm>> -> memref<10240x32xf32, #tpu.memory_space<hbm>>
      tpu.wait_indirect_dma semaphore(%arg17 : memref<!tpu.dma_semaphore, #tpu.memory_space<semaphore_mem>>) src(%dma_wait3A_67 : memref<10240x32xf32, #tpu.memory_space<hbm>>) dst(%arg13 : memref<128x32xf32, #tpu.memory_space<vmem>>)
      %run_scoped3A_68 = arith.constant 118 : i32
      "tpu.region"() ({
        %run_scoped3A_77 = tpu.sem_alloc : memref<!tpu.dma_semaphore, #tpu.memory_space<semaphore_mem>>
        %dma_start3A_78 = arith.constant 0 : i32
        %dma_start3A_79 = tpu.memref_slice %arg10[%run_scoped3A_68, %dma_start3A_78] : memref<120x128xi32, #tpu.memory_space<vmem>> -> memref<1x128xi32, #tpu.memory_space<vmem>>
        %dma_start3A_80 = tpu.memref_squeeze %dma_start3A_79 : memref<1x128xi32, #tpu.memory_space<vmem>> -> memref<128xi32, #tpu.memory_space<vmem>>
        %dma_start3A_81 = arith.constant 0 : i32
        %dma_start3A_82 = arith.constant 0 : i32
        %dma_start3A_83 = tpu.memref_slice %arg19[%dma_start3A_81, %dma_start3A_82] : memref<10240x32xf32, #tpu.memory_space<vmem_shared>> -> memref<10240x32xf32, #tpu.memory_space<vmem_shared>>
        tpu.enqueue_indirect_dma source(%arg13 : memref<128x32xf32, #tpu.memory_space<vmem>>) target(%dma_start3A_83 : memref<10240x32xf32, #tpu.memory_space<vmem_shared>>) offsets(%dma_start3A_80 : memref<128xi32, #tpu.memory_space<vmem>>) semaphore(%run_scoped3A_77 : memref<!tpu.dma_semaphore, #tpu.memory_space<semaphore_mem>>) {add = true}
        %dma_wait3A_84 = arith.constant 0 : i32
        %dma_wait3A_85 = tpu.memref_slice %arg10[%run_scoped3A_68, %dma_wait3A_84] : memref<120x128xi32, #tpu.memory_space<vmem>> -> memref<1x128xi32, #tpu.memory_space<vmem>>
        %dma_wait3A_86 = tpu.memref_squeeze %dma_wait3A_85 : memref<1x128xi32, #tpu.memory_space<vmem>> -> memref<128xi32, #tpu.memory_space<vmem>>
        %dma_wait3A_87 = arith.constant 0 : i32
        %dma_wait3A_88 = arith.constant 0 : i32
        %dma_wait3A_89 = tpu.memref_slice %arg19[%dma_wait3A_87, %dma_wait3A_88] : memref<10240x32xf32, #tpu.memory_space<vmem_shared>> -> memref<10240x32xf32, #tpu.memory_space<vmem_shared>>
        tpu.wait_indirect_dma semaphore(%run_scoped3A_77 : memref<!tpu.dma_semaphore, #tpu.memory_space<semaphore_mem>>) src(%arg13 : memref<128x32xf32, #tpu.memory_space<vmem>>) dst(%dma_wait3A_89 : memref<10240x32xf32, #tpu.memory_space<vmem_shared>>)
        tpu.yield
      }) : () -> ()
      %dma_wait3A_69 = arith.constant 119 : i32
      %dma_wait3A_70 = arith.constant 0 : i32
      %dma_wait3A_71 = tpu.memref_slice %arg9[%dma_wait3A_69, %dma_wait3A_70] : memref<120x128xi32, #tpu.memory_space<vmem>> -> memref<1x128xi32, #tpu.memory_space<vmem>>
      %dma_wait3A_72 = tpu.memref_squeeze %dma_wait3A_71 : memref<1x128xi32, #tpu.memory_space<vmem>> -> memref<128xi32, #tpu.memory_space<vmem>>
      %dma_wait3A_73 = arith.constant 0 : i32
      %dma_wait3A_74 = arith.constant 0 : i32
      %dma_wait3A_75 = tpu.memref_slice %arg2[%dma_wait3A_73, %dma_wait3A_74] : memref<10240x32xf32, #tpu.memory_space<hbm>> -> memref<10240x32xf32, #tpu.memory_space<hbm>>
      tpu.wait_indirect_dma semaphore(%arg18 : memref<!tpu.dma_semaphore, #tpu.memory_space<semaphore_mem>>) src(%dma_wait3A_75 : memref<10240x32xf32, #tpu.memory_space<hbm>>) dst(%arg14 : memref<128x32xf32, #tpu.memory_space<vmem>>)
      %run_scoped3A_76 = arith.constant 119 : i32
      "tpu.region"() ({
        %run_scoped3A_77 = tpu.sem_alloc : memref<!tpu.dma_semaphore, #tpu.memory_space<semaphore_mem>>
        %dma_start3A_78 = arith.constant 0 : i32
        %dma_start3A_79 = tpu.memref_slice %arg10[%run_scoped3A_76, %dma_start3A_78] : memref<120x128xi32, #tpu.memory_space<vmem>> -> memref<1x128xi32, #tpu.memory_space<vmem>>
        %dma_start3A_80 = tpu.memref_squeeze %dma_start3A_79 : memref<1x128xi32, #tpu.memory_space<vmem>> -> memref<128xi32, #tpu.memory_space<vmem>>
        %dma_start3A_81 = arith.constant 0 : i32
        %dma_start3A_82 = arith.constant 0 : i32
        %dma_start3A_83 = tpu.memref_slice %arg19[%dma_start3A_81, %dma_start3A_82] : memref<10240x32xf32, #tpu.memory_space<vmem_shared>> -> memref<10240x32xf32, #tpu.memory_space<vmem_shared>>
        tpu.enqueue_indirect_dma source(%arg14 : memref<128x32xf32, #tpu.memory_space<vmem>>) target(%dma_start3A_83 : memref<10240x32xf32, #tpu.memory_space<vmem_shared>>) offsets(%dma_start3A_80 : memref<128xi32, #tpu.memory_space<vmem>>) semaphore(%run_scoped3A_77 : memref<!tpu.dma_semaphore, #tpu.memory_space<semaphore_mem>>) {add = true}
        %dma_wait3A_84 = arith.constant 0 : i32
        %dma_wait3A_85 = tpu.memref_slice %arg10[%run_scoped3A_76, %dma_wait3A_84] : memref<120x128xi32, #tpu.memory_space<vmem>> -> memref<1x128xi32, #tpu.memory_space<vmem>>
        %dma_wait3A_86 = tpu.memref_squeeze %dma_wait3A_85 : memref<1x128xi32, #tpu.memory_space<vmem>> -> memref<128xi32, #tpu.memory_space<vmem>>
        %dma_wait3A_87 = arith.constant 0 : i32
        %dma_wait3A_88 = arith.constant 0 : i32
        %dma_wait3A_89 = tpu.memref_slice %arg19[%dma_wait3A_87, %dma_wait3A_88] : memref<10240x32xf32, #tpu.memory_space<vmem_shared>> -> memref<10240x32xf32, #tpu.memory_space<vmem_shared>>
        tpu.wait_indirect_dma semaphore(%run_scoped3A_77 : memref<!tpu.dma_semaphore, #tpu.memory_space<semaphore_mem>>) src(%arg14 : memref<128x32xf32, #tpu.memory_space<vmem>>) dst(%dma_wait3A_89 : memref<10240x32xf32, #tpu.memory_space<vmem_shared>>)
        tpu.yield
      }) : () -> ()
    } else {
    }
    %eq3A_5 = arith.constant 1 : i32
    %eq3A_6 = arith.cmpi eq, %arg0, %eq3A_5 : i32
    %convert_element_type3A_7 = arith.extui %eq3A_6 : i1 to i32
    %cond3A_8 = arith.constant 0 : i32
    %cond3A_9 = arith.cmpi ne, %convert_element_type3A_7, %cond3A_8 : i32
    scf.if %cond3A_9 {
      "tpu.region"() ({
        %run_scoped3A_77 = tpu.sem_alloc : memref<!tpu.dma_semaphore, #tpu.memory_space<semaphore_mem>>
        %dma_start3A_78 = arith.constant 0 : i32
        %dma_start3A_79 = arith.constant 0 : i32
        %dma_start3A_80 = tpu.memref_slice %arg9[%dma_start3A_78, %dma_start3A_79] : memref<120x128xi32, #tpu.memory_space<vmem>> -> memref<40x128xi32, #tpu.memory_space<vmem>>
        %dma_start3A_81 = arith.constant 0 : i32
        %dma_start3A_82 = arith.constant 0 : i32
        %dma_start3A_83 = tpu.memref_slice %arg5[%arg1, %dma_start3A_81, %dma_start3A_82] : memref<16x40x128xi32, #tpu.memory_space<hbm>> -> memref<1x40x128xi32, #tpu.memory_space<hbm>>
        %dma_start3A_84 = tpu.memref_squeeze %dma_start3A_83 : memref<1x40x128xi32, #tpu.memory_space<hbm>> -> memref<40x128xi32, #tpu.memory_space<hbm>>
        %dma_start3A_85 = arith.constant 0 : i32
        %dma_start3A_86 = arith.constant 0 : i32
        %dma_start3A_87 = tpu.memref_slice %arg9[%dma_start3A_85, %dma_start3A_86] : memref<120x128xi32, #tpu.memory_space<vmem>> -> memref<40x128xi32, #tpu.memory_space<vmem>>
        %dma_start3A_88 = arith.constant 0 : i32
        %dma_start3A_89 = arith.constant 0 : i32
        %dma_start3A_90 = tpu.memref_slice %arg5[%arg1, %dma_start3A_88, %dma_start3A_89] : memref<16x40x128xi32, #tpu.memory_space<hbm>> -> memref<1x40x128xi32, #tpu.memory_space<hbm>>
        %dma_start3A_91 = tpu.memref_squeeze %dma_start3A_90 : memref<1x40x128xi32, #tpu.memory_space<hbm>> -> memref<40x128xi32, #tpu.memory_space<hbm>>
        tpu.enqueue_dma source(%dma_start3A_91 : memref<40x128xi32, #tpu.memory_space<hbm>>) target(%dma_start3A_87 : memref<40x128xi32, #tpu.memory_space<vmem>>) target_semaphore(%run_scoped3A_77 : memref<!tpu.dma_semaphore, #tpu.memory_space<semaphore_mem>>)
        %dma_wait3A_92 = arith.constant 0 : i32
        %dma_wait3A_93 = arith.constant 0 : i32
        %dma_wait3A_94 = tpu.memref_slice %arg9[%dma_wait3A_92, %dma_wait3A_93] : memref<120x128xi32, #tpu.memory_space<vmem>> -> memref<40x128xi32, #tpu.memory_space<vmem>>
        %dma_wait3A_95 = arith.constant 0 : i32
        %dma_wait3A_96 = arith.constant 0 : i32
        %dma_wait3A_97 = tpu.memref_slice %arg5[%arg1, %dma_wait3A_95, %dma_wait3A_96] : memref<16x40x128xi32, #tpu.memory_space<hbm>> -> memref<1x40x128xi32, #tpu.memory_space<hbm>>
        %dma_wait3A_98 = tpu.memref_squeeze %dma_wait3A_97 : memref<1x40x128xi32, #tpu.memory_space<hbm>> -> memref<40x128xi32, #tpu.memory_space<hbm>>
        %dma_wait3A_99 = arith.constant 0 : i32
        %dma_wait3A_100 = arith.constant 0 : i32
        %dma_wait3A_101 = tpu.memref_slice %arg9[%dma_wait3A_99, %dma_wait3A_100] : memref<120x128xi32, #tpu.memory_space<vmem>> -> memref<40x128xi32, #tpu.memory_space<vmem>>
        %dma_wait3A_102 = arith.constant 0 : i32
        %dma_wait3A_103 = arith.constant 0 : i32
        %dma_wait3A_104 = tpu.memref_slice %arg5[%arg1, %dma_wait3A_102, %dma_wait3A_103] : memref<16x40x128xi32, #tpu.memory_space<hbm>> -> memref<1x40x128xi32, #tpu.memory_space<hbm>>
        %dma_wait3A_105 = tpu.memref_squeeze %dma_wait3A_104 : memref<1x40x128xi32, #tpu.memory_space<hbm>> -> memref<40x128xi32, #tpu.memory_space<hbm>>
        tpu.wait_dma2 semaphore(%run_scoped3A_77 : memref<!tpu.dma_semaphore, #tpu.memory_space<semaphore_mem>>) src(%dma_wait3A_105 : memref<40x128xi32, #tpu.memory_space<hbm>>) dst(%dma_wait3A_101 : memref<40x128xi32, #tpu.memory_space<vmem>>)
        tpu.yield
      }) : () -> ()
      "tpu.region"() ({
        %run_scoped3A_77 = tpu.sem_alloc : memref<!tpu.dma_semaphore, #tpu.memory_space<semaphore_mem>>
        %dma_start3A_78 = arith.constant 0 : i32
        %dma_start3A_79 = arith.constant 0 : i32
        %dma_start3A_80 = tpu.memref_slice %arg10[%dma_start3A_78, %dma_start3A_79] : memref<120x128xi32, #tpu.memory_space<vmem>> -> memref<40x128xi32, #tpu.memory_space<vmem>>
        %dma_start3A_81 = arith.constant 0 : i32
        %dma_start3A_82 = arith.constant 0 : i32
        %dma_start3A_83 = tpu.memref_slice %arg6[%arg1, %dma_start3A_81, %dma_start3A_82] : memref<16x40x128xi32, #tpu.memory_space<hbm>> -> memref<1x40x128xi32, #tpu.memory_space<hbm>>
        %dma_start3A_84 = tpu.memref_squeeze %dma_start3A_83 : memref<1x40x128xi32, #tpu.memory_space<hbm>> -> memref<40x128xi32, #tpu.memory_space<hbm>>
        %dma_start3A_85 = arith.constant 0 : i32
        %dma_start3A_86 = arith.constant 0 : i32
        %dma_start3A_87 = tpu.memref_slice %arg10[%dma_start3A_85, %dma_start3A_86] : memref<120x128xi32, #tpu.memory_space<vmem>> -> memref<40x128xi32, #tpu.memory_space<vmem>>
        %dma_start3A_88 = arith.constant 0 : i32
        %dma_start3A_89 = arith.constant 0 : i32
        %dma_start3A_90 = tpu.memref_slice %arg6[%arg1, %dma_start3A_88, %dma_start3A_89] : memref<16x40x128xi32, #tpu.memory_space<hbm>> -> memref<1x40x128xi32, #tpu.memory_space<hbm>>
        %dma_start3A_91 = tpu.memref_squeeze %dma_start3A_90 : memref<1x40x128xi32, #tpu.memory_space<hbm>> -> memref<40x128xi32, #tpu.memory_space<hbm>>
        tpu.enqueue_dma source(%dma_start3A_91 : memref<40x128xi32, #tpu.memory_space<hbm>>) target(%dma_start3A_87 : memref<40x128xi32, #tpu.memory_space<vmem>>) target_semaphore(%run_scoped3A_77 : memref<!tpu.dma_semaphore, #tpu.memory_space<semaphore_mem>>)
        %dma_wait3A_92 = arith.constant 0 : i32
        %dma_wait3A_93 = arith.constant 0 : i32
        %dma_wait3A_94 = tpu.memref_slice %arg10[%dma_wait3A_92, %dma_wait3A_93] : memref<120x128xi32, #tpu.memory_space<vmem>> -> memref<40x128xi32, #tpu.memory_space<vmem>>
        %dma_wait3A_95 = arith.constant 0 : i32
        %dma_wait3A_96 = arith.constant 0 : i32
        %dma_wait3A_97 = tpu.memref_slice %arg6[%arg1, %dma_wait3A_95, %dma_wait3A_96] : memref<16x40x128xi32, #tpu.memory_space<hbm>> -> memref<1x40x128xi32, #tpu.memory_space<hbm>>
        %dma_wait3A_98 = tpu.memref_squeeze %dma_wait3A_97 : memref<1x40x128xi32, #tpu.memory_space<hbm>> -> memref<40x128xi32, #tpu.memory_space<hbm>>
        %dma_wait3A_99 = arith.constant 0 : i32
        %dma_wait3A_100 = arith.constant 0 : i32
        %dma_wait3A_101 = tpu.memref_slice %arg10[%dma_wait3A_99, %dma_wait3A_100] : memref<120x128xi32, #tpu.memory_space<vmem>> -> memref<40x128xi32, #tpu.memory_space<vmem>>
        %dma_wait3A_102 = arith.constant 0 : i32
        %dma_wait3A_103 = arith.constant 0 : i32
        %dma_wait3A_104 = tpu.memref_slice %arg6[%arg1, %dma_wait3A_102, %dma_wait3A_103] : memref<16x40x128xi32, #tpu.memory_space<hbm>> -> memref<1x40x128xi32, #tpu.memory_space<hbm>>
        %dma_wait3A_105 = tpu.memref_squeeze %dma_wait3A_104 : memref<1x40x128xi32, #tpu.memory_space<hbm>> -> memref<40x128xi32, #tpu.memory_space<hbm>>
        tpu.wait_dma2 semaphore(%run_scoped3A_77 : memref<!tpu.dma_semaphore, #tpu.memory_space<semaphore_mem>>) src(%dma_wait3A_105 : memref<40x128xi32, #tpu.memory_space<hbm>>) dst(%dma_wait3A_101 : memref<40x128xi32, #tpu.memory_space<vmem>>)
        tpu.yield
      }) : () -> ()
      %barrier3A_14 = arith.constant 0 : index
      tpu.barrier barrier_id(%barrier3A_14)
      %dma_start3A = arith.constant 0 : i32
      %dma_start3A_15 = arith.constant 0 : i32
      %dma_start3A_16 = tpu.memref_slice %arg9[%dma_start3A, %dma_start3A_15] : memref<120x128xi32, #tpu.memory_space<vmem>> -> memref<1x128xi32, #tpu.memory_space<vmem>>
      %dma_start3A_17 = tpu.memref_squeeze %dma_start3A_16 : memref<1x128xi32, #tpu.memory_space<vmem>> -> memref<128xi32, #tpu.memory_space<vmem>>
      %dma_start3A_18 = arith.constant 0 : i32
      %dma_start3A_19 = arith.constant 0 : i32
      %dma_start3A_20 = tpu.memref_slice %arg2[%dma_start3A_18, %dma_start3A_19] : memref<10240x32xf32, #tpu.memory_space<hbm>> -> memref<10240x32xf32, #tpu.memory_space<hbm>>
      tpu.enqueue_indirect_dma source(%dma_start3A_20 : memref<10240x32xf32, #tpu.memory_space<hbm>>) target(%arg11 : memref<128x32xf32, #tpu.memory_space<vmem>>) offsets(%dma_start3A_17 : memref<128xi32, #tpu.memory_space<vmem>>) semaphore(%arg15 : memref<!tpu.dma_semaphore, #tpu.memory_space<semaphore_mem>>)
      %dma_start3A_21 = arith.constant 1 : i32
      %dma_start3A_22 = arith.constant 0 : i32
      %dma_start3A_23 = tpu.memref_slice %arg9[%dma_start3A_21, %dma_start3A_22] : memref<120x128xi32, #tpu.memory_space<vmem>> -> memref<1x128xi32, #tpu.memory_space<vmem>>
      %dma_start3A_24 = tpu.memref_squeeze %dma_start3A_23 : memref<1x128xi32, #tpu.memory_space<vmem>> -> memref<128xi32, #tpu.memory_space<vmem>>
      %dma_start3A_25 = arith.constant 0 : i32
      %dma_start3A_26 = arith.constant 0 : i32
      %dma_start3A_27 = tpu.memref_slice %arg2[%dma_start3A_25, %dma_start3A_26] : memref<10240x32xf32, #tpu.memory_space<hbm>> -> memref<10240x32xf32, #tpu.memory_space<hbm>>
      tpu.enqueue_indirect_dma source(%dma_start3A_27 : memref<10240x32xf32, #tpu.memory_space<hbm>>) target(%arg12 : memref<128x32xf32, #tpu.memory_space<vmem>>) offsets(%dma_start3A_24 : memref<128xi32, #tpu.memory_space<vmem>>) semaphore(%arg16 : memref<!tpu.dma_semaphore, #tpu.memory_space<semaphore_mem>>)
      %dma_start3A_28 = arith.constant 2 : i32
      %dma_start3A_29 = arith.constant 0 : i32
      %dma_start3A_30 = tpu.memref_slice %arg9[%dma_start3A_28, %dma_start3A_29] : memref<120x128xi32, #tpu.memory_space<vmem>> -> memref<1x128xi32, #tpu.memory_space<vmem>>
      %dma_start3A_31 = tpu.memref_squeeze %dma_start3A_30 : memref<1x128xi32, #tpu.memory_space<vmem>> -> memref<128xi32, #tpu.memory_space<vmem>>
      %dma_start3A_32 = arith.constant 0 : i32
      %dma_start3A_33 = arith.constant 0 : i32
      %dma_start3A_34 = tpu.memref_slice %arg2[%dma_start3A_32, %dma_start3A_33] : memref<10240x32xf32, #tpu.memory_space<hbm>> -> memref<10240x32xf32, #tpu.memory_space<hbm>>
      tpu.enqueue_indirect_dma source(%dma_start3A_34 : memref<10240x32xf32, #tpu.memory_space<hbm>>) target(%arg13 : memref<128x32xf32, #tpu.memory_space<vmem>>) offsets(%dma_start3A_31 : memref<128xi32, #tpu.memory_space<vmem>>) semaphore(%arg17 : memref<!tpu.dma_semaphore, #tpu.memory_space<semaphore_mem>>)
      %dma_start3A_35 = arith.constant 3 : i32
      %dma_start3A_36 = arith.constant 0 : i32
      %dma_start3A_37 = tpu.memref_slice %arg9[%dma_start3A_35, %dma_start3A_36] : memref<120x128xi32, #tpu.memory_space<vmem>> -> memref<1x128xi32, #tpu.memory_space<vmem>>
      %dma_start3A_38 = tpu.memref_squeeze %dma_start3A_37 : memref<1x128xi32, #tpu.memory_space<vmem>> -> memref<128xi32, #tpu.memory_space<vmem>>
      %dma_start3A_39 = arith.constant 0 : i32
      %dma_start3A_40 = arith.constant 0 : i32
      %dma_start3A_41 = tpu.memref_slice %arg2[%dma_start3A_39, %dma_start3A_40] : memref<10240x32xf32, #tpu.memory_space<hbm>> -> memref<10240x32xf32, #tpu.memory_space<hbm>>
      tpu.enqueue_indirect_dma source(%dma_start3A_41 : memref<10240x32xf32, #tpu.memory_space<hbm>>) target(%arg14 : memref<128x32xf32, #tpu.memory_space<vmem>>) offsets(%dma_start3A_38 : memref<128xi32, #tpu.memory_space<vmem>>) semaphore(%arg18 : memref<!tpu.dma_semaphore, #tpu.memory_space<semaphore_mem>>)
      %scan3A = arith.constant 0 : i32
      %scan3A_42 = arith.constant 0 : i32
      %scan3A_43 = arith.constant 9 : i32
      %scan3A_44 = arith.addi %scan3A_42, %scan3A_43 : i32
      %scan3A_45 = arith.constant 1 : i32
      scf.for %scan3A_77 = %scan3A_42 to %scan3A_44 step %scan3A_45  : i32 {
        %mul3A_78 = arith.constant 4 : i32
        %mul3A_79 = arith.muli %scan3A_77, %mul3A_78 : i32
        %add3A = arith.constant 0 : i32
        %add3A_80 = arith.addi %mul3A_79, %add3A : i32
        %dma_wait3A_81 = arith.constant 0 : i32
        %dma_wait3A_82 = tpu.memref_slice %arg9[%add3A_80, %dma_wait3A_81] : memref<120x128xi32, #tpu.memory_space<vmem>> -> memref<1x128xi32, #tpu.memory_space<vmem>>
        %dma_wait3A_83 = tpu.memref_squeeze %dma_wait3A_82 : memref<1x128xi32, #tpu.memory_space<vmem>> -> memref<128xi32, #tpu.memory_space<vmem>>
        %dma_wait3A_84 = arith.constant 0 : i32
        %dma_wait3A_85 = arith.constant 0 : i32
        %dma_wait3A_86 = tpu.memref_slice %arg2[%dma_wait3A_84, %dma_wait3A_85] : memref<10240x32xf32, #tpu.memory_space<hbm>> -> memref<10240x32xf32, #tpu.memory_space<hbm>>
        tpu.wait_indirect_dma semaphore(%arg15 : memref<!tpu.dma_semaphore, #tpu.memory_space<semaphore_mem>>) src(%dma_wait3A_86 : memref<10240x32xf32, #tpu.memory_space<hbm>>) dst(%arg11 : memref<128x32xf32, #tpu.memory_space<vmem>>)
        "tpu.region"() ({
          %run_scoped3A_143 = tpu.sem_alloc : memref<!tpu.dma_semaphore, #tpu.memory_space<semaphore_mem>>
          %dma_start3A_144 = arith.constant 0 : i32
          %dma_start3A_145 = tpu.memref_slice %arg10[%add3A_80, %dma_start3A_144] : memref<120x128xi32, #tpu.memory_space<vmem>> -> memref<1x128xi32, #tpu.memory_space<vmem>>
          %dma_start3A_146 = tpu.memref_squeeze %dma_start3A_145 : memref<1x128xi32, #tpu.memory_space<vmem>> -> memref<128xi32, #tpu.memory_space<vmem>>
          %dma_start3A_147 = arith.constant 0 : i32
          %dma_start3A_148 = arith.constant 0 : i32
          %dma_start3A_149 = tpu.memref_slice %arg19[%dma_start3A_147, %dma_start3A_148] : memref<10240x32xf32, #tpu.memory_space<vmem_shared>> -> memref<10240x32xf32, #tpu.memory_space<vmem_shared>>
          tpu.enqueue_indirect_dma source(%arg11 : memref<128x32xf32, #tpu.memory_space<vmem>>) target(%dma_start3A_149 : memref<10240x32xf32, #tpu.memory_space<vmem_shared>>) offsets(%dma_start3A_146 : memref<128xi32, #tpu.memory_space<vmem>>) semaphore(%run_scoped3A_143 : memref<!tpu.dma_semaphore, #tpu.memory_space<semaphore_mem>>) {add = true}
          %dma_wait3A_150 = arith.constant 0 : i32
          %dma_wait3A_151 = tpu.memref_slice %arg10[%add3A_80, %dma_wait3A_150] : memref<120x128xi32, #tpu.memory_space<vmem>> -> memref<1x128xi32, #tpu.memory_space<vmem>>
          %dma_wait3A_152 = tpu.memref_squeeze %dma_wait3A_151 : memref<1x128xi32, #tpu.memory_space<vmem>> -> memref<128xi32, #tpu.memory_space<vmem>>
          %dma_wait3A_153 = arith.constant 0 : i32
          %dma_wait3A_154 = arith.constant 0 : i32
          %dma_wait3A_155 = tpu.memref_slice %arg19[%dma_wait3A_153, %dma_wait3A_154] : memref<10240x32xf32, #tpu.memory_space<vmem_shared>> -> memref<10240x32xf32, #tpu.memory_space<vmem_shared>>
          tpu.wait_indirect_dma semaphore(%run_scoped3A_143 : memref<!tpu.dma_semaphore, #tpu.memory_space<semaphore_mem>>) src(%arg11 : memref<128x32xf32, #tpu.memory_space<vmem>>) dst(%dma_wait3A_155 : memref<10240x32xf32, #tpu.memory_space<vmem_shared>>)
          tpu.yield
        }) : () -> ()
        %add3A_87 = arith.constant 4 : i32
        %add3A_88 = arith.addi %add3A_80, %add3A_87 : i32
        %dma_start3A_89 = arith.constant 0 : i32
        %dma_start3A_90 = tpu.memref_slice %arg9[%add3A_88, %dma_start3A_89] : memref<120x128xi32, #tpu.memory_space<vmem>> -> memref<1x128xi32, #tpu.memory_space<vmem>>
        %dma_start3A_91 = tpu.memref_squeeze %dma_start3A_90 : memref<1x128xi32, #tpu.memory_space<vmem>> -> memref<128xi32, #tpu.memory_space<vmem>>
        %dma_start3A_92 = arith.constant 0 : i32
        %dma_start3A_93 = arith.constant 0 : i32
        %dma_start3A_94 = tpu.memref_slice %arg2[%dma_start3A_92, %dma_start3A_93] : memref<10240x32xf32, #tpu.memory_space<hbm>> -> memref<10240x32xf32, #tpu.memory_space<hbm>>
        tpu.enqueue_indirect_dma source(%dma_start3A_94 : memref<10240x32xf32, #tpu.memory_space<hbm>>) target(%arg11 : memref<128x32xf32, #tpu.memory_space<vmem>>) offsets(%dma_start3A_91 : memref<128xi32, #tpu.memory_space<vmem>>) semaphore(%arg15 : memref<!tpu.dma_semaphore, #tpu.memory_space<semaphore_mem>>)
        %add3A_95 = arith.constant 1 : i32
        %add3A_96 = arith.addi %mul3A_79, %add3A_95 : i32
        %dma_wait3A_97 = arith.constant 0 : i32
        %dma_wait3A_98 = tpu.memref_slice %arg9[%add3A_96, %dma_wait3A_97] : memref<120x128xi32, #tpu.memory_space<vmem>> -> memref<1x128xi32, #tpu.memory_space<vmem>>
        %dma_wait3A_99 = tpu.memref_squeeze %dma_wait3A_98 : memref<1x128xi32, #tpu.memory_space<vmem>> -> memref<128xi32, #tpu.memory_space<vmem>>
        %dma_wait3A_100 = arith.constant 0 : i32
        %dma_wait3A_101 = arith.constant 0 : i32
        %dma_wait3A_102 = tpu.memref_slice %arg2[%dma_wait3A_100, %dma_wait3A_101] : memref<10240x32xf32, #tpu.memory_space<hbm>> -> memref<10240x32xf32, #tpu.memory_space<hbm>>
        tpu.wait_indirect_dma semaphore(%arg16 : memref<!tpu.dma_semaphore, #tpu.memory_space<semaphore_mem>>) src(%dma_wait3A_102 : memref<10240x32xf32, #tpu.memory_space<hbm>>) dst(%arg12 : memref<128x32xf32, #tpu.memory_space<vmem>>)
        "tpu.region"() ({
          %run_scoped3A_143 = tpu.sem_alloc : memref<!tpu.dma_semaphore, #tpu.memory_space<semaphore_mem>>
          %dma_start3A_144 = arith.constant 0 : i32
          %dma_start3A_145 = tpu.memref_slice %arg10[%add3A_96, %dma_start3A_144] : memref<120x128xi32, #tpu.memory_space<vmem>> -> memref<1x128xi32, #tpu.memory_space<vmem>>
          %dma_start3A_146 = tpu.memref_squeeze %dma_start3A_145 : memref<1x128xi32, #tpu.memory_space<vmem>> -> memref<128xi32, #tpu.memory_space<vmem>>
          %dma_start3A_147 = arith.constant 0 : i32
          %dma_start3A_148 = arith.constant 0 : i32
          %dma_start3A_149 = tpu.memref_slice %arg19[%dma_start3A_147, %dma_start3A_148] : memref<10240x32xf32, #tpu.memory_space<vmem_shared>> -> memref<10240x32xf32, #tpu.memory_space<vmem_shared>>
          tpu.enqueue_indirect_dma source(%arg12 : memref<128x32xf32, #tpu.memory_space<vmem>>) target(%dma_start3A_149 : memref<10240x32xf32, #tpu.memory_space<vmem_shared>>) offsets(%dma_start3A_146 : memref<128xi32, #tpu.memory_space<vmem>>) semaphore(%run_scoped3A_143 : memref<!tpu.dma_semaphore, #tpu.memory_space<semaphore_mem>>) {add = true}
          %dma_wait3A_150 = arith.constant 0 : i32
          %dma_wait3A_151 = tpu.memref_slice %arg10[%add3A_96, %dma_wait3A_150] : memref<120x128xi32, #tpu.memory_space<vmem>> -> memref<1x128xi32, #tpu.memory_space<vmem>>
          %dma_wait3A_152 = tpu.memref_squeeze %dma_wait3A_151 : memref<1x128xi32, #tpu.memory_space<vmem>> -> memref<128xi32, #tpu.memory_space<vmem>>
          %dma_wait3A_153 = arith.constant 0 : i32
          %dma_wait3A_154 = arith.constant 0 : i32
          %dma_wait3A_155 = tpu.memref_slice %arg19[%dma_wait3A_153, %dma_wait3A_154] : memref<10240x32xf32, #tpu.memory_space<vmem_shared>> -> memref<10240x32xf32, #tpu.memory_space<vmem_shared>>
          tpu.wait_indirect_dma semaphore(%run_scoped3A_143 : memref<!tpu.dma_semaphore, #tpu.memory_space<semaphore_mem>>) src(%arg12 : memref<128x32xf32, #tpu.memory_space<vmem>>) dst(%dma_wait3A_155 : memref<10240x32xf32, #tpu.memory_space<vmem_shared>>)
          tpu.yield
        }) : () -> ()
        %add3A_103 = arith.constant 4 : i32
        %add3A_104 = arith.addi %add3A_96, %add3A_103 : i32
        %dma_start3A_105 = arith.constant 0 : i32
        %dma_start3A_106 = tpu.memref_slice %arg9[%add3A_104, %dma_start3A_105] : memref<120x128xi32, #tpu.memory_space<vmem>> -> memref<1x128xi32, #tpu.memory_space<vmem>>
        %dma_start3A_107 = tpu.memref_squeeze %dma_start3A_106 : memref<1x128xi32, #tpu.memory_space<vmem>> -> memref<128xi32, #tpu.memory_space<vmem>>
        %dma_start3A_108 = arith.constant 0 : i32
        %dma_start3A_109 = arith.constant 0 : i32
        %dma_start3A_110 = tpu.memref_slice %arg2[%dma_start3A_108, %dma_start3A_109] : memref<10240x32xf32, #tpu.memory_space<hbm>> -> memref<10240x32xf32, #tpu.memory_space<hbm>>
        tpu.enqueue_indirect_dma source(%dma_start3A_110 : memref<10240x32xf32, #tpu.memory_space<hbm>>) target(%arg12 : memref<128x32xf32, #tpu.memory_space<vmem>>) offsets(%dma_start3A_107 : memref<128xi32, #tpu.memory_space<vmem>>) semaphore(%arg16 : memref<!tpu.dma_semaphore, #tpu.memory_space<semaphore_mem>>)
        %add3A_111 = arith.constant 2 : i32
        %add3A_112 = arith.addi %mul3A_79, %add3A_111 : i32
        %dma_wait3A_113 = arith.constant 0 : i32
        %dma_wait3A_114 = tpu.memref_slice %arg9[%add3A_112, %dma_wait3A_113] : memref<120x128xi32, #tpu.memory_space<vmem>> -> memref<1x128xi32, #tpu.memory_space<vmem>>
        %dma_wait3A_115 = tpu.memref_squeeze %dma_wait3A_114 : memref<1x128xi32, #tpu.memory_space<vmem>> -> memref<128xi32, #tpu.memory_space<vmem>>
        %dma_wait3A_116 = arith.constant 0 : i32
        %dma_wait3A_117 = arith.constant 0 : i32
        %dma_wait3A_118 = tpu.memref_slice %arg2[%dma_wait3A_116, %dma_wait3A_117] : memref<10240x32xf32, #tpu.memory_space<hbm>> -> memref<10240x32xf32, #tpu.memory_space<hbm>>
        tpu.wait_indirect_dma semaphore(%arg17 : memref<!tpu.dma_semaphore, #tpu.memory_space<semaphore_mem>>) src(%dma_wait3A_118 : memref<10240x32xf32, #tpu.memory_space<hbm>>) dst(%arg13 : memref<128x32xf32, #tpu.memory_space<vmem>>)
        "tpu.region"() ({
          %run_scoped3A_143 = tpu.sem_alloc : memref<!tpu.dma_semaphore, #tpu.memory_space<semaphore_mem>>
          %dma_start3A_144 = arith.constant 0 : i32
          %dma_start3A_145 = tpu.memref_slice %arg10[%add3A_112, %dma_start3A_144] : memref<120x128xi32, #tpu.memory_space<vmem>> -> memref<1x128xi32, #tpu.memory_space<vmem>>
          %dma_start3A_146 = tpu.memref_squeeze %dma_start3A_145 : memref<1x128xi32, #tpu.memory_space<vmem>> -> memref<128xi32, #tpu.memory_space<vmem>>
          %dma_start3A_147 = arith.constant 0 : i32
          %dma_start3A_148 = arith.constant 0 : i32
          %dma_start3A_149 = tpu.memref_slice %arg19[%dma_start3A_147, %dma_start3A_148] : memref<10240x32xf32, #tpu.memory_space<vmem_shared>> -> memref<10240x32xf32, #tpu.memory_space<vmem_shared>>
          tpu.enqueue_indirect_dma source(%arg13 : memref<128x32xf32, #tpu.memory_space<vmem>>) target(%dma_start3A_149 : memref<10240x32xf32, #tpu.memory_space<vmem_shared>>) offsets(%dma_start3A_146 : memref<128xi32, #tpu.memory_space<vmem>>) semaphore(%run_scoped3A_143 : memref<!tpu.dma_semaphore, #tpu.memory_space<semaphore_mem>>) {add = true}
          %dma_wait3A_150 = arith.constant 0 : i32
          %dma_wait3A_151 = tpu.memref_slice %arg10[%add3A_112, %dma_wait3A_150] : memref<120x128xi32, #tpu.memory_space<vmem>> -> memref<1x128xi32, #tpu.memory_space<vmem>>
          %dma_wait3A_152 = tpu.memref_squeeze %dma_wait3A_151 : memref<1x128xi32, #tpu.memory_space<vmem>> -> memref<128xi32, #tpu.memory_space<vmem>>
          %dma_wait3A_153 = arith.constant 0 : i32
          %dma_wait3A_154 = arith.constant 0 : i32
          %dma_wait3A_155 = tpu.memref_slice %arg19[%dma_wait3A_153, %dma_wait3A_154] : memref<10240x32xf32, #tpu.memory_space<vmem_shared>> -> memref<10240x32xf32, #tpu.memory_space<vmem_shared>>
          tpu.wait_indirect_dma semaphore(%run_scoped3A_143 : memref<!tpu.dma_semaphore, #tpu.memory_space<semaphore_mem>>) src(%arg13 : memref<128x32xf32, #tpu.memory_space<vmem>>) dst(%dma_wait3A_155 : memref<10240x32xf32, #tpu.memory_space<vmem_shared>>)
          tpu.yield
        }) : () -> ()
        %add3A_119 = arith.constant 4 : i32
        %add3A_120 = arith.addi %add3A_112, %add3A_119 : i32
        %dma_start3A_121 = arith.constant 0 : i32
        %dma_start3A_122 = tpu.memref_slice %arg9[%add3A_120, %dma_start3A_121] : memref<120x128xi32, #tpu.memory_space<vmem>> -> memref<1x128xi32, #tpu.memory_space<vmem>>
        %dma_start3A_123 = tpu.memref_squeeze %dma_start3A_122 : memref<1x128xi32, #tpu.memory_space<vmem>> -> memref<128xi32, #tpu.memory_space<vmem>>
        %dma_start3A_124 = arith.constant 0 : i32
        %dma_start3A_125 = arith.constant 0 : i32
        %dma_start3A_126 = tpu.memref_slice %arg2[%dma_start3A_124, %dma_start3A_125] : memref<10240x32xf32, #tpu.memory_space<hbm>> -> memref<10240x32xf32, #tpu.memory_space<hbm>>
        tpu.enqueue_indirect_dma source(%dma_start3A_126 : memref<10240x32xf32, #tpu.memory_space<hbm>>) target(%arg13 : memref<128x32xf32, #tpu.memory_space<vmem>>) offsets(%dma_start3A_123 : memref<128xi32, #tpu.memory_space<vmem>>) semaphore(%arg17 : memref<!tpu.dma_semaphore, #tpu.memory_space<semaphore_mem>>)
        %add3A_127 = arith.constant 3 : i32
        %add3A_128 = arith.addi %mul3A_79, %add3A_127 : i32
        %dma_wait3A_129 = arith.constant 0 : i32
        %dma_wait3A_130 = tpu.memref_slice %arg9[%add3A_128, %dma_wait3A_129] : memref<120x128xi32, #tpu.memory_space<vmem>> -> memref<1x128xi32, #tpu.memory_space<vmem>>
        %dma_wait3A_131 = tpu.memref_squeeze %dma_wait3A_130 : memref<1x128xi32, #tpu.memory_space<vmem>> -> memref<128xi32, #tpu.memory_space<vmem>>
        %dma_wait3A_132 = arith.constant 0 : i32
        %dma_wait3A_133 = arith.constant 0 : i32
        %dma_wait3A_134 = tpu.memref_slice %arg2[%dma_wait3A_132, %dma_wait3A_133] : memref<10240x32xf32, #tpu.memory_space<hbm>> -> memref<10240x32xf32, #tpu.memory_space<hbm>>
        tpu.wait_indirect_dma semaphore(%arg18 : memref<!tpu.dma_semaphore, #tpu.memory_space<semaphore_mem>>) src(%dma_wait3A_134 : memref<10240x32xf32, #tpu.memory_space<hbm>>) dst(%arg14 : memref<128x32xf32, #tpu.memory_space<vmem>>)
        "tpu.region"() ({
          %run_scoped3A_143 = tpu.sem_alloc : memref<!tpu.dma_semaphore, #tpu.memory_space<semaphore_mem>>
          %dma_start3A_144 = arith.constant 0 : i32
          %dma_start3A_145 = tpu.memref_slice %arg10[%add3A_128, %dma_start3A_144] : memref<120x128xi32, #tpu.memory_space<vmem>> -> memref<1x128xi32, #tpu.memory_space<vmem>>
          %dma_start3A_146 = tpu.memref_squeeze %dma_start3A_145 : memref<1x128xi32, #tpu.memory_space<vmem>> -> memref<128xi32, #tpu.memory_space<vmem>>
          %dma_start3A_147 = arith.constant 0 : i32
          %dma_start3A_148 = arith.constant 0 : i32
          %dma_start3A_149 = tpu.memref_slice %arg19[%dma_start3A_147, %dma_start3A_148] : memref<10240x32xf32, #tpu.memory_space<vmem_shared>> -> memref<10240x32xf32, #tpu.memory_space<vmem_shared>>
          tpu.enqueue_indirect_dma source(%arg14 : memref<128x32xf32, #tpu.memory_space<vmem>>) target(%dma_start3A_149 : memref<10240x32xf32, #tpu.memory_space<vmem_shared>>) offsets(%dma_start3A_146 : memref<128xi32, #tpu.memory_space<vmem>>) semaphore(%run_scoped3A_143 : memref<!tpu.dma_semaphore, #tpu.memory_space<semaphore_mem>>) {add = true}
          %dma_wait3A_150 = arith.constant 0 : i32
          %dma_wait3A_151 = tpu.memref_slice %arg10[%add3A_128, %dma_wait3A_150] : memref<120x128xi32, #tpu.memory_space<vmem>> -> memref<1x128xi32, #tpu.memory_space<vmem>>
          %dma_wait3A_152 = tpu.memref_squeeze %dma_wait3A_151 : memref<1x128xi32, #tpu.memory_space<vmem>> -> memref<128xi32, #tpu.memory_space<vmem>>
          %dma_wait3A_153 = arith.constant 0 : i32
          %dma_wait3A_154 = arith.constant 0 : i32
          %dma_wait3A_155 = tpu.memref_slice %arg19[%dma_wait3A_153, %dma_wait3A_154] : memref<10240x32xf32, #tpu.memory_space<vmem_shared>> -> memref<10240x32xf32, #tpu.memory_space<vmem_shared>>
          tpu.wait_indirect_dma semaphore(%run_scoped3A_143 : memref<!tpu.dma_semaphore, #tpu.memory_space<semaphore_mem>>) src(%arg14 : memref<128x32xf32, #tpu.memory_space<vmem>>) dst(%dma_wait3A_155 : memref<10240x32xf32, #tpu.memory_space<vmem_shared>>)
          tpu.yield
        }) : () -> ()
        %add3A_135 = arith.constant 4 : i32
        %add3A_136 = arith.addi %add3A_128, %add3A_135 : i32
        %dma_start3A_137 = arith.constant 0 : i32
        %dma_start3A_138 = tpu.memref_slice %arg9[%add3A_136, %dma_start3A_137] : memref<120x128xi32, #tpu.memory_space<vmem>> -> memref<1x128xi32, #tpu.memory_space<vmem>>
        %dma_start3A_139 = tpu.memref_squeeze %dma_start3A_138 : memref<1x128xi32, #tpu.memory_space<vmem>> -> memref<128xi32, #tpu.memory_space<vmem>>
        %dma_start3A_140 = arith.constant 0 : i32
        %dma_start3A_141 = arith.constant 0 : i32
        %dma_start3A_142 = tpu.memref_slice %arg2[%dma_start3A_140, %dma_start3A_141] : memref<10240x32xf32, #tpu.memory_space<hbm>> -> memref<10240x32xf32, #tpu.memory_space<hbm>>
        tpu.enqueue_indirect_dma source(%dma_start3A_142 : memref<10240x32xf32, #tpu.memory_space<hbm>>) target(%arg14 : memref<128x32xf32, #tpu.memory_space<vmem>>) offsets(%dma_start3A_139 : memref<128xi32, #tpu.memory_space<vmem>>) semaphore(%arg18 : memref<!tpu.dma_semaphore, #tpu.memory_space<semaphore_mem>>)
      }
      %scan3A_46 = arith.constant 9 : i32
      %dma_wait3A = arith.constant 36 : i32
      %dma_wait3A_47 = arith.constant 0 : i32
      %dma_wait3A_48 = tpu.memref_slice %arg9[%dma_wait3A, %dma_wait3A_47] : memref<120x128xi32, #tpu.memory_space<vmem>> -> memref<1x128xi32, #tpu.memory_space<vmem>>
      %dma_wait3A_49 = tpu.memref_squeeze %dma_wait3A_48 : memref<1x128xi32, #tpu.memory_space<vmem>> -> memref<128xi32, #tpu.memory_space<vmem>>
      %dma_wait3A_50 = arith.constant 0 : i32
      %dma_wait3A_51 = arith.constant 0 : i32
      %dma_wait3A_52 = tpu.memref_slice %arg2[%dma_wait3A_50, %dma_wait3A_51] : memref<10240x32xf32, #tpu.memory_space<hbm>> -> memref<10240x32xf32, #tpu.memory_space<hbm>>
      tpu.wait_indirect_dma semaphore(%arg15 : memref<!tpu.dma_semaphore, #tpu.memory_space<semaphore_mem>>) src(%dma_wait3A_52 : memref<10240x32xf32, #tpu.memory_space<hbm>>) dst(%arg11 : memref<128x32xf32, #tpu.memory_space<vmem>>)
      %run_scoped3A = arith.constant 36 : i32
      "tpu.region"() ({
        %run_scoped3A_77 = tpu.sem_alloc : memref<!tpu.dma_semaphore, #tpu.memory_space<semaphore_mem>>
        %dma_start3A_78 = arith.constant 0 : i32
        %dma_start3A_79 = tpu.memref_slice %arg10[%run_scoped3A, %dma_start3A_78] : memref<120x128xi32, #tpu.memory_space<vmem>> -> memref<1x128xi32, #tpu.memory_space<vmem>>
        %dma_start3A_80 = tpu.memref_squeeze %dma_start3A_79 : memref<1x128xi32, #tpu.memory_space<vmem>> -> memref<128xi32, #tpu.memory_space<vmem>>
        %dma_start3A_81 = arith.constant 0 : i32
        %dma_start3A_82 = arith.constant 0 : i32
        %dma_start3A_83 = tpu.memref_slice %arg19[%dma_start3A_81, %dma_start3A_82] : memref<10240x32xf32, #tpu.memory_space<vmem_shared>> -> memref<10240x32xf32, #tpu.memory_space<vmem_shared>>
        tpu.enqueue_indirect_dma source(%arg11 : memref<128x32xf32, #tpu.memory_space<vmem>>) target(%dma_start3A_83 : memref<10240x32xf32, #tpu.memory_space<vmem_shared>>) offsets(%dma_start3A_80 : memref<128xi32, #tpu.memory_space<vmem>>) semaphore(%run_scoped3A_77 : memref<!tpu.dma_semaphore, #tpu.memory_space<semaphore_mem>>) {add = true}
        %dma_wait3A_84 = arith.constant 0 : i32
        %dma_wait3A_85 = tpu.memref_slice %arg10[%run_scoped3A, %dma_wait3A_84] : memref<120x128xi32, #tpu.memory_space<vmem>> -> memref<1x128xi32, #tpu.memory_space<vmem>>
        %dma_wait3A_86 = tpu.memref_squeeze %dma_wait3A_85 : memref<1x128xi32, #tpu.memory_space<vmem>> -> memref<128xi32, #tpu.memory_space<vmem>>
        %dma_wait3A_87 = arith.constant 0 : i32
        %dma_wait3A_88 = arith.constant 0 : i32
        %dma_wait3A_89 = tpu.memref_slice %arg19[%dma_wait3A_87, %dma_wait3A_88] : memref<10240x32xf32, #tpu.memory_space<vmem_shared>> -> memref<10240x32xf32, #tpu.memory_space<vmem_shared>>
        tpu.wait_indirect_dma semaphore(%run_scoped3A_77 : memref<!tpu.dma_semaphore, #tpu.memory_space<semaphore_mem>>) src(%arg11 : memref<128x32xf32, #tpu.memory_space<vmem>>) dst(%dma_wait3A_89 : memref<10240x32xf32, #tpu.memory_space<vmem_shared>>)
        tpu.yield
      }) : () -> ()
      %dma_wait3A_53 = arith.constant 37 : i32
      %dma_wait3A_54 = arith.constant 0 : i32
      %dma_wait3A_55 = tpu.memref_slice %arg9[%dma_wait3A_53, %dma_wait3A_54] : memref<120x128xi32, #tpu.memory_space<vmem>> -> memref<1x128xi32, #tpu.memory_space<vmem>>
      %dma_wait3A_56 = tpu.memref_squeeze %dma_wait3A_55 : memref<1x128xi32, #tpu.memory_space<vmem>> -> memref<128xi32, #tpu.memory_space<vmem>>
      %dma_wait3A_57 = arith.constant 0 : i32
      %dma_wait3A_58 = arith.constant 0 : i32
      %dma_wait3A_59 = tpu.memref_slice %arg2[%dma_wait3A_57, %dma_wait3A_58] : memref<10240x32xf32, #tpu.memory_space<hbm>> -> memref<10240x32xf32, #tpu.memory_space<hbm>>
      tpu.wait_indirect_dma semaphore(%arg16 : memref<!tpu.dma_semaphore, #tpu.memory_space<semaphore_mem>>) src(%dma_wait3A_59 : memref<10240x32xf32, #tpu.memory_space<hbm>>) dst(%arg12 : memref<128x32xf32, #tpu.memory_space<vmem>>)
      %run_scoped3A_60 = arith.constant 37 : i32
      "tpu.region"() ({
        %run_scoped3A_77 = tpu.sem_alloc : memref<!tpu.dma_semaphore, #tpu.memory_space<semaphore_mem>>
        %dma_start3A_78 = arith.constant 0 : i32
        %dma_start3A_79 = tpu.memref_slice %arg10[%run_scoped3A_60, %dma_start3A_78] : memref<120x128xi32, #tpu.memory_space<vmem>> -> memref<1x128xi32, #tpu.memory_space<vmem>>
        %dma_start3A_80 = tpu.memref_squeeze %dma_start3A_79 : memref<1x128xi32, #tpu.memory_space<vmem>> -> memref<128xi32, #tpu.memory_space<vmem>>
        %dma_start3A_81 = arith.constant 0 : i32
        %dma_start3A_82 = arith.constant 0 : i32
        %dma_start3A_83 = tpu.memref_slice %arg19[%dma_start3A_81, %dma_start3A_82] : memref<10240x32xf32, #tpu.memory_space<vmem_shared>> -> memref<10240x32xf32, #tpu.memory_space<vmem_shared>>
        tpu.enqueue_indirect_dma source(%arg12 : memref<128x32xf32, #tpu.memory_space<vmem>>) target(%dma_start3A_83 : memref<10240x32xf32, #tpu.memory_space<vmem_shared>>) offsets(%dma_start3A_80 : memref<128xi32, #tpu.memory_space<vmem>>) semaphore(%run_scoped3A_77 : memref<!tpu.dma_semaphore, #tpu.memory_space<semaphore_mem>>) {add = true}
        %dma_wait3A_84 = arith.constant 0 : i32
        %dma_wait3A_85 = tpu.memref_slice %arg10[%run_scoped3A_60, %dma_wait3A_84] : memref<120x128xi32, #tpu.memory_space<vmem>> -> memref<1x128xi32, #tpu.memory_space<vmem>>
        %dma_wait3A_86 = tpu.memref_squeeze %dma_wait3A_85 : memref<1x128xi32, #tpu.memory_space<vmem>> -> memref<128xi32, #tpu.memory_space<vmem>>
        %dma_wait3A_87 = arith.constant 0 : i32
        %dma_wait3A_88 = arith.constant 0 : i32
        %dma_wait3A_89 = tpu.memref_slice %arg19[%dma_wait3A_87, %dma_wait3A_88] : memref<10240x32xf32, #tpu.memory_space<vmem_shared>> -> memref<10240x32xf32, #tpu.memory_space<vmem_shared>>
        tpu.wait_indirect_dma semaphore(%run_scoped3A_77 : memref<!tpu.dma_semaphore, #tpu.memory_space<semaphore_mem>>) src(%arg12 : memref<128x32xf32, #tpu.memory_space<vmem>>) dst(%dma_wait3A_89 : memref<10240x32xf32, #tpu.memory_space<vmem_shared>>)
        tpu.yield
      }) : () -> ()
      %dma_wait3A_61 = arith.constant 38 : i32
      %dma_wait3A_62 = arith.constant 0 : i32
      %dma_wait3A_63 = tpu.memref_slice %arg9[%dma_wait3A_61, %dma_wait3A_62] : memref<120x128xi32, #tpu.memory_space<vmem>> -> memref<1x128xi32, #tpu.memory_space<vmem>>
      %dma_wait3A_64 = tpu.memref_squeeze %dma_wait3A_63 : memref<1x128xi32, #tpu.memory_space<vmem>> -> memref<128xi32, #tpu.memory_space<vmem>>
      %dma_wait3A_65 = arith.constant 0 : i32
      %dma_wait3A_66 = arith.constant 0 : i32
      %dma_wait3A_67 = tpu.memref_slice %arg2[%dma_wait3A_65, %dma_wait3A_66] : memref<10240x32xf32, #tpu.memory_space<hbm>> -> memref<10240x32xf32, #tpu.memory_space<hbm>>
      tpu.wait_indirect_dma semaphore(%arg17 : memref<!tpu.dma_semaphore, #tpu.memory_space<semaphore_mem>>) src(%dma_wait3A_67 : memref<10240x32xf32, #tpu.memory_space<hbm>>) dst(%arg13 : memref<128x32xf32, #tpu.memory_space<vmem>>)
      %run_scoped3A_68 = arith.constant 38 : i32
      "tpu.region"() ({
        %run_scoped3A_77 = tpu.sem_alloc : memref<!tpu.dma_semaphore, #tpu.memory_space<semaphore_mem>>
        %dma_start3A_78 = arith.constant 0 : i32
        %dma_start3A_79 = tpu.memref_slice %arg10[%run_scoped3A_68, %dma_start3A_78] : memref<120x128xi32, #tpu.memory_space<vmem>> -> memref<1x128xi32, #tpu.memory_space<vmem>>
        %dma_start3A_80 = tpu.memref_squeeze %dma_start3A_79 : memref<1x128xi32, #tpu.memory_space<vmem>> -> memref<128xi32, #tpu.memory_space<vmem>>
        %dma_start3A_81 = arith.constant 0 : i32
        %dma_start3A_82 = arith.constant 0 : i32
        %dma_start3A_83 = tpu.memref_slice %arg19[%dma_start3A_81, %dma_start3A_82] : memref<10240x32xf32, #tpu.memory_space<vmem_shared>> -> memref<10240x32xf32, #tpu.memory_space<vmem_shared>>
        tpu.enqueue_indirect_dma source(%arg13 : memref<128x32xf32, #tpu.memory_space<vmem>>) target(%dma_start3A_83 : memref<10240x32xf32, #tpu.memory_space<vmem_shared>>) offsets(%dma_start3A_80 : memref<128xi32, #tpu.memory_space<vmem>>) semaphore(%run_scoped3A_77 : memref<!tpu.dma_semaphore, #tpu.memory_space<semaphore_mem>>) {add = true}
        %dma_wait3A_84 = arith.constant 0 : i32
        %dma_wait3A_85 = tpu.memref_slice %arg10[%run_scoped3A_68, %dma_wait3A_84] : memref<120x128xi32, #tpu.memory_space<vmem>> -> memref<1x128xi32, #tpu.memory_space<vmem>>
        %dma_wait3A_86 = tpu.memref_squeeze %dma_wait3A_85 : memref<1x128xi32, #tpu.memory_space<vmem>> -> memref<128xi32, #tpu.memory_space<vmem>>
        %dma_wait3A_87 = arith.constant 0 : i32
        %dma_wait3A_88 = arith.constant 0 : i32
        %dma_wait3A_89 = tpu.memref_slice %arg19[%dma_wait3A_87, %dma_wait3A_88] : memref<10240x32xf32, #tpu.memory_space<vmem_shared>> -> memref<10240x32xf32, #tpu.memory_space<vmem_shared>>
        tpu.wait_indirect_dma semaphore(%run_scoped3A_77 : memref<!tpu.dma_semaphore, #tpu.memory_space<semaphore_mem>>) src(%arg13 : memref<128x32xf32, #tpu.memory_space<vmem>>) dst(%dma_wait3A_89 : memref<10240x32xf32, #tpu.memory_space<vmem_shared>>)
        tpu.yield
      }) : () -> ()
      %dma_wait3A_69 = arith.constant 39 : i32
      %dma_wait3A_70 = arith.constant 0 : i32
      %dma_wait3A_71 = tpu.memref_slice %arg9[%dma_wait3A_69, %dma_wait3A_70] : memref<120x128xi32, #tpu.memory_space<vmem>> -> memref<1x128xi32, #tpu.memory_space<vmem>>
      %dma_wait3A_72 = tpu.memref_squeeze %dma_wait3A_71 : memref<1x128xi32, #tpu.memory_space<vmem>> -> memref<128xi32, #tpu.memory_space<vmem>>
      %dma_wait3A_73 = arith.constant 0 : i32
      %dma_wait3A_74 = arith.constant 0 : i32
      %dma_wait3A_75 = tpu.memref_slice %arg2[%dma_wait3A_73, %dma_wait3A_74] : memref<10240x32xf32, #tpu.memory_space<hbm>> -> memref<10240x32xf32, #tpu.memory_space<hbm>>
      tpu.wait_indirect_dma semaphore(%arg18 : memref<!tpu.dma_semaphore, #tpu.memory_space<semaphore_mem>>) src(%dma_wait3A_75 : memref<10240x32xf32, #tpu.memory_space<hbm>>) dst(%arg14 : memref<128x32xf32, #tpu.memory_space<vmem>>)
      %run_scoped3A_76 = arith.constant 39 : i32
      "tpu.region"() ({
        %run_scoped3A_77 = tpu.sem_alloc : memref<!tpu.dma_semaphore, #tpu.memory_space<semaphore_mem>>
        %dma_start3A_78 = arith.constant 0 : i32
        %dma_start3A_79 = tpu.memref_slice %arg10[%run_scoped3A_76, %dma_start3A_78] : memref<120x128xi32, #tpu.memory_space<vmem>> -> memref<1x128xi32, #tpu.memory_space<vmem>>
        %dma_start3A_80 = tpu.memref_squeeze %dma_start3A_79 : memref<1x128xi32, #tpu.memory_space<vmem>> -> memref<128xi32, #tpu.memory_space<vmem>>
        %dma_start3A_81 = arith.constant 0 : i32
        %dma_start3A_82 = arith.constant 0 : i32
        %dma_start3A_83 = tpu.memref_slice %arg19[%dma_start3A_81, %dma_start3A_82] : memref<10240x32xf32, #tpu.memory_space<vmem_shared>> -> memref<10240x32xf32, #tpu.memory_space<vmem_shared>>
        tpu.enqueue_indirect_dma source(%arg14 : memref<128x32xf32, #tpu.memory_space<vmem>>) target(%dma_start3A_83 : memref<10240x32xf32, #tpu.memory_space<vmem_shared>>) offsets(%dma_start3A_80 : memref<128xi32, #tpu.memory_space<vmem>>) semaphore(%run_scoped3A_77 : memref<!tpu.dma_semaphore, #tpu.memory_space<semaphore_mem>>) {add = true}
        %dma_wait3A_84 = arith.constant 0 : i32
        %dma_wait3A_85 = tpu.memref_slice %arg10[%run_scoped3A_76, %dma_wait3A_84] : memref<120x128xi32, #tpu.memory_space<vmem>> -> memref<1x128xi32, #tpu.memory_space<vmem>>
        %dma_wait3A_86 = tpu.memref_squeeze %dma_wait3A_85 : memref<1x128xi32, #tpu.memory_space<vmem>> -> memref<128xi32, #tpu.memory_space<vmem>>
        %dma_wait3A_87 = arith.constant 0 : i32
        %dma_wait3A_88 = arith.constant 0 : i32
        %dma_wait3A_89 = tpu.memref_slice %arg19[%dma_wait3A_87, %dma_wait3A_88] : memref<10240x32xf32, #tpu.memory_space<vmem_shared>> -> memref<10240x32xf32, #tpu.memory_space<vmem_shared>>
        tpu.wait_indirect_dma semaphore(%run_scoped3A_77 : memref<!tpu.dma_semaphore, #tpu.memory_space<semaphore_mem>>) src(%arg14 : memref<128x32xf32, #tpu.memory_space<vmem>>) dst(%dma_wait3A_89 : memref<10240x32xf32, #tpu.memory_space<vmem_shared>>)
        tpu.yield
      }) : () -> ()
    } else {
    }
    %barrier3A = arith.constant 0 : index
    tpu.barrier barrier_id(%barrier3A)
    %mul3A_10 = arith.constant 640 : i32
    %mul3A_11 = arith.muli %arg1, %mul3A_10 : i32
    %mul3A_12 = arith.constant 640 : i32
    %mul3A_13 = arith.muli %arg1, %mul3A_12 : i32
    "tpu.region"() ({
      %run_scoped3A = tpu.sem_alloc : memref<!tpu.dma_semaphore, #tpu.memory_space<semaphore_mem>>
      %dma_start3A = arith.constant 0 : i32
      %dma_start3A_14 = tpu.memref_slice %arg8[%arg0, %mul3A_13, %dma_start3A] : memref<2x10240x32xf32, #tpu.memory_space<hbm>> -> memref<1x640x32xf32, #tpu.memory_space<hbm>>
      %dma_start3A_15 = tpu.memref_squeeze %dma_start3A_14 : memref<1x640x32xf32, #tpu.memory_space<hbm>> -> memref<640x32xf32, #tpu.memory_space<hbm>>
      %dma_start3A_16 = arith.constant 0 : i32
      %dma_start3A_17 = tpu.memref_slice %arg19[%mul3A_11, %dma_start3A_16] : memref<10240x32xf32, #tpu.memory_space<vmem_shared>> -> memref<640x32xf32, #tpu.memory_space<vmem_shared>>
      tpu.enqueue_dma source(%dma_start3A_17 : memref<640x32xf32, #tpu.memory_space<vmem_shared>>) target(%dma_start3A_15 : memref<640x32xf32, #tpu.memory_space<hbm>>) target_semaphore(%run_scoped3A : memref<!tpu.dma_semaphore, #tpu.memory_space<semaphore_mem>>)
      %dma_wait3A = arith.constant 0 : i32
      %dma_wait3A_18 = tpu.memref_slice %arg8[%arg0, %mul3A_13, %dma_wait3A] : memref<2x10240x32xf32, #tpu.memory_space<hbm>> -> memref<1x640x32xf32, #tpu.memory_space<hbm>>
      %dma_wait3A_19 = tpu.memref_squeeze %dma_wait3A_18 : memref<1x640x32xf32, #tpu.memory_space<hbm>> -> memref<640x32xf32, #tpu.memory_space<hbm>>
      %dma_wait3A_20 = arith.constant 0 : i32
      %dma_wait3A_21 = tpu.memref_slice %arg19[%mul3A_11, %dma_wait3A_20] : memref<10240x32xf32, #tpu.memory_space<vmem_shared>> -> memref<640x32xf32, #tpu.memory_space<vmem_shared>>
      tpu.wait_dma2 semaphore(%run_scoped3A : memref<!tpu.dma_semaphore, #tpu.memory_space<semaphore_mem>>) src(%dma_wait3A_21 : memref<640x32xf32, #tpu.memory_space<vmem_shared>>) dst(%dma_wait3A_19 : memref<640x32xf32, #tpu.memory_space<hbm>>)
      tpu.yield
    }) : () -> ()
    return
  }
}

#map = affine_map<(d0, d1) -> (0, 0, 0)>
#map1 = affine_map<(d0, d1) -> (0)>
#map2 = affine_map<(d0, d1) -> (0, 0)>
module attributes {stable_mosaic.version = 14 : i64} {
  func.func @_sc_degree(%arg0: i32, %arg1: i32, %arg2: memref<32x80x128xi32, #tpu.memory_space<hbm>>, %arg3: memref<10240xf32, #tpu.memory_space<hbm>>, %arg4: memref<128xf32, #tpu.memory_space<hbm>>, %arg5: memref<2x10240xf32, #tpu.memory_space<hbm>>, %arg6: memref<80x128xi32, #tpu.memory_space<vmem>>, %arg7: memref<128xf32, #tpu.memory_space<vmem>>, %arg8: memref<10240xf32, #tpu.memory_space<vmem_shared>>) attributes {dimension_semantics = [#tpu.dimension_semantics<core_parallel>, #tpu.dimension_semantics<subcore_parallel>], iteration_bounds = array<i64: 2, 16>, scalar_prefetch = 0 : i64, scratch_operands = 3 : i64, tpu.core_type = #tpu.core_type<sc_vector_subcore>, window_params = [{transform_indices = #map}, {transform_indices = #map1}, {transform_indices = #map1}, {transform_indices = #map2}]} {
    %mul3A = arith.constant 16 : i32
    %mul3A_0 = arith.muli %arg0, %mul3A : i32
    %add3A = arith.addi %mul3A_0, %arg1 : i32
    "tpu.region"() ({
      %run_scoped3A = tpu.sem_alloc : memref<!tpu.dma_semaphore, #tpu.memory_space<semaphore_mem>>
      %dma_start3A = arith.constant 0 : i32
      %dma_start3A_15 = arith.constant 0 : i32
      %dma_start3A_16 = tpu.memref_slice %arg2[%add3A, %dma_start3A, %dma_start3A_15] : memref<32x80x128xi32, #tpu.memory_space<hbm>> -> memref<1x80x128xi32, #tpu.memory_space<hbm>>
      %dma_start3A_17 = tpu.memref_squeeze %dma_start3A_16 : memref<1x80x128xi32, #tpu.memory_space<hbm>> -> memref<80x128xi32, #tpu.memory_space<hbm>>
      %dma_start3A_18 = arith.constant 0 : i32
      %dma_start3A_19 = arith.constant 0 : i32
      %dma_start3A_20 = tpu.memref_slice %arg2[%add3A, %dma_start3A_18, %dma_start3A_19] : memref<32x80x128xi32, #tpu.memory_space<hbm>> -> memref<1x80x128xi32, #tpu.memory_space<hbm>>
      %dma_start3A_21 = tpu.memref_squeeze %dma_start3A_20 : memref<1x80x128xi32, #tpu.memory_space<hbm>> -> memref<80x128xi32, #tpu.memory_space<hbm>>
      tpu.enqueue_dma source(%dma_start3A_21 : memref<80x128xi32, #tpu.memory_space<hbm>>) target(%arg6 : memref<80x128xi32, #tpu.memory_space<vmem>>) target_semaphore(%run_scoped3A : memref<!tpu.dma_semaphore, #tpu.memory_space<semaphore_mem>>)
      %dma_wait3A = arith.constant 0 : i32
      %dma_wait3A_22 = arith.constant 0 : i32
      %dma_wait3A_23 = tpu.memref_slice %arg2[%add3A, %dma_wait3A, %dma_wait3A_22] : memref<32x80x128xi32, #tpu.memory_space<hbm>> -> memref<1x80x128xi32, #tpu.memory_space<hbm>>
      %dma_wait3A_24 = tpu.memref_squeeze %dma_wait3A_23 : memref<1x80x128xi32, #tpu.memory_space<hbm>> -> memref<80x128xi32, #tpu.memory_space<hbm>>
      %dma_wait3A_25 = arith.constant 0 : i32
      %dma_wait3A_26 = arith.constant 0 : i32
      %dma_wait3A_27 = tpu.memref_slice %arg2[%add3A, %dma_wait3A_25, %dma_wait3A_26] : memref<32x80x128xi32, #tpu.memory_space<hbm>> -> memref<1x80x128xi32, #tpu.memory_space<hbm>>
      %dma_wait3A_28 = tpu.memref_squeeze %dma_wait3A_27 : memref<1x80x128xi32, #tpu.memory_space<hbm>> -> memref<80x128xi32, #tpu.memory_space<hbm>>
      tpu.wait_dma2 semaphore(%run_scoped3A : memref<!tpu.dma_semaphore, #tpu.memory_space<semaphore_mem>>) src(%dma_wait3A_28 : memref<80x128xi32, #tpu.memory_space<hbm>>) dst(%arg6 : memref<80x128xi32, #tpu.memory_space<vmem>>)
      tpu.yield
    }) : () -> ()
    "tpu.region"() ({
      %run_scoped3A = tpu.sem_alloc : memref<!tpu.dma_semaphore, #tpu.memory_space<semaphore_mem>>
      tpu.enqueue_dma source(%arg4 : memref<128xf32, #tpu.memory_space<hbm>>) target(%arg7 : memref<128xf32, #tpu.memory_space<vmem>>) target_semaphore(%run_scoped3A : memref<!tpu.dma_semaphore, #tpu.memory_space<semaphore_mem>>)
      tpu.wait_dma2 semaphore(%run_scoped3A : memref<!tpu.dma_semaphore, #tpu.memory_space<semaphore_mem>>) src(%arg4 : memref<128xf32, #tpu.memory_space<hbm>>) dst(%arg7 : memref<128xf32, #tpu.memory_space<vmem>>)
      tpu.yield
    }) : () -> ()
    %mul3A_1 = arith.constant 640 : i32
    %mul3A_2 = arith.muli %arg1, %mul3A_1 : i32
    %mul3A_3 = arith.constant 640 : i32
    %mul3A_4 = arith.muli %arg1, %mul3A_3 : i32
    "tpu.region"() ({
      %run_scoped3A = tpu.sem_alloc : memref<!tpu.dma_semaphore, #tpu.memory_space<semaphore_mem>>
      %dma_start3A = tpu.memref_slice %arg8[%mul3A_4] : memref<10240xf32, #tpu.memory_space<vmem_shared>> -> memref<640xf32, #tpu.memory_space<vmem_shared>>
      %dma_start3A_15 = tpu.memref_slice %arg3[%mul3A_2] : memref<10240xf32, #tpu.memory_space<hbm>> -> memref<640xf32, #tpu.memory_space<hbm>>
      tpu.enqueue_dma source(%dma_start3A_15 : memref<640xf32, #tpu.memory_space<hbm>>) target(%dma_start3A : memref<640xf32, #tpu.memory_space<vmem_shared>>) target_semaphore(%run_scoped3A : memref<!tpu.dma_semaphore, #tpu.memory_space<semaphore_mem>>)
      %dma_wait3A = tpu.memref_slice %arg8[%mul3A_4] : memref<10240xf32, #tpu.memory_space<vmem_shared>> -> memref<640xf32, #tpu.memory_space<vmem_shared>>
      %dma_wait3A_16 = tpu.memref_slice %arg3[%mul3A_2] : memref<10240xf32, #tpu.memory_space<hbm>> -> memref<640xf32, #tpu.memory_space<hbm>>
      tpu.wait_dma2 semaphore(%run_scoped3A : memref<!tpu.dma_semaphore, #tpu.memory_space<semaphore_mem>>) src(%dma_wait3A_16 : memref<640xf32, #tpu.memory_space<hbm>>) dst(%dma_wait3A : memref<640xf32, #tpu.memory_space<vmem_shared>>)
      tpu.yield
    }) : () -> ()
    %barrier3A = arith.constant 0 : index
    tpu.barrier barrier_id(%barrier3A)
    %scan3A = arith.constant 0 : i32
    %scan3A_5 = arith.constant 0 : i32
    %scan3A_6 = arith.constant 80 : i32
    %scan3A_7 = arith.addi %scan3A_5, %scan3A_6 : i32
    %scan3A_8 = arith.constant 1 : i32
    scf.for %scan3A_15 = %scan3A_5 to %scan3A_7 step %scan3A_8  : i32 {
      "tpu.region"() ({
        %run_scoped3A = tpu.sem_alloc : memref<!tpu.dma_semaphore, #tpu.memory_space<semaphore_mem>>
        %dma_start3A = arith.constant 0 : i32
        %dma_start3A_16 = tpu.memref_slice %arg6[%scan3A_15, %dma_start3A] : memref<80x128xi32, #tpu.memory_space<vmem>> -> memref<1x128xi32, #tpu.memory_space<vmem>>
        %dma_start3A_17 = tpu.memref_squeeze %dma_start3A_16 : memref<1x128xi32, #tpu.memory_space<vmem>> -> memref<128xi32, #tpu.memory_space<vmem>>
        %dma_start3A_18 = arith.constant 0 : i32
        %dma_start3A_19 = tpu.memref_slice %arg8[%dma_start3A_18] : memref<10240xf32, #tpu.memory_space<vmem_shared>> -> memref<10240xf32, #tpu.memory_space<vmem_shared>>
        tpu.enqueue_indirect_dma source(%arg7 : memref<128xf32, #tpu.memory_space<vmem>>) target(%dma_start3A_19 : memref<10240xf32, #tpu.memory_space<vmem_shared>>) offsets(%dma_start3A_17 : memref<128xi32, #tpu.memory_space<vmem>>) semaphore(%run_scoped3A : memref<!tpu.dma_semaphore, #tpu.memory_space<semaphore_mem>>) {add = true}
        %dma_wait3A = arith.constant 0 : i32
        %dma_wait3A_20 = tpu.memref_slice %arg6[%scan3A_15, %dma_wait3A] : memref<80x128xi32, #tpu.memory_space<vmem>> -> memref<1x128xi32, #tpu.memory_space<vmem>>
        %dma_wait3A_21 = tpu.memref_squeeze %dma_wait3A_20 : memref<1x128xi32, #tpu.memory_space<vmem>> -> memref<128xi32, #tpu.memory_space<vmem>>
        %dma_wait3A_22 = arith.constant 0 : i32
        %dma_wait3A_23 = tpu.memref_slice %arg8[%dma_wait3A_22] : memref<10240xf32, #tpu.memory_space<vmem_shared>> -> memref<10240xf32, #tpu.memory_space<vmem_shared>>
        tpu.wait_indirect_dma semaphore(%run_scoped3A : memref<!tpu.dma_semaphore, #tpu.memory_space<semaphore_mem>>) src(%arg7 : memref<128xf32, #tpu.memory_space<vmem>>) dst(%dma_wait3A_23 : memref<10240xf32, #tpu.memory_space<vmem_shared>>)
        tpu.yield
      }) : () -> ()
    }
    %scan3A_9 = arith.constant 80 : i32
    %barrier3A_10 = arith.constant 0 : index
    tpu.barrier barrier_id(%barrier3A_10)
    %mul3A_11 = arith.constant 640 : i32
    %mul3A_12 = arith.muli %arg1, %mul3A_11 : i32
    %mul3A_13 = arith.constant 640 : i32
    %mul3A_14 = arith.muli %arg1, %mul3A_13 : i32
    "tpu.region"() ({
      %run_scoped3A = tpu.sem_alloc : memref<!tpu.dma_semaphore, #tpu.memory_space<semaphore_mem>>
      %dma_start3A = tpu.memref_slice %arg5[%arg0, %mul3A_14] : memref<2x10240xf32, #tpu.memory_space<hbm>> -> memref<1x640xf32, #tpu.memory_space<hbm>>
      %dma_start3A_15 = tpu.memref_squeeze %dma_start3A : memref<1x640xf32, #tpu.memory_space<hbm>> -> memref<640xf32, #tpu.memory_space<hbm>>
      %dma_start3A_16 = tpu.memref_slice %arg8[%mul3A_12] : memref<10240xf32, #tpu.memory_space<vmem_shared>> -> memref<640xf32, #tpu.memory_space<vmem_shared>>
      tpu.enqueue_dma source(%dma_start3A_16 : memref<640xf32, #tpu.memory_space<vmem_shared>>) target(%dma_start3A_15 : memref<640xf32, #tpu.memory_space<hbm>>) target_semaphore(%run_scoped3A : memref<!tpu.dma_semaphore, #tpu.memory_space<semaphore_mem>>)
      %dma_wait3A = tpu.memref_slice %arg5[%arg0, %mul3A_14] : memref<2x10240xf32, #tpu.memory_space<hbm>> -> memref<1x640xf32, #tpu.memory_space<hbm>>
      %dma_wait3A_17 = tpu.memref_squeeze %dma_wait3A : memref<1x640xf32, #tpu.memory_space<hbm>> -> memref<640xf32, #tpu.memory_space<hbm>>
      %dma_wait3A_18 = tpu.memref_slice %arg8[%mul3A_12] : memref<10240xf32, #tpu.memory_space<vmem_shared>> -> memref<640xf32, #tpu.memory_space<vmem_shared>>
      tpu.wait_dma2 semaphore(%run_scoped3A : memref<!tpu.dma_semaphore, #tpu.memory_space<semaphore_mem>>) src(%dma_wait3A_18 : memref<640xf32, #tpu.memory_space<vmem_shared>>) dst(%dma_wait3A_17 : memref<640xf32, #tpu.memory_space<hbm>>)
      tpu.yield
    }) : () -> ()
    return
  }
}

#map = affine_map<(d0, d1) -> (0, 0)>
#map1 = affine_map<(d0, d1) -> (0, 0, 0)>
module attributes {stable_mosaic.version = 14 : i64} {
  func.func @_sc_aggregate(%arg0: i32, %arg1: i32, %arg2: memref<10240x32xf32, #tpu.memory_space<hbm>>, %arg3: memref<16x120x128xi32, #tpu.memory_space<hbm>>, %arg4: memref<16x120x128xi32, #tpu.memory_space<hbm>>, %arg5: memref<16x40x128xi32, #tpu.memory_space<hbm>>, %arg6: memref<16x40x128xi32, #tpu.memory_space<hbm>>, %arg7: memref<10240x32xf32, #tpu.memory_space<hbm>>, %arg8: memref<2x10240x32xf32, #tpu.memory_space<hbm>>, %arg9: memref<120x128xi32, #tpu.memory_space<vmem>>, %arg10: memref<120x128xi32, #tpu.memory_space<vmem>>, %arg11: memref<128x32xf32, #tpu.memory_space<vmem>>, %arg12: memref<128x32xf32, #tpu.memory_space<vmem>>, %arg13: memref<128x32xf32, #tpu.memory_space<vmem>>, %arg14: memref<128x32xf32, #tpu.memory_space<vmem>>, %arg15: memref<!tpu.dma_semaphore, #tpu.memory_space<semaphore_mem>>, %arg16: memref<!tpu.dma_semaphore, #tpu.memory_space<semaphore_mem>>, %arg17: memref<!tpu.dma_semaphore, #tpu.memory_space<semaphore_mem>>, %arg18: memref<!tpu.dma_semaphore, #tpu.memory_space<semaphore_mem>>, %arg19: memref<10240x32xf32, #tpu.memory_space<vmem_shared>>) attributes {dimension_semantics = [#tpu.dimension_semantics<core_parallel>, #tpu.dimension_semantics<subcore_parallel>], iteration_bounds = array<i64: 2, 16>, scalar_prefetch = 0 : i64, scratch_operands = 11 : i64, tpu.core_type = #tpu.core_type<sc_vector_subcore>, window_params = [{transform_indices = #map}, {transform_indices = #map1}, {transform_indices = #map1}, {transform_indices = #map1}, {transform_indices = #map1}, {transform_indices = #map}, {transform_indices = #map1}]} {
    %mul3A = arith.constant 640 : i32
    %mul3A_0 = arith.muli %arg1, %mul3A : i32
    %mul3A_1 = arith.constant 640 : i32
    %mul3A_2 = arith.muli %arg1, %mul3A_1 : i32
    "tpu.region"() ({
      %run_scoped3A = tpu.sem_alloc : memref<!tpu.dma_semaphore, #tpu.memory_space<semaphore_mem>>
      %dma_start3A = arith.constant 0 : i32
      %dma_start3A_14 = tpu.memref_slice %arg19[%mul3A_2, %dma_start3A] : memref<10240x32xf32, #tpu.memory_space<vmem_shared>> -> memref<640x32xf32, #tpu.memory_space<vmem_shared>>
      %dma_start3A_15 = arith.constant 0 : i32
      %dma_start3A_16 = tpu.memref_slice %arg7[%mul3A_0, %dma_start3A_15] : memref<10240x32xf32, #tpu.memory_space<hbm>> -> memref<640x32xf32, #tpu.memory_space<hbm>>
      tpu.enqueue_dma source(%dma_start3A_16 : memref<640x32xf32, #tpu.memory_space<hbm>>) target(%dma_start3A_14 : memref<640x32xf32, #tpu.memory_space<vmem_shared>>) target_semaphore(%run_scoped3A : memref<!tpu.dma_semaphore, #tpu.memory_space<semaphore_mem>>)
      %dma_wait3A = arith.constant 0 : i32
      %dma_wait3A_17 = tpu.memref_slice %arg19[%mul3A_2, %dma_wait3A] : memref<10240x32xf32, #tpu.memory_space<vmem_shared>> -> memref<640x32xf32, #tpu.memory_space<vmem_shared>>
      %dma_wait3A_18 = arith.constant 0 : i32
      %dma_wait3A_19 = tpu.memref_slice %arg7[%mul3A_0, %dma_wait3A_18] : memref<10240x32xf32, #tpu.memory_space<hbm>> -> memref<640x32xf32, #tpu.memory_space<hbm>>
      tpu.wait_dma2 semaphore(%run_scoped3A : memref<!tpu.dma_semaphore, #tpu.memory_space<semaphore_mem>>) src(%dma_wait3A_19 : memref<640x32xf32, #tpu.memory_space<hbm>>) dst(%dma_wait3A_17 : memref<640x32xf32, #tpu.memory_space<vmem_shared>>)
      tpu.yield
    }) : () -> ()
    %eq3A = arith.constant 0 : i32
    %eq3A_3 = arith.cmpi eq, %arg0, %eq3A : i32
    %convert_element_type3A = arith.extui %eq3A_3 : i1 to i32
    %cond3A = arith.constant 0 : i32
    %cond3A_4 = arith.cmpi ne, %convert_element_type3A, %cond3A : i32
    scf.if %cond3A_4 {
      "tpu.region"() ({
        %run_scoped3A_77 = tpu.sem_alloc : memref<!tpu.dma_semaphore, #tpu.memory_space<semaphore_mem>>
        %dma_start3A_78 = arith.constant 0 : i32
        %dma_start3A_79 = arith.constant 0 : i32
        %dma_start3A_80 = tpu.memref_slice %arg3[%arg1, %dma_start3A_78, %dma_start3A_79] : memref<16x120x128xi32, #tpu.memory_space<hbm>> -> memref<1x120x128xi32, #tpu.memory_space<hbm>>
        %dma_start3A_81 = tpu.memref_squeeze %dma_start3A_80 : memref<1x120x128xi32, #tpu.memory_space<hbm>> -> memref<120x128xi32, #tpu.memory_space<hbm>>
        %dma_start3A_82 = arith.constant 0 : i32
        %dma_start3A_83 = arith.constant 0 : i32
        %dma_start3A_84 = tpu.memref_slice %arg3[%arg1, %dma_start3A_82, %dma_start3A_83] : memref<16x120x128xi32, #tpu.memory_space<hbm>> -> memref<1x120x128xi32, #tpu.memory_space<hbm>>
        %dma_start3A_85 = tpu.memref_squeeze %dma_start3A_84 : memref<1x120x128xi32, #tpu.memory_space<hbm>> -> memref<120x128xi32, #tpu.memory_space<hbm>>
        tpu.enqueue_dma source(%dma_start3A_85 : memref<120x128xi32, #tpu.memory_space<hbm>>) target(%arg9 : memref<120x128xi32, #tpu.memory_space<vmem>>) target_semaphore(%run_scoped3A_77 : memref<!tpu.dma_semaphore, #tpu.memory_space<semaphore_mem>>)
        %dma_wait3A_86 = arith.constant 0 : i32
        %dma_wait3A_87 = arith.constant 0 : i32
        %dma_wait3A_88 = tpu.memref_slice %arg3[%arg1, %dma_wait3A_86, %dma_wait3A_87] : memref<16x120x128xi32, #tpu.memory_space<hbm>> -> memref<1x120x128xi32, #tpu.memory_space<hbm>>
        %dma_wait3A_89 = tpu.memref_squeeze %dma_wait3A_88 : memref<1x120x128xi32, #tpu.memory_space<hbm>> -> memref<120x128xi32, #tpu.memory_space<hbm>>
        %dma_wait3A_90 = arith.constant 0 : i32
        %dma_wait3A_91 = arith.constant 0 : i32
        %dma_wait3A_92 = tpu.memref_slice %arg3[%arg1, %dma_wait3A_90, %dma_wait3A_91] : memref<16x120x128xi32, #tpu.memory_space<hbm>> -> memref<1x120x128xi32, #tpu.memory_space<hbm>>
        %dma_wait3A_93 = tpu.memref_squeeze %dma_wait3A_92 : memref<1x120x128xi32, #tpu.memory_space<hbm>> -> memref<120x128xi32, #tpu.memory_space<hbm>>
        tpu.wait_dma2 semaphore(%run_scoped3A_77 : memref<!tpu.dma_semaphore, #tpu.memory_space<semaphore_mem>>) src(%dma_wait3A_93 : memref<120x128xi32, #tpu.memory_space<hbm>>) dst(%arg9 : memref<120x128xi32, #tpu.memory_space<vmem>>)
        tpu.yield
      }) : () -> ()
      "tpu.region"() ({
        %run_scoped3A_77 = tpu.sem_alloc : memref<!tpu.dma_semaphore, #tpu.memory_space<semaphore_mem>>
        %dma_start3A_78 = arith.constant 0 : i32
        %dma_start3A_79 = arith.constant 0 : i32
        %dma_start3A_80 = tpu.memref_slice %arg4[%arg1, %dma_start3A_78, %dma_start3A_79] : memref<16x120x128xi32, #tpu.memory_space<hbm>> -> memref<1x120x128xi32, #tpu.memory_space<hbm>>
        %dma_start3A_81 = tpu.memref_squeeze %dma_start3A_80 : memref<1x120x128xi32, #tpu.memory_space<hbm>> -> memref<120x128xi32, #tpu.memory_space<hbm>>
        %dma_start3A_82 = arith.constant 0 : i32
        %dma_start3A_83 = arith.constant 0 : i32
        %dma_start3A_84 = tpu.memref_slice %arg4[%arg1, %dma_start3A_82, %dma_start3A_83] : memref<16x120x128xi32, #tpu.memory_space<hbm>> -> memref<1x120x128xi32, #tpu.memory_space<hbm>>
        %dma_start3A_85 = tpu.memref_squeeze %dma_start3A_84 : memref<1x120x128xi32, #tpu.memory_space<hbm>> -> memref<120x128xi32, #tpu.memory_space<hbm>>
        tpu.enqueue_dma source(%dma_start3A_85 : memref<120x128xi32, #tpu.memory_space<hbm>>) target(%arg10 : memref<120x128xi32, #tpu.memory_space<vmem>>) target_semaphore(%run_scoped3A_77 : memref<!tpu.dma_semaphore, #tpu.memory_space<semaphore_mem>>)
        %dma_wait3A_86 = arith.constant 0 : i32
        %dma_wait3A_87 = arith.constant 0 : i32
        %dma_wait3A_88 = tpu.memref_slice %arg4[%arg1, %dma_wait3A_86, %dma_wait3A_87] : memref<16x120x128xi32, #tpu.memory_space<hbm>> -> memref<1x120x128xi32, #tpu.memory_space<hbm>>
        %dma_wait3A_89 = tpu.memref_squeeze %dma_wait3A_88 : memref<1x120x128xi32, #tpu.memory_space<hbm>> -> memref<120x128xi32, #tpu.memory_space<hbm>>
        %dma_wait3A_90 = arith.constant 0 : i32
        %dma_wait3A_91 = arith.constant 0 : i32
        %dma_wait3A_92 = tpu.memref_slice %arg4[%arg1, %dma_wait3A_90, %dma_wait3A_91] : memref<16x120x128xi32, #tpu.memory_space<hbm>> -> memref<1x120x128xi32, #tpu.memory_space<hbm>>
        %dma_wait3A_93 = tpu.memref_squeeze %dma_wait3A_92 : memref<1x120x128xi32, #tpu.memory_space<hbm>> -> memref<120x128xi32, #tpu.memory_space<hbm>>
        tpu.wait_dma2 semaphore(%run_scoped3A_77 : memref<!tpu.dma_semaphore, #tpu.memory_space<semaphore_mem>>) src(%dma_wait3A_93 : memref<120x128xi32, #tpu.memory_space<hbm>>) dst(%arg10 : memref<120x128xi32, #tpu.memory_space<vmem>>)
        tpu.yield
      }) : () -> ()
      %barrier3A_14 = arith.constant 0 : index
      tpu.barrier barrier_id(%barrier3A_14)
      %dma_start3A = arith.constant 0 : i32
      %dma_start3A_15 = arith.constant 0 : i32
      %dma_start3A_16 = tpu.memref_slice %arg9[%dma_start3A, %dma_start3A_15] : memref<120x128xi32, #tpu.memory_space<vmem>> -> memref<1x128xi32, #tpu.memory_space<vmem>>
      %dma_start3A_17 = tpu.memref_squeeze %dma_start3A_16 : memref<1x128xi32, #tpu.memory_space<vmem>> -> memref<128xi32, #tpu.memory_space<vmem>>
      %dma_start3A_18 = arith.constant 0 : i32
      %dma_start3A_19 = arith.constant 0 : i32
      %dma_start3A_20 = tpu.memref_slice %arg2[%dma_start3A_18, %dma_start3A_19] : memref<10240x32xf32, #tpu.memory_space<hbm>> -> memref<10240x32xf32, #tpu.memory_space<hbm>>
      tpu.enqueue_indirect_dma source(%dma_start3A_20 : memref<10240x32xf32, #tpu.memory_space<hbm>>) target(%arg11 : memref<128x32xf32, #tpu.memory_space<vmem>>) offsets(%dma_start3A_17 : memref<128xi32, #tpu.memory_space<vmem>>) semaphore(%arg15 : memref<!tpu.dma_semaphore, #tpu.memory_space<semaphore_mem>>)
      %dma_start3A_21 = arith.constant 1 : i32
      %dma_start3A_22 = arith.constant 0 : i32
      %dma_start3A_23 = tpu.memref_slice %arg9[%dma_start3A_21, %dma_start3A_22] : memref<120x128xi32, #tpu.memory_space<vmem>> -> memref<1x128xi32, #tpu.memory_space<vmem>>
      %dma_start3A_24 = tpu.memref_squeeze %dma_start3A_23 : memref<1x128xi32, #tpu.memory_space<vmem>> -> memref<128xi32, #tpu.memory_space<vmem>>
      %dma_start3A_25 = arith.constant 0 : i32
      %dma_start3A_26 = arith.constant 0 : i32
      %dma_start3A_27 = tpu.memref_slice %arg2[%dma_start3A_25, %dma_start3A_26] : memref<10240x32xf32, #tpu.memory_space<hbm>> -> memref<10240x32xf32, #tpu.memory_space<hbm>>
      tpu.enqueue_indirect_dma source(%dma_start3A_27 : memref<10240x32xf32, #tpu.memory_space<hbm>>) target(%arg12 : memref<128x32xf32, #tpu.memory_space<vmem>>) offsets(%dma_start3A_24 : memref<128xi32, #tpu.memory_space<vmem>>) semaphore(%arg16 : memref<!tpu.dma_semaphore, #tpu.memory_space<semaphore_mem>>)
      %dma_start3A_28 = arith.constant 2 : i32
      %dma_start3A_29 = arith.constant 0 : i32
      %dma_start3A_30 = tpu.memref_slice %arg9[%dma_start3A_28, %dma_start3A_29] : memref<120x128xi32, #tpu.memory_space<vmem>> -> memref<1x128xi32, #tpu.memory_space<vmem>>
      %dma_start3A_31 = tpu.memref_squeeze %dma_start3A_30 : memref<1x128xi32, #tpu.memory_space<vmem>> -> memref<128xi32, #tpu.memory_space<vmem>>
      %dma_start3A_32 = arith.constant 0 : i32
      %dma_start3A_33 = arith.constant 0 : i32
      %dma_start3A_34 = tpu.memref_slice %arg2[%dma_start3A_32, %dma_start3A_33] : memref<10240x32xf32, #tpu.memory_space<hbm>> -> memref<10240x32xf32, #tpu.memory_space<hbm>>
      tpu.enqueue_indirect_dma source(%dma_start3A_34 : memref<10240x32xf32, #tpu.memory_space<hbm>>) target(%arg13 : memref<128x32xf32, #tpu.memory_space<vmem>>) offsets(%dma_start3A_31 : memref<128xi32, #tpu.memory_space<vmem>>) semaphore(%arg17 : memref<!tpu.dma_semaphore, #tpu.memory_space<semaphore_mem>>)
      %dma_start3A_35 = arith.constant 3 : i32
      %dma_start3A_36 = arith.constant 0 : i32
      %dma_start3A_37 = tpu.memref_slice %arg9[%dma_start3A_35, %dma_start3A_36] : memref<120x128xi32, #tpu.memory_space<vmem>> -> memref<1x128xi32, #tpu.memory_space<vmem>>
      %dma_start3A_38 = tpu.memref_squeeze %dma_start3A_37 : memref<1x128xi32, #tpu.memory_space<vmem>> -> memref<128xi32, #tpu.memory_space<vmem>>
      %dma_start3A_39 = arith.constant 0 : i32
      %dma_start3A_40 = arith.constant 0 : i32
      %dma_start3A_41 = tpu.memref_slice %arg2[%dma_start3A_39, %dma_start3A_40] : memref<10240x32xf32, #tpu.memory_space<hbm>> -> memref<10240x32xf32, #tpu.memory_space<hbm>>
      tpu.enqueue_indirect_dma source(%dma_start3A_41 : memref<10240x32xf32, #tpu.memory_space<hbm>>) target(%arg14 : memref<128x32xf32, #tpu.memory_space<vmem>>) offsets(%dma_start3A_38 : memref<128xi32, #tpu.memory_space<vmem>>) semaphore(%arg18 : memref<!tpu.dma_semaphore, #tpu.memory_space<semaphore_mem>>)
      %scan3A = arith.constant 0 : i32
      %scan3A_42 = arith.constant 0 : i32
      %scan3A_43 = arith.constant 29 : i32
      %scan3A_44 = arith.addi %scan3A_42, %scan3A_43 : i32
      %scan3A_45 = arith.constant 1 : i32
      scf.for %scan3A_77 = %scan3A_42 to %scan3A_44 step %scan3A_45  : i32 {
        %mul3A_78 = arith.constant 4 : i32
        %mul3A_79 = arith.muli %scan3A_77, %mul3A_78 : i32
        %add3A = arith.constant 0 : i32
        %add3A_80 = arith.addi %mul3A_79, %add3A : i32
        %dma_wait3A_81 = arith.constant 0 : i32
        %dma_wait3A_82 = tpu.memref_slice %arg9[%add3A_80, %dma_wait3A_81] : memref<120x128xi32, #tpu.memory_space<vmem>> -> memref<1x128xi32, #tpu.memory_space<vmem>>
        %dma_wait3A_83 = tpu.memref_squeeze %dma_wait3A_82 : memref<1x128xi32, #tpu.memory_space<vmem>> -> memref<128xi32, #tpu.memory_space<vmem>>
        %dma_wait3A_84 = arith.constant 0 : i32
        %dma_wait3A_85 = arith.constant 0 : i32
        %dma_wait3A_86 = tpu.memref_slice %arg2[%dma_wait3A_84, %dma_wait3A_85] : memref<10240x32xf32, #tpu.memory_space<hbm>> -> memref<10240x32xf32, #tpu.memory_space<hbm>>
        tpu.wait_indirect_dma semaphore(%arg15 : memref<!tpu.dma_semaphore, #tpu.memory_space<semaphore_mem>>) src(%dma_wait3A_86 : memref<10240x32xf32, #tpu.memory_space<hbm>>) dst(%arg11 : memref<128x32xf32, #tpu.memory_space<vmem>>)
        "tpu.region"() ({
          %run_scoped3A_143 = tpu.sem_alloc : memref<!tpu.dma_semaphore, #tpu.memory_space<semaphore_mem>>
          %dma_start3A_144 = arith.constant 0 : i32
          %dma_start3A_145 = tpu.memref_slice %arg10[%add3A_80, %dma_start3A_144] : memref<120x128xi32, #tpu.memory_space<vmem>> -> memref<1x128xi32, #tpu.memory_space<vmem>>
          %dma_start3A_146 = tpu.memref_squeeze %dma_start3A_145 : memref<1x128xi32, #tpu.memory_space<vmem>> -> memref<128xi32, #tpu.memory_space<vmem>>
          %dma_start3A_147 = arith.constant 0 : i32
          %dma_start3A_148 = arith.constant 0 : i32
          %dma_start3A_149 = tpu.memref_slice %arg19[%dma_start3A_147, %dma_start3A_148] : memref<10240x32xf32, #tpu.memory_space<vmem_shared>> -> memref<10240x32xf32, #tpu.memory_space<vmem_shared>>
          tpu.enqueue_indirect_dma source(%arg11 : memref<128x32xf32, #tpu.memory_space<vmem>>) target(%dma_start3A_149 : memref<10240x32xf32, #tpu.memory_space<vmem_shared>>) offsets(%dma_start3A_146 : memref<128xi32, #tpu.memory_space<vmem>>) semaphore(%run_scoped3A_143 : memref<!tpu.dma_semaphore, #tpu.memory_space<semaphore_mem>>) {add = true}
          %dma_wait3A_150 = arith.constant 0 : i32
          %dma_wait3A_151 = tpu.memref_slice %arg10[%add3A_80, %dma_wait3A_150] : memref<120x128xi32, #tpu.memory_space<vmem>> -> memref<1x128xi32, #tpu.memory_space<vmem>>
          %dma_wait3A_152 = tpu.memref_squeeze %dma_wait3A_151 : memref<1x128xi32, #tpu.memory_space<vmem>> -> memref<128xi32, #tpu.memory_space<vmem>>
          %dma_wait3A_153 = arith.constant 0 : i32
          %dma_wait3A_154 = arith.constant 0 : i32
          %dma_wait3A_155 = tpu.memref_slice %arg19[%dma_wait3A_153, %dma_wait3A_154] : memref<10240x32xf32, #tpu.memory_space<vmem_shared>> -> memref<10240x32xf32, #tpu.memory_space<vmem_shared>>
          tpu.wait_indirect_dma semaphore(%run_scoped3A_143 : memref<!tpu.dma_semaphore, #tpu.memory_space<semaphore_mem>>) src(%arg11 : memref<128x32xf32, #tpu.memory_space<vmem>>) dst(%dma_wait3A_155 : memref<10240x32xf32, #tpu.memory_space<vmem_shared>>)
          tpu.yield
        }) : () -> ()
        %add3A_87 = arith.constant 4 : i32
        %add3A_88 = arith.addi %add3A_80, %add3A_87 : i32
        %dma_start3A_89 = arith.constant 0 : i32
        %dma_start3A_90 = tpu.memref_slice %arg9[%add3A_88, %dma_start3A_89] : memref<120x128xi32, #tpu.memory_space<vmem>> -> memref<1x128xi32, #tpu.memory_space<vmem>>
        %dma_start3A_91 = tpu.memref_squeeze %dma_start3A_90 : memref<1x128xi32, #tpu.memory_space<vmem>> -> memref<128xi32, #tpu.memory_space<vmem>>
        %dma_start3A_92 = arith.constant 0 : i32
        %dma_start3A_93 = arith.constant 0 : i32
        %dma_start3A_94 = tpu.memref_slice %arg2[%dma_start3A_92, %dma_start3A_93] : memref<10240x32xf32, #tpu.memory_space<hbm>> -> memref<10240x32xf32, #tpu.memory_space<hbm>>
        tpu.enqueue_indirect_dma source(%dma_start3A_94 : memref<10240x32xf32, #tpu.memory_space<hbm>>) target(%arg11 : memref<128x32xf32, #tpu.memory_space<vmem>>) offsets(%dma_start3A_91 : memref<128xi32, #tpu.memory_space<vmem>>) semaphore(%arg15 : memref<!tpu.dma_semaphore, #tpu.memory_space<semaphore_mem>>)
        %add3A_95 = arith.constant 1 : i32
        %add3A_96 = arith.addi %mul3A_79, %add3A_95 : i32
        %dma_wait3A_97 = arith.constant 0 : i32
        %dma_wait3A_98 = tpu.memref_slice %arg9[%add3A_96, %dma_wait3A_97] : memref<120x128xi32, #tpu.memory_space<vmem>> -> memref<1x128xi32, #tpu.memory_space<vmem>>
        %dma_wait3A_99 = tpu.memref_squeeze %dma_wait3A_98 : memref<1x128xi32, #tpu.memory_space<vmem>> -> memref<128xi32, #tpu.memory_space<vmem>>
        %dma_wait3A_100 = arith.constant 0 : i32
        %dma_wait3A_101 = arith.constant 0 : i32
        %dma_wait3A_102 = tpu.memref_slice %arg2[%dma_wait3A_100, %dma_wait3A_101] : memref<10240x32xf32, #tpu.memory_space<hbm>> -> memref<10240x32xf32, #tpu.memory_space<hbm>>
        tpu.wait_indirect_dma semaphore(%arg16 : memref<!tpu.dma_semaphore, #tpu.memory_space<semaphore_mem>>) src(%dma_wait3A_102 : memref<10240x32xf32, #tpu.memory_space<hbm>>) dst(%arg12 : memref<128x32xf32, #tpu.memory_space<vmem>>)
        "tpu.region"() ({
          %run_scoped3A_143 = tpu.sem_alloc : memref<!tpu.dma_semaphore, #tpu.memory_space<semaphore_mem>>
          %dma_start3A_144 = arith.constant 0 : i32
          %dma_start3A_145 = tpu.memref_slice %arg10[%add3A_96, %dma_start3A_144] : memref<120x128xi32, #tpu.memory_space<vmem>> -> memref<1x128xi32, #tpu.memory_space<vmem>>
          %dma_start3A_146 = tpu.memref_squeeze %dma_start3A_145 : memref<1x128xi32, #tpu.memory_space<vmem>> -> memref<128xi32, #tpu.memory_space<vmem>>
          %dma_start3A_147 = arith.constant 0 : i32
          %dma_start3A_148 = arith.constant 0 : i32
          %dma_start3A_149 = tpu.memref_slice %arg19[%dma_start3A_147, %dma_start3A_148] : memref<10240x32xf32, #tpu.memory_space<vmem_shared>> -> memref<10240x32xf32, #tpu.memory_space<vmem_shared>>
          tpu.enqueue_indirect_dma source(%arg12 : memref<128x32xf32, #tpu.memory_space<vmem>>) target(%dma_start3A_149 : memref<10240x32xf32, #tpu.memory_space<vmem_shared>>) offsets(%dma_start3A_146 : memref<128xi32, #tpu.memory_space<vmem>>) semaphore(%run_scoped3A_143 : memref<!tpu.dma_semaphore, #tpu.memory_space<semaphore_mem>>) {add = true}
          %dma_wait3A_150 = arith.constant 0 : i32
          %dma_wait3A_151 = tpu.memref_slice %arg10[%add3A_96, %dma_wait3A_150] : memref<120x128xi32, #tpu.memory_space<vmem>> -> memref<1x128xi32, #tpu.memory_space<vmem>>
          %dma_wait3A_152 = tpu.memref_squeeze %dma_wait3A_151 : memref<1x128xi32, #tpu.memory_space<vmem>> -> memref<128xi32, #tpu.memory_space<vmem>>
          %dma_wait3A_153 = arith.constant 0 : i32
          %dma_wait3A_154 = arith.constant 0 : i32
          %dma_wait3A_155 = tpu.memref_slice %arg19[%dma_wait3A_153, %dma_wait3A_154] : memref<10240x32xf32, #tpu.memory_space<vmem_shared>> -> memref<10240x32xf32, #tpu.memory_space<vmem_shared>>
          tpu.wait_indirect_dma semaphore(%run_scoped3A_143 : memref<!tpu.dma_semaphore, #tpu.memory_space<semaphore_mem>>) src(%arg12 : memref<128x32xf32, #tpu.memory_space<vmem>>) dst(%dma_wait3A_155 : memref<10240x32xf32, #tpu.memory_space<vmem_shared>>)
          tpu.yield
        }) : () -> ()
        %add3A_103 = arith.constant 4 : i32
        %add3A_104 = arith.addi %add3A_96, %add3A_103 : i32
        %dma_start3A_105 = arith.constant 0 : i32
        %dma_start3A_106 = tpu.memref_slice %arg9[%add3A_104, %dma_start3A_105] : memref<120x128xi32, #tpu.memory_space<vmem>> -> memref<1x128xi32, #tpu.memory_space<vmem>>
        %dma_start3A_107 = tpu.memref_squeeze %dma_start3A_106 : memref<1x128xi32, #tpu.memory_space<vmem>> -> memref<128xi32, #tpu.memory_space<vmem>>
        %dma_start3A_108 = arith.constant 0 : i32
        %dma_start3A_109 = arith.constant 0 : i32
        %dma_start3A_110 = tpu.memref_slice %arg2[%dma_start3A_108, %dma_start3A_109] : memref<10240x32xf32, #tpu.memory_space<hbm>> -> memref<10240x32xf32, #tpu.memory_space<hbm>>
        tpu.enqueue_indirect_dma source(%dma_start3A_110 : memref<10240x32xf32, #tpu.memory_space<hbm>>) target(%arg12 : memref<128x32xf32, #tpu.memory_space<vmem>>) offsets(%dma_start3A_107 : memref<128xi32, #tpu.memory_space<vmem>>) semaphore(%arg16 : memref<!tpu.dma_semaphore, #tpu.memory_space<semaphore_mem>>)
        %add3A_111 = arith.constant 2 : i32
        %add3A_112 = arith.addi %mul3A_79, %add3A_111 : i32
        %dma_wait3A_113 = arith.constant 0 : i32
        %dma_wait3A_114 = tpu.memref_slice %arg9[%add3A_112, %dma_wait3A_113] : memref<120x128xi32, #tpu.memory_space<vmem>> -> memref<1x128xi32, #tpu.memory_space<vmem>>
        %dma_wait3A_115 = tpu.memref_squeeze %dma_wait3A_114 : memref<1x128xi32, #tpu.memory_space<vmem>> -> memref<128xi32, #tpu.memory_space<vmem>>
        %dma_wait3A_116 = arith.constant 0 : i32
        %dma_wait3A_117 = arith.constant 0 : i32
        %dma_wait3A_118 = tpu.memref_slice %arg2[%dma_wait3A_116, %dma_wait3A_117] : memref<10240x32xf32, #tpu.memory_space<hbm>> -> memref<10240x32xf32, #tpu.memory_space<hbm>>
        tpu.wait_indirect_dma semaphore(%arg17 : memref<!tpu.dma_semaphore, #tpu.memory_space<semaphore_mem>>) src(%dma_wait3A_118 : memref<10240x32xf32, #tpu.memory_space<hbm>>) dst(%arg13 : memref<128x32xf32, #tpu.memory_space<vmem>>)
        "tpu.region"() ({
          %run_scoped3A_143 = tpu.sem_alloc : memref<!tpu.dma_semaphore, #tpu.memory_space<semaphore_mem>>
          %dma_start3A_144 = arith.constant 0 : i32
          %dma_start3A_145 = tpu.memref_slice %arg10[%add3A_112, %dma_start3A_144] : memref<120x128xi32, #tpu.memory_space<vmem>> -> memref<1x128xi32, #tpu.memory_space<vmem>>
          %dma_start3A_146 = tpu.memref_squeeze %dma_start3A_145 : memref<1x128xi32, #tpu.memory_space<vmem>> -> memref<128xi32, #tpu.memory_space<vmem>>
          %dma_start3A_147 = arith.constant 0 : i32
          %dma_start3A_148 = arith.constant 0 : i32
          %dma_start3A_149 = tpu.memref_slice %arg19[%dma_start3A_147, %dma_start3A_148] : memref<10240x32xf32, #tpu.memory_space<vmem_shared>> -> memref<10240x32xf32, #tpu.memory_space<vmem_shared>>
          tpu.enqueue_indirect_dma source(%arg13 : memref<128x32xf32, #tpu.memory_space<vmem>>) target(%dma_start3A_149 : memref<10240x32xf32, #tpu.memory_space<vmem_shared>>) offsets(%dma_start3A_146 : memref<128xi32, #tpu.memory_space<vmem>>) semaphore(%run_scoped3A_143 : memref<!tpu.dma_semaphore, #tpu.memory_space<semaphore_mem>>) {add = true}
          %dma_wait3A_150 = arith.constant 0 : i32
          %dma_wait3A_151 = tpu.memref_slice %arg10[%add3A_112, %dma_wait3A_150] : memref<120x128xi32, #tpu.memory_space<vmem>> -> memref<1x128xi32, #tpu.memory_space<vmem>>
          %dma_wait3A_152 = tpu.memref_squeeze %dma_wait3A_151 : memref<1x128xi32, #tpu.memory_space<vmem>> -> memref<128xi32, #tpu.memory_space<vmem>>
          %dma_wait3A_153 = arith.constant 0 : i32
          %dma_wait3A_154 = arith.constant 0 : i32
          %dma_wait3A_155 = tpu.memref_slice %arg19[%dma_wait3A_153, %dma_wait3A_154] : memref<10240x32xf32, #tpu.memory_space<vmem_shared>> -> memref<10240x32xf32, #tpu.memory_space<vmem_shared>>
          tpu.wait_indirect_dma semaphore(%run_scoped3A_143 : memref<!tpu.dma_semaphore, #tpu.memory_space<semaphore_mem>>) src(%arg13 : memref<128x32xf32, #tpu.memory_space<vmem>>) dst(%dma_wait3A_155 : memref<10240x32xf32, #tpu.memory_space<vmem_shared>>)
          tpu.yield
        }) : () -> ()
        %add3A_119 = arith.constant 4 : i32
        %add3A_120 = arith.addi %add3A_112, %add3A_119 : i32
        %dma_start3A_121 = arith.constant 0 : i32
        %dma_start3A_122 = tpu.memref_slice %arg9[%add3A_120, %dma_start3A_121] : memref<120x128xi32, #tpu.memory_space<vmem>> -> memref<1x128xi32, #tpu.memory_space<vmem>>
        %dma_start3A_123 = tpu.memref_squeeze %dma_start3A_122 : memref<1x128xi32, #tpu.memory_space<vmem>> -> memref<128xi32, #tpu.memory_space<vmem>>
        %dma_start3A_124 = arith.constant 0 : i32
        %dma_start3A_125 = arith.constant 0 : i32
        %dma_start3A_126 = tpu.memref_slice %arg2[%dma_start3A_124, %dma_start3A_125] : memref<10240x32xf32, #tpu.memory_space<hbm>> -> memref<10240x32xf32, #tpu.memory_space<hbm>>
        tpu.enqueue_indirect_dma source(%dma_start3A_126 : memref<10240x32xf32, #tpu.memory_space<hbm>>) target(%arg13 : memref<128x32xf32, #tpu.memory_space<vmem>>) offsets(%dma_start3A_123 : memref<128xi32, #tpu.memory_space<vmem>>) semaphore(%arg17 : memref<!tpu.dma_semaphore, #tpu.memory_space<semaphore_mem>>)
        %add3A_127 = arith.constant 3 : i32
        %add3A_128 = arith.addi %mul3A_79, %add3A_127 : i32
        %dma_wait3A_129 = arith.constant 0 : i32
        %dma_wait3A_130 = tpu.memref_slice %arg9[%add3A_128, %dma_wait3A_129] : memref<120x128xi32, #tpu.memory_space<vmem>> -> memref<1x128xi32, #tpu.memory_space<vmem>>
        %dma_wait3A_131 = tpu.memref_squeeze %dma_wait3A_130 : memref<1x128xi32, #tpu.memory_space<vmem>> -> memref<128xi32, #tpu.memory_space<vmem>>
        %dma_wait3A_132 = arith.constant 0 : i32
        %dma_wait3A_133 = arith.constant 0 : i32
        %dma_wait3A_134 = tpu.memref_slice %arg2[%dma_wait3A_132, %dma_wait3A_133] : memref<10240x32xf32, #tpu.memory_space<hbm>> -> memref<10240x32xf32, #tpu.memory_space<hbm>>
        tpu.wait_indirect_dma semaphore(%arg18 : memref<!tpu.dma_semaphore, #tpu.memory_space<semaphore_mem>>) src(%dma_wait3A_134 : memref<10240x32xf32, #tpu.memory_space<hbm>>) dst(%arg14 : memref<128x32xf32, #tpu.memory_space<vmem>>)
        "tpu.region"() ({
          %run_scoped3A_143 = tpu.sem_alloc : memref<!tpu.dma_semaphore, #tpu.memory_space<semaphore_mem>>
          %dma_start3A_144 = arith.constant 0 : i32
          %dma_start3A_145 = tpu.memref_slice %arg10[%add3A_128, %dma_start3A_144] : memref<120x128xi32, #tpu.memory_space<vmem>> -> memref<1x128xi32, #tpu.memory_space<vmem>>
          %dma_start3A_146 = tpu.memref_squeeze %dma_start3A_145 : memref<1x128xi32, #tpu.memory_space<vmem>> -> memref<128xi32, #tpu.memory_space<vmem>>
          %dma_start3A_147 = arith.constant 0 : i32
          %dma_start3A_148 = arith.constant 0 : i32
          %dma_start3A_149 = tpu.memref_slice %arg19[%dma_start3A_147, %dma_start3A_148] : memref<10240x32xf32, #tpu.memory_space<vmem_shared>> -> memref<10240x32xf32, #tpu.memory_space<vmem_shared>>
          tpu.enqueue_indirect_dma source(%arg14 : memref<128x32xf32, #tpu.memory_space<vmem>>) target(%dma_start3A_149 : memref<10240x32xf32, #tpu.memory_space<vmem_shared>>) offsets(%dma_start3A_146 : memref<128xi32, #tpu.memory_space<vmem>>) semaphore(%run_scoped3A_143 : memref<!tpu.dma_semaphore, #tpu.memory_space<semaphore_mem>>) {add = true}
          %dma_wait3A_150 = arith.constant 0 : i32
          %dma_wait3A_151 = tpu.memref_slice %arg10[%add3A_128, %dma_wait3A_150] : memref<120x128xi32, #tpu.memory_space<vmem>> -> memref<1x128xi32, #tpu.memory_space<vmem>>
          %dma_wait3A_152 = tpu.memref_squeeze %dma_wait3A_151 : memref<1x128xi32, #tpu.memory_space<vmem>> -> memref<128xi32, #tpu.memory_space<vmem>>
          %dma_wait3A_153 = arith.constant 0 : i32
          %dma_wait3A_154 = arith.constant 0 : i32
          %dma_wait3A_155 = tpu.memref_slice %arg19[%dma_wait3A_153, %dma_wait3A_154] : memref<10240x32xf32, #tpu.memory_space<vmem_shared>> -> memref<10240x32xf32, #tpu.memory_space<vmem_shared>>
          tpu.wait_indirect_dma semaphore(%run_scoped3A_143 : memref<!tpu.dma_semaphore, #tpu.memory_space<semaphore_mem>>) src(%arg14 : memref<128x32xf32, #tpu.memory_space<vmem>>) dst(%dma_wait3A_155 : memref<10240x32xf32, #tpu.memory_space<vmem_shared>>)
          tpu.yield
        }) : () -> ()
        %add3A_135 = arith.constant 4 : i32
        %add3A_136 = arith.addi %add3A_128, %add3A_135 : i32
        %dma_start3A_137 = arith.constant 0 : i32
        %dma_start3A_138 = tpu.memref_slice %arg9[%add3A_136, %dma_start3A_137] : memref<120x128xi32, #tpu.memory_space<vmem>> -> memref<1x128xi32, #tpu.memory_space<vmem>>
        %dma_start3A_139 = tpu.memref_squeeze %dma_start3A_138 : memref<1x128xi32, #tpu.memory_space<vmem>> -> memref<128xi32, #tpu.memory_space<vmem>>
        %dma_start3A_140 = arith.constant 0 : i32
        %dma_start3A_141 = arith.constant 0 : i32
        %dma_start3A_142 = tpu.memref_slice %arg2[%dma_start3A_140, %dma_start3A_141] : memref<10240x32xf32, #tpu.memory_space<hbm>> -> memref<10240x32xf32, #tpu.memory_space<hbm>>
        tpu.enqueue_indirect_dma source(%dma_start3A_142 : memref<10240x32xf32, #tpu.memory_space<hbm>>) target(%arg14 : memref<128x32xf32, #tpu.memory_space<vmem>>) offsets(%dma_start3A_139 : memref<128xi32, #tpu.memory_space<vmem>>) semaphore(%arg18 : memref<!tpu.dma_semaphore, #tpu.memory_space<semaphore_mem>>)
      }
      %scan3A_46 = arith.constant 29 : i32
      %dma_wait3A = arith.constant 116 : i32
      %dma_wait3A_47 = arith.constant 0 : i32
      %dma_wait3A_48 = tpu.memref_slice %arg9[%dma_wait3A, %dma_wait3A_47] : memref<120x128xi32, #tpu.memory_space<vmem>> -> memref<1x128xi32, #tpu.memory_space<vmem>>
      %dma_wait3A_49 = tpu.memref_squeeze %dma_wait3A_48 : memref<1x128xi32, #tpu.memory_space<vmem>> -> memref<128xi32, #tpu.memory_space<vmem>>
      %dma_wait3A_50 = arith.constant 0 : i32
      %dma_wait3A_51 = arith.constant 0 : i32
      %dma_wait3A_52 = tpu.memref_slice %arg2[%dma_wait3A_50, %dma_wait3A_51] : memref<10240x32xf32, #tpu.memory_space<hbm>> -> memref<10240x32xf32, #tpu.memory_space<hbm>>
      tpu.wait_indirect_dma semaphore(%arg15 : memref<!tpu.dma_semaphore, #tpu.memory_space<semaphore_mem>>) src(%dma_wait3A_52 : memref<10240x32xf32, #tpu.memory_space<hbm>>) dst(%arg11 : memref<128x32xf32, #tpu.memory_space<vmem>>)
      %run_scoped3A = arith.constant 116 : i32
      "tpu.region"() ({
        %run_scoped3A_77 = tpu.sem_alloc : memref<!tpu.dma_semaphore, #tpu.memory_space<semaphore_mem>>
        %dma_start3A_78 = arith.constant 0 : i32
        %dma_start3A_79 = tpu.memref_slice %arg10[%run_scoped3A, %dma_start3A_78] : memref<120x128xi32, #tpu.memory_space<vmem>> -> memref<1x128xi32, #tpu.memory_space<vmem>>
        %dma_start3A_80 = tpu.memref_squeeze %dma_start3A_79 : memref<1x128xi32, #tpu.memory_space<vmem>> -> memref<128xi32, #tpu.memory_space<vmem>>
        %dma_start3A_81 = arith.constant 0 : i32
        %dma_start3A_82 = arith.constant 0 : i32
        %dma_start3A_83 = tpu.memref_slice %arg19[%dma_start3A_81, %dma_start3A_82] : memref<10240x32xf32, #tpu.memory_space<vmem_shared>> -> memref<10240x32xf32, #tpu.memory_space<vmem_shared>>
        tpu.enqueue_indirect_dma source(%arg11 : memref<128x32xf32, #tpu.memory_space<vmem>>) target(%dma_start3A_83 : memref<10240x32xf32, #tpu.memory_space<vmem_shared>>) offsets(%dma_start3A_80 : memref<128xi32, #tpu.memory_space<vmem>>) semaphore(%run_scoped3A_77 : memref<!tpu.dma_semaphore, #tpu.memory_space<semaphore_mem>>) {add = true}
        %dma_wait3A_84 = arith.constant 0 : i32
        %dma_wait3A_85 = tpu.memref_slice %arg10[%run_scoped3A, %dma_wait3A_84] : memref<120x128xi32, #tpu.memory_space<vmem>> -> memref<1x128xi32, #tpu.memory_space<vmem>>
        %dma_wait3A_86 = tpu.memref_squeeze %dma_wait3A_85 : memref<1x128xi32, #tpu.memory_space<vmem>> -> memref<128xi32, #tpu.memory_space<vmem>>
        %dma_wait3A_87 = arith.constant 0 : i32
        %dma_wait3A_88 = arith.constant 0 : i32
        %dma_wait3A_89 = tpu.memref_slice %arg19[%dma_wait3A_87, %dma_wait3A_88] : memref<10240x32xf32, #tpu.memory_space<vmem_shared>> -> memref<10240x32xf32, #tpu.memory_space<vmem_shared>>
        tpu.wait_indirect_dma semaphore(%run_scoped3A_77 : memref<!tpu.dma_semaphore, #tpu.memory_space<semaphore_mem>>) src(%arg11 : memref<128x32xf32, #tpu.memory_space<vmem>>) dst(%dma_wait3A_89 : memref<10240x32xf32, #tpu.memory_space<vmem_shared>>)
        tpu.yield
      }) : () -> ()
      %dma_wait3A_53 = arith.constant 117 : i32
      %dma_wait3A_54 = arith.constant 0 : i32
      %dma_wait3A_55 = tpu.memref_slice %arg9[%dma_wait3A_53, %dma_wait3A_54] : memref<120x128xi32, #tpu.memory_space<vmem>> -> memref<1x128xi32, #tpu.memory_space<vmem>>
      %dma_wait3A_56 = tpu.memref_squeeze %dma_wait3A_55 : memref<1x128xi32, #tpu.memory_space<vmem>> -> memref<128xi32, #tpu.memory_space<vmem>>
      %dma_wait3A_57 = arith.constant 0 : i32
      %dma_wait3A_58 = arith.constant 0 : i32
      %dma_wait3A_59 = tpu.memref_slice %arg2[%dma_wait3A_57, %dma_wait3A_58] : memref<10240x32xf32, #tpu.memory_space<hbm>> -> memref<10240x32xf32, #tpu.memory_space<hbm>>
      tpu.wait_indirect_dma semaphore(%arg16 : memref<!tpu.dma_semaphore, #tpu.memory_space<semaphore_mem>>) src(%dma_wait3A_59 : memref<10240x32xf32, #tpu.memory_space<hbm>>) dst(%arg12 : memref<128x32xf32, #tpu.memory_space<vmem>>)
      %run_scoped3A_60 = arith.constant 117 : i32
      "tpu.region"() ({
        %run_scoped3A_77 = tpu.sem_alloc : memref<!tpu.dma_semaphore, #tpu.memory_space<semaphore_mem>>
        %dma_start3A_78 = arith.constant 0 : i32
        %dma_start3A_79 = tpu.memref_slice %arg10[%run_scoped3A_60, %dma_start3A_78] : memref<120x128xi32, #tpu.memory_space<vmem>> -> memref<1x128xi32, #tpu.memory_space<vmem>>
        %dma_start3A_80 = tpu.memref_squeeze %dma_start3A_79 : memref<1x128xi32, #tpu.memory_space<vmem>> -> memref<128xi32, #tpu.memory_space<vmem>>
        %dma_start3A_81 = arith.constant 0 : i32
        %dma_start3A_82 = arith.constant 0 : i32
        %dma_start3A_83 = tpu.memref_slice %arg19[%dma_start3A_81, %dma_start3A_82] : memref<10240x32xf32, #tpu.memory_space<vmem_shared>> -> memref<10240x32xf32, #tpu.memory_space<vmem_shared>>
        tpu.enqueue_indirect_dma source(%arg12 : memref<128x32xf32, #tpu.memory_space<vmem>>) target(%dma_start3A_83 : memref<10240x32xf32, #tpu.memory_space<vmem_shared>>) offsets(%dma_start3A_80 : memref<128xi32, #tpu.memory_space<vmem>>) semaphore(%run_scoped3A_77 : memref<!tpu.dma_semaphore, #tpu.memory_space<semaphore_mem>>) {add = true}
        %dma_wait3A_84 = arith.constant 0 : i32
        %dma_wait3A_85 = tpu.memref_slice %arg10[%run_scoped3A_60, %dma_wait3A_84] : memref<120x128xi32, #tpu.memory_space<vmem>> -> memref<1x128xi32, #tpu.memory_space<vmem>>
        %dma_wait3A_86 = tpu.memref_squeeze %dma_wait3A_85 : memref<1x128xi32, #tpu.memory_space<vmem>> -> memref<128xi32, #tpu.memory_space<vmem>>
        %dma_wait3A_87 = arith.constant 0 : i32
        %dma_wait3A_88 = arith.constant 0 : i32
        %dma_wait3A_89 = tpu.memref_slice %arg19[%dma_wait3A_87, %dma_wait3A_88] : memref<10240x32xf32, #tpu.memory_space<vmem_shared>> -> memref<10240x32xf32, #tpu.memory_space<vmem_shared>>
        tpu.wait_indirect_dma semaphore(%run_scoped3A_77 : memref<!tpu.dma_semaphore, #tpu.memory_space<semaphore_mem>>) src(%arg12 : memref<128x32xf32, #tpu.memory_space<vmem>>) dst(%dma_wait3A_89 : memref<10240x32xf32, #tpu.memory_space<vmem_shared>>)
        tpu.yield
      }) : () -> ()
      %dma_wait3A_61 = arith.constant 118 : i32
      %dma_wait3A_62 = arith.constant 0 : i32
      %dma_wait3A_63 = tpu.memref_slice %arg9[%dma_wait3A_61, %dma_wait3A_62] : memref<120x128xi32, #tpu.memory_space<vmem>> -> memref<1x128xi32, #tpu.memory_space<vmem>>
      %dma_wait3A_64 = tpu.memref_squeeze %dma_wait3A_63 : memref<1x128xi32, #tpu.memory_space<vmem>> -> memref<128xi32, #tpu.memory_space<vmem>>
      %dma_wait3A_65 = arith.constant 0 : i32
      %dma_wait3A_66 = arith.constant 0 : i32
      %dma_wait3A_67 = tpu.memref_slice %arg2[%dma_wait3A_65, %dma_wait3A_66] : memref<10240x32xf32, #tpu.memory_space<hbm>> -> memref<10240x32xf32, #tpu.memory_space<hbm>>
      tpu.wait_indirect_dma semaphore(%arg17 : memref<!tpu.dma_semaphore, #tpu.memory_space<semaphore_mem>>) src(%dma_wait3A_67 : memref<10240x32xf32, #tpu.memory_space<hbm>>) dst(%arg13 : memref<128x32xf32, #tpu.memory_space<vmem>>)
      %run_scoped3A_68 = arith.constant 118 : i32
      "tpu.region"() ({
        %run_scoped3A_77 = tpu.sem_alloc : memref<!tpu.dma_semaphore, #tpu.memory_space<semaphore_mem>>
        %dma_start3A_78 = arith.constant 0 : i32
        %dma_start3A_79 = tpu.memref_slice %arg10[%run_scoped3A_68, %dma_start3A_78] : memref<120x128xi32, #tpu.memory_space<vmem>> -> memref<1x128xi32, #tpu.memory_space<vmem>>
        %dma_start3A_80 = tpu.memref_squeeze %dma_start3A_79 : memref<1x128xi32, #tpu.memory_space<vmem>> -> memref<128xi32, #tpu.memory_space<vmem>>
        %dma_start3A_81 = arith.constant 0 : i32
        %dma_start3A_82 = arith.constant 0 : i32
        %dma_start3A_83 = tpu.memref_slice %arg19[%dma_start3A_81, %dma_start3A_82] : memref<10240x32xf32, #tpu.memory_space<vmem_shared>> -> memref<10240x32xf32, #tpu.memory_space<vmem_shared>>
        tpu.enqueue_indirect_dma source(%arg13 : memref<128x32xf32, #tpu.memory_space<vmem>>) target(%dma_start3A_83 : memref<10240x32xf32, #tpu.memory_space<vmem_shared>>) offsets(%dma_start3A_80 : memref<128xi32, #tpu.memory_space<vmem>>) semaphore(%run_scoped3A_77 : memref<!tpu.dma_semaphore, #tpu.memory_space<semaphore_mem>>) {add = true}
        %dma_wait3A_84 = arith.constant 0 : i32
        %dma_wait3A_85 = tpu.memref_slice %arg10[%run_scoped3A_68, %dma_wait3A_84] : memref<120x128xi32, #tpu.memory_space<vmem>> -> memref<1x128xi32, #tpu.memory_space<vmem>>
        %dma_wait3A_86 = tpu.memref_squeeze %dma_wait3A_85 : memref<1x128xi32, #tpu.memory_space<vmem>> -> memref<128xi32, #tpu.memory_space<vmem>>
        %dma_wait3A_87 = arith.constant 0 : i32
        %dma_wait3A_88 = arith.constant 0 : i32
        %dma_wait3A_89 = tpu.memref_slice %arg19[%dma_wait3A_87, %dma_wait3A_88] : memref<10240x32xf32, #tpu.memory_space<vmem_shared>> -> memref<10240x32xf32, #tpu.memory_space<vmem_shared>>
        tpu.wait_indirect_dma semaphore(%run_scoped3A_77 : memref<!tpu.dma_semaphore, #tpu.memory_space<semaphore_mem>>) src(%arg13 : memref<128x32xf32, #tpu.memory_space<vmem>>) dst(%dma_wait3A_89 : memref<10240x32xf32, #tpu.memory_space<vmem_shared>>)
        tpu.yield
      }) : () -> ()
      %dma_wait3A_69 = arith.constant 119 : i32
      %dma_wait3A_70 = arith.constant 0 : i32
      %dma_wait3A_71 = tpu.memref_slice %arg9[%dma_wait3A_69, %dma_wait3A_70] : memref<120x128xi32, #tpu.memory_space<vmem>> -> memref<1x128xi32, #tpu.memory_space<vmem>>
      %dma_wait3A_72 = tpu.memref_squeeze %dma_wait3A_71 : memref<1x128xi32, #tpu.memory_space<vmem>> -> memref<128xi32, #tpu.memory_space<vmem>>
      %dma_wait3A_73 = arith.constant 0 : i32
      %dma_wait3A_74 = arith.constant 0 : i32
      %dma_wait3A_75 = tpu.memref_slice %arg2[%dma_wait3A_73, %dma_wait3A_74] : memref<10240x32xf32, #tpu.memory_space<hbm>> -> memref<10240x32xf32, #tpu.memory_space<hbm>>
      tpu.wait_indirect_dma semaphore(%arg18 : memref<!tpu.dma_semaphore, #tpu.memory_space<semaphore_mem>>) src(%dma_wait3A_75 : memref<10240x32xf32, #tpu.memory_space<hbm>>) dst(%arg14 : memref<128x32xf32, #tpu.memory_space<vmem>>)
      %run_scoped3A_76 = arith.constant 119 : i32
      "tpu.region"() ({
        %run_scoped3A_77 = tpu.sem_alloc : memref<!tpu.dma_semaphore, #tpu.memory_space<semaphore_mem>>
        %dma_start3A_78 = arith.constant 0 : i32
        %dma_start3A_79 = tpu.memref_slice %arg10[%run_scoped3A_76, %dma_start3A_78] : memref<120x128xi32, #tpu.memory_space<vmem>> -> memref<1x128xi32, #tpu.memory_space<vmem>>
        %dma_start3A_80 = tpu.memref_squeeze %dma_start3A_79 : memref<1x128xi32, #tpu.memory_space<vmem>> -> memref<128xi32, #tpu.memory_space<vmem>>
        %dma_start3A_81 = arith.constant 0 : i32
        %dma_start3A_82 = arith.constant 0 : i32
        %dma_start3A_83 = tpu.memref_slice %arg19[%dma_start3A_81, %dma_start3A_82] : memref<10240x32xf32, #tpu.memory_space<vmem_shared>> -> memref<10240x32xf32, #tpu.memory_space<vmem_shared>>
        tpu.enqueue_indirect_dma source(%arg14 : memref<128x32xf32, #tpu.memory_space<vmem>>) target(%dma_start3A_83 : memref<10240x32xf32, #tpu.memory_space<vmem_shared>>) offsets(%dma_start3A_80 : memref<128xi32, #tpu.memory_space<vmem>>) semaphore(%run_scoped3A_77 : memref<!tpu.dma_semaphore, #tpu.memory_space<semaphore_mem>>) {add = true}
        %dma_wait3A_84 = arith.constant 0 : i32
        %dma_wait3A_85 = tpu.memref_slice %arg10[%run_scoped3A_76, %dma_wait3A_84] : memref<120x128xi32, #tpu.memory_space<vmem>> -> memref<1x128xi32, #tpu.memory_space<vmem>>
        %dma_wait3A_86 = tpu.memref_squeeze %dma_wait3A_85 : memref<1x128xi32, #tpu.memory_space<vmem>> -> memref<128xi32, #tpu.memory_space<vmem>>
        %dma_wait3A_87 = arith.constant 0 : i32
        %dma_wait3A_88 = arith.constant 0 : i32
        %dma_wait3A_89 = tpu.memref_slice %arg19[%dma_wait3A_87, %dma_wait3A_88] : memref<10240x32xf32, #tpu.memory_space<vmem_shared>> -> memref<10240x32xf32, #tpu.memory_space<vmem_shared>>
        tpu.wait_indirect_dma semaphore(%run_scoped3A_77 : memref<!tpu.dma_semaphore, #tpu.memory_space<semaphore_mem>>) src(%arg14 : memref<128x32xf32, #tpu.memory_space<vmem>>) dst(%dma_wait3A_89 : memref<10240x32xf32, #tpu.memory_space<vmem_shared>>)
        tpu.yield
      }) : () -> ()
    } else {
    }
    %eq3A_5 = arith.constant 1 : i32
    %eq3A_6 = arith.cmpi eq, %arg0, %eq3A_5 : i32
    %convert_element_type3A_7 = arith.extui %eq3A_6 : i1 to i32
    %cond3A_8 = arith.constant 0 : i32
    %cond3A_9 = arith.cmpi ne, %convert_element_type3A_7, %cond3A_8 : i32
    scf.if %cond3A_9 {
      "tpu.region"() ({
        %run_scoped3A_77 = tpu.sem_alloc : memref<!tpu.dma_semaphore, #tpu.memory_space<semaphore_mem>>
        %dma_start3A_78 = arith.constant 0 : i32
        %dma_start3A_79 = arith.constant 0 : i32
        %dma_start3A_80 = tpu.memref_slice %arg9[%dma_start3A_78, %dma_start3A_79] : memref<120x128xi32, #tpu.memory_space<vmem>> -> memref<40x128xi32, #tpu.memory_space<vmem>>
        %dma_start3A_81 = arith.constant 0 : i32
        %dma_start3A_82 = arith.constant 0 : i32
        %dma_start3A_83 = tpu.memref_slice %arg5[%arg1, %dma_start3A_81, %dma_start3A_82] : memref<16x40x128xi32, #tpu.memory_space<hbm>> -> memref<1x40x128xi32, #tpu.memory_space<hbm>>
        %dma_start3A_84 = tpu.memref_squeeze %dma_start3A_83 : memref<1x40x128xi32, #tpu.memory_space<hbm>> -> memref<40x128xi32, #tpu.memory_space<hbm>>
        %dma_start3A_85 = arith.constant 0 : i32
        %dma_start3A_86 = arith.constant 0 : i32
        %dma_start3A_87 = tpu.memref_slice %arg9[%dma_start3A_85, %dma_start3A_86] : memref<120x128xi32, #tpu.memory_space<vmem>> -> memref<40x128xi32, #tpu.memory_space<vmem>>
        %dma_start3A_88 = arith.constant 0 : i32
        %dma_start3A_89 = arith.constant 0 : i32
        %dma_start3A_90 = tpu.memref_slice %arg5[%arg1, %dma_start3A_88, %dma_start3A_89] : memref<16x40x128xi32, #tpu.memory_space<hbm>> -> memref<1x40x128xi32, #tpu.memory_space<hbm>>
        %dma_start3A_91 = tpu.memref_squeeze %dma_start3A_90 : memref<1x40x128xi32, #tpu.memory_space<hbm>> -> memref<40x128xi32, #tpu.memory_space<hbm>>
        tpu.enqueue_dma source(%dma_start3A_91 : memref<40x128xi32, #tpu.memory_space<hbm>>) target(%dma_start3A_87 : memref<40x128xi32, #tpu.memory_space<vmem>>) target_semaphore(%run_scoped3A_77 : memref<!tpu.dma_semaphore, #tpu.memory_space<semaphore_mem>>)
        %dma_wait3A_92 = arith.constant 0 : i32
        %dma_wait3A_93 = arith.constant 0 : i32
        %dma_wait3A_94 = tpu.memref_slice %arg9[%dma_wait3A_92, %dma_wait3A_93] : memref<120x128xi32, #tpu.memory_space<vmem>> -> memref<40x128xi32, #tpu.memory_space<vmem>>
        %dma_wait3A_95 = arith.constant 0 : i32
        %dma_wait3A_96 = arith.constant 0 : i32
        %dma_wait3A_97 = tpu.memref_slice %arg5[%arg1, %dma_wait3A_95, %dma_wait3A_96] : memref<16x40x128xi32, #tpu.memory_space<hbm>> -> memref<1x40x128xi32, #tpu.memory_space<hbm>>
        %dma_wait3A_98 = tpu.memref_squeeze %dma_wait3A_97 : memref<1x40x128xi32, #tpu.memory_space<hbm>> -> memref<40x128xi32, #tpu.memory_space<hbm>>
        %dma_wait3A_99 = arith.constant 0 : i32
        %dma_wait3A_100 = arith.constant 0 : i32
        %dma_wait3A_101 = tpu.memref_slice %arg9[%dma_wait3A_99, %dma_wait3A_100] : memref<120x128xi32, #tpu.memory_space<vmem>> -> memref<40x128xi32, #tpu.memory_space<vmem>>
        %dma_wait3A_102 = arith.constant 0 : i32
        %dma_wait3A_103 = arith.constant 0 : i32
        %dma_wait3A_104 = tpu.memref_slice %arg5[%arg1, %dma_wait3A_102, %dma_wait3A_103] : memref<16x40x128xi32, #tpu.memory_space<hbm>> -> memref<1x40x128xi32, #tpu.memory_space<hbm>>
        %dma_wait3A_105 = tpu.memref_squeeze %dma_wait3A_104 : memref<1x40x128xi32, #tpu.memory_space<hbm>> -> memref<40x128xi32, #tpu.memory_space<hbm>>
        tpu.wait_dma2 semaphore(%run_scoped3A_77 : memref<!tpu.dma_semaphore, #tpu.memory_space<semaphore_mem>>) src(%dma_wait3A_105 : memref<40x128xi32, #tpu.memory_space<hbm>>) dst(%dma_wait3A_101 : memref<40x128xi32, #tpu.memory_space<vmem>>)
        tpu.yield
      }) : () -> ()
      "tpu.region"() ({
        %run_scoped3A_77 = tpu.sem_alloc : memref<!tpu.dma_semaphore, #tpu.memory_space<semaphore_mem>>
        %dma_start3A_78 = arith.constant 0 : i32
        %dma_start3A_79 = arith.constant 0 : i32
        %dma_start3A_80 = tpu.memref_slice %arg10[%dma_start3A_78, %dma_start3A_79] : memref<120x128xi32, #tpu.memory_space<vmem>> -> memref<40x128xi32, #tpu.memory_space<vmem>>
        %dma_start3A_81 = arith.constant 0 : i32
        %dma_start3A_82 = arith.constant 0 : i32
        %dma_start3A_83 = tpu.memref_slice %arg6[%arg1, %dma_start3A_81, %dma_start3A_82] : memref<16x40x128xi32, #tpu.memory_space<hbm>> -> memref<1x40x128xi32, #tpu.memory_space<hbm>>
        %dma_start3A_84 = tpu.memref_squeeze %dma_start3A_83 : memref<1x40x128xi32, #tpu.memory_space<hbm>> -> memref<40x128xi32, #tpu.memory_space<hbm>>
        %dma_start3A_85 = arith.constant 0 : i32
        %dma_start3A_86 = arith.constant 0 : i32
        %dma_start3A_87 = tpu.memref_slice %arg10[%dma_start3A_85, %dma_start3A_86] : memref<120x128xi32, #tpu.memory_space<vmem>> -> memref<40x128xi32, #tpu.memory_space<vmem>>
        %dma_start3A_88 = arith.constant 0 : i32
        %dma_start3A_89 = arith.constant 0 : i32
        %dma_start3A_90 = tpu.memref_slice %arg6[%arg1, %dma_start3A_88, %dma_start3A_89] : memref<16x40x128xi32, #tpu.memory_space<hbm>> -> memref<1x40x128xi32, #tpu.memory_space<hbm>>
        %dma_start3A_91 = tpu.memref_squeeze %dma_start3A_90 : memref<1x40x128xi32, #tpu.memory_space<hbm>> -> memref<40x128xi32, #tpu.memory_space<hbm>>
        tpu.enqueue_dma source(%dma_start3A_91 : memref<40x128xi32, #tpu.memory_space<hbm>>) target(%dma_start3A_87 : memref<40x128xi32, #tpu.memory_space<vmem>>) target_semaphore(%run_scoped3A_77 : memref<!tpu.dma_semaphore, #tpu.memory_space<semaphore_mem>>)
        %dma_wait3A_92 = arith.constant 0 : i32
        %dma_wait3A_93 = arith.constant 0 : i32
        %dma_wait3A_94 = tpu.memref_slice %arg10[%dma_wait3A_92, %dma_wait3A_93] : memref<120x128xi32, #tpu.memory_space<vmem>> -> memref<40x128xi32, #tpu.memory_space<vmem>>
        %dma_wait3A_95 = arith.constant 0 : i32
        %dma_wait3A_96 = arith.constant 0 : i32
        %dma_wait3A_97 = tpu.memref_slice %arg6[%arg1, %dma_wait3A_95, %dma_wait3A_96] : memref<16x40x128xi32, #tpu.memory_space<hbm>> -> memref<1x40x128xi32, #tpu.memory_space<hbm>>
        %dma_wait3A_98 = tpu.memref_squeeze %dma_wait3A_97 : memref<1x40x128xi32, #tpu.memory_space<hbm>> -> memref<40x128xi32, #tpu.memory_space<hbm>>
        %dma_wait3A_99 = arith.constant 0 : i32
        %dma_wait3A_100 = arith.constant 0 : i32
        %dma_wait3A_101 = tpu.memref_slice %arg10[%dma_wait3A_99, %dma_wait3A_100] : memref<120x128xi32, #tpu.memory_space<vmem>> -> memref<40x128xi32, #tpu.memory_space<vmem>>
        %dma_wait3A_102 = arith.constant 0 : i32
        %dma_wait3A_103 = arith.constant 0 : i32
        %dma_wait3A_104 = tpu.memref_slice %arg6[%arg1, %dma_wait3A_102, %dma_wait3A_103] : memref<16x40x128xi32, #tpu.memory_space<hbm>> -> memref<1x40x128xi32, #tpu.memory_space<hbm>>
        %dma_wait3A_105 = tpu.memref_squeeze %dma_wait3A_104 : memref<1x40x128xi32, #tpu.memory_space<hbm>> -> memref<40x128xi32, #tpu.memory_space<hbm>>
        tpu.wait_dma2 semaphore(%run_scoped3A_77 : memref<!tpu.dma_semaphore, #tpu.memory_space<semaphore_mem>>) src(%dma_wait3A_105 : memref<40x128xi32, #tpu.memory_space<hbm>>) dst(%dma_wait3A_101 : memref<40x128xi32, #tpu.memory_space<vmem>>)
        tpu.yield
      }) : () -> ()
      %barrier3A_14 = arith.constant 0 : index
      tpu.barrier barrier_id(%barrier3A_14)
      %dma_start3A = arith.constant 0 : i32
      %dma_start3A_15 = arith.constant 0 : i32
      %dma_start3A_16 = tpu.memref_slice %arg9[%dma_start3A, %dma_start3A_15] : memref<120x128xi32, #tpu.memory_space<vmem>> -> memref<1x128xi32, #tpu.memory_space<vmem>>
      %dma_start3A_17 = tpu.memref_squeeze %dma_start3A_16 : memref<1x128xi32, #tpu.memory_space<vmem>> -> memref<128xi32, #tpu.memory_space<vmem>>
      %dma_start3A_18 = arith.constant 0 : i32
      %dma_start3A_19 = arith.constant 0 : i32
      %dma_start3A_20 = tpu.memref_slice %arg2[%dma_start3A_18, %dma_start3A_19] : memref<10240x32xf32, #tpu.memory_space<hbm>> -> memref<10240x32xf32, #tpu.memory_space<hbm>>
      tpu.enqueue_indirect_dma source(%dma_start3A_20 : memref<10240x32xf32, #tpu.memory_space<hbm>>) target(%arg11 : memref<128x32xf32, #tpu.memory_space<vmem>>) offsets(%dma_start3A_17 : memref<128xi32, #tpu.memory_space<vmem>>) semaphore(%arg15 : memref<!tpu.dma_semaphore, #tpu.memory_space<semaphore_mem>>)
      %dma_start3A_21 = arith.constant 1 : i32
      %dma_start3A_22 = arith.constant 0 : i32
      %dma_start3A_23 = tpu.memref_slice %arg9[%dma_start3A_21, %dma_start3A_22] : memref<120x128xi32, #tpu.memory_space<vmem>> -> memref<1x128xi32, #tpu.memory_space<vmem>>
      %dma_start3A_24 = tpu.memref_squeeze %dma_start3A_23 : memref<1x128xi32, #tpu.memory_space<vmem>> -> memref<128xi32, #tpu.memory_space<vmem>>
      %dma_start3A_25 = arith.constant 0 : i32
      %dma_start3A_26 = arith.constant 0 : i32
      %dma_start3A_27 = tpu.memref_slice %arg2[%dma_start3A_25, %dma_start3A_26] : memref<10240x32xf32, #tpu.memory_space<hbm>> -> memref<10240x32xf32, #tpu.memory_space<hbm>>
      tpu.enqueue_indirect_dma source(%dma_start3A_27 : memref<10240x32xf32, #tpu.memory_space<hbm>>) target(%arg12 : memref<128x32xf32, #tpu.memory_space<vmem>>) offsets(%dma_start3A_24 : memref<128xi32, #tpu.memory_space<vmem>>) semaphore(%arg16 : memref<!tpu.dma_semaphore, #tpu.memory_space<semaphore_mem>>)
      %dma_start3A_28 = arith.constant 2 : i32
      %dma_start3A_29 = arith.constant 0 : i32
      %dma_start3A_30 = tpu.memref_slice %arg9[%dma_start3A_28, %dma_start3A_29] : memref<120x128xi32, #tpu.memory_space<vmem>> -> memref<1x128xi32, #tpu.memory_space<vmem>>
      %dma_start3A_31 = tpu.memref_squeeze %dma_start3A_30 : memref<1x128xi32, #tpu.memory_space<vmem>> -> memref<128xi32, #tpu.memory_space<vmem>>
      %dma_start3A_32 = arith.constant 0 : i32
      %dma_start3A_33 = arith.constant 0 : i32
      %dma_start3A_34 = tpu.memref_slice %arg2[%dma_start3A_32, %dma_start3A_33] : memref<10240x32xf32, #tpu.memory_space<hbm>> -> memref<10240x32xf32, #tpu.memory_space<hbm>>
      tpu.enqueue_indirect_dma source(%dma_start3A_34 : memref<10240x32xf32, #tpu.memory_space<hbm>>) target(%arg13 : memref<128x32xf32, #tpu.memory_space<vmem>>) offsets(%dma_start3A_31 : memref<128xi32, #tpu.memory_space<vmem>>) semaphore(%arg17 : memref<!tpu.dma_semaphore, #tpu.memory_space<semaphore_mem>>)
      %dma_start3A_35 = arith.constant 3 : i32
      %dma_start3A_36 = arith.constant 0 : i32
      %dma_start3A_37 = tpu.memref_slice %arg9[%dma_start3A_35, %dma_start3A_36] : memref<120x128xi32, #tpu.memory_space<vmem>> -> memref<1x128xi32, #tpu.memory_space<vmem>>
      %dma_start3A_38 = tpu.memref_squeeze %dma_start3A_37 : memref<1x128xi32, #tpu.memory_space<vmem>> -> memref<128xi32, #tpu.memory_space<vmem>>
      %dma_start3A_39 = arith.constant 0 : i32
      %dma_start3A_40 = arith.constant 0 : i32
      %dma_start3A_41 = tpu.memref_slice %arg2[%dma_start3A_39, %dma_start3A_40] : memref<10240x32xf32, #tpu.memory_space<hbm>> -> memref<10240x32xf32, #tpu.memory_space<hbm>>
      tpu.enqueue_indirect_dma source(%dma_start3A_41 : memref<10240x32xf32, #tpu.memory_space<hbm>>) target(%arg14 : memref<128x32xf32, #tpu.memory_space<vmem>>) offsets(%dma_start3A_38 : memref<128xi32, #tpu.memory_space<vmem>>) semaphore(%arg18 : memref<!tpu.dma_semaphore, #tpu.memory_space<semaphore_mem>>)
      %scan3A = arith.constant 0 : i32
      %scan3A_42 = arith.constant 0 : i32
      %scan3A_43 = arith.constant 9 : i32
      %scan3A_44 = arith.addi %scan3A_42, %scan3A_43 : i32
      %scan3A_45 = arith.constant 1 : i32
      scf.for %scan3A_77 = %scan3A_42 to %scan3A_44 step %scan3A_45  : i32 {
        %mul3A_78 = arith.constant 4 : i32
        %mul3A_79 = arith.muli %scan3A_77, %mul3A_78 : i32
        %add3A = arith.constant 0 : i32
        %add3A_80 = arith.addi %mul3A_79, %add3A : i32
        %dma_wait3A_81 = arith.constant 0 : i32
        %dma_wait3A_82 = tpu.memref_slice %arg9[%add3A_80, %dma_wait3A_81] : memref<120x128xi32, #tpu.memory_space<vmem>> -> memref<1x128xi32, #tpu.memory_space<vmem>>
        %dma_wait3A_83 = tpu.memref_squeeze %dma_wait3A_82 : memref<1x128xi32, #tpu.memory_space<vmem>> -> memref<128xi32, #tpu.memory_space<vmem>>
        %dma_wait3A_84 = arith.constant 0 : i32
        %dma_wait3A_85 = arith.constant 0 : i32
        %dma_wait3A_86 = tpu.memref_slice %arg2[%dma_wait3A_84, %dma_wait3A_85] : memref<10240x32xf32, #tpu.memory_space<hbm>> -> memref<10240x32xf32, #tpu.memory_space<hbm>>
        tpu.wait_indirect_dma semaphore(%arg15 : memref<!tpu.dma_semaphore, #tpu.memory_space<semaphore_mem>>) src(%dma_wait3A_86 : memref<10240x32xf32, #tpu.memory_space<hbm>>) dst(%arg11 : memref<128x32xf32, #tpu.memory_space<vmem>>)
        "tpu.region"() ({
          %run_scoped3A_143 = tpu.sem_alloc : memref<!tpu.dma_semaphore, #tpu.memory_space<semaphore_mem>>
          %dma_start3A_144 = arith.constant 0 : i32
          %dma_start3A_145 = tpu.memref_slice %arg10[%add3A_80, %dma_start3A_144] : memref<120x128xi32, #tpu.memory_space<vmem>> -> memref<1x128xi32, #tpu.memory_space<vmem>>
          %dma_start3A_146 = tpu.memref_squeeze %dma_start3A_145 : memref<1x128xi32, #tpu.memory_space<vmem>> -> memref<128xi32, #tpu.memory_space<vmem>>
          %dma_start3A_147 = arith.constant 0 : i32
          %dma_start3A_148 = arith.constant 0 : i32
          %dma_start3A_149 = tpu.memref_slice %arg19[%dma_start3A_147, %dma_start3A_148] : memref<10240x32xf32, #tpu.memory_space<vmem_shared>> -> memref<10240x32xf32, #tpu.memory_space<vmem_shared>>
          tpu.enqueue_indirect_dma source(%arg11 : memref<128x32xf32, #tpu.memory_space<vmem>>) target(%dma_start3A_149 : memref<10240x32xf32, #tpu.memory_space<vmem_shared>>) offsets(%dma_start3A_146 : memref<128xi32, #tpu.memory_space<vmem>>) semaphore(%run_scoped3A_143 : memref<!tpu.dma_semaphore, #tpu.memory_space<semaphore_mem>>) {add = true}
          %dma_wait3A_150 = arith.constant 0 : i32
          %dma_wait3A_151 = tpu.memref_slice %arg10[%add3A_80, %dma_wait3A_150] : memref<120x128xi32, #tpu.memory_space<vmem>> -> memref<1x128xi32, #tpu.memory_space<vmem>>
          %dma_wait3A_152 = tpu.memref_squeeze %dma_wait3A_151 : memref<1x128xi32, #tpu.memory_space<vmem>> -> memref<128xi32, #tpu.memory_space<vmem>>
          %dma_wait3A_153 = arith.constant 0 : i32
          %dma_wait3A_154 = arith.constant 0 : i32
          %dma_wait3A_155 = tpu.memref_slice %arg19[%dma_wait3A_153, %dma_wait3A_154] : memref<10240x32xf32, #tpu.memory_space<vmem_shared>> -> memref<10240x32xf32, #tpu.memory_space<vmem_shared>>
          tpu.wait_indirect_dma semaphore(%run_scoped3A_143 : memref<!tpu.dma_semaphore, #tpu.memory_space<semaphore_mem>>) src(%arg11 : memref<128x32xf32, #tpu.memory_space<vmem>>) dst(%dma_wait3A_155 : memref<10240x32xf32, #tpu.memory_space<vmem_shared>>)
          tpu.yield
        }) : () -> ()
        %add3A_87 = arith.constant 4 : i32
        %add3A_88 = arith.addi %add3A_80, %add3A_87 : i32
        %dma_start3A_89 = arith.constant 0 : i32
        %dma_start3A_90 = tpu.memref_slice %arg9[%add3A_88, %dma_start3A_89] : memref<120x128xi32, #tpu.memory_space<vmem>> -> memref<1x128xi32, #tpu.memory_space<vmem>>
        %dma_start3A_91 = tpu.memref_squeeze %dma_start3A_90 : memref<1x128xi32, #tpu.memory_space<vmem>> -> memref<128xi32, #tpu.memory_space<vmem>>
        %dma_start3A_92 = arith.constant 0 : i32
        %dma_start3A_93 = arith.constant 0 : i32
        %dma_start3A_94 = tpu.memref_slice %arg2[%dma_start3A_92, %dma_start3A_93] : memref<10240x32xf32, #tpu.memory_space<hbm>> -> memref<10240x32xf32, #tpu.memory_space<hbm>>
        tpu.enqueue_indirect_dma source(%dma_start3A_94 : memref<10240x32xf32, #tpu.memory_space<hbm>>) target(%arg11 : memref<128x32xf32, #tpu.memory_space<vmem>>) offsets(%dma_start3A_91 : memref<128xi32, #tpu.memory_space<vmem>>) semaphore(%arg15 : memref<!tpu.dma_semaphore, #tpu.memory_space<semaphore_mem>>)
        %add3A_95 = arith.constant 1 : i32
        %add3A_96 = arith.addi %mul3A_79, %add3A_95 : i32
        %dma_wait3A_97 = arith.constant 0 : i32
        %dma_wait3A_98 = tpu.memref_slice %arg9[%add3A_96, %dma_wait3A_97] : memref<120x128xi32, #tpu.memory_space<vmem>> -> memref<1x128xi32, #tpu.memory_space<vmem>>
        %dma_wait3A_99 = tpu.memref_squeeze %dma_wait3A_98 : memref<1x128xi32, #tpu.memory_space<vmem>> -> memref<128xi32, #tpu.memory_space<vmem>>
        %dma_wait3A_100 = arith.constant 0 : i32
        %dma_wait3A_101 = arith.constant 0 : i32
        %dma_wait3A_102 = tpu.memref_slice %arg2[%dma_wait3A_100, %dma_wait3A_101] : memref<10240x32xf32, #tpu.memory_space<hbm>> -> memref<10240x32xf32, #tpu.memory_space<hbm>>
        tpu.wait_indirect_dma semaphore(%arg16 : memref<!tpu.dma_semaphore, #tpu.memory_space<semaphore_mem>>) src(%dma_wait3A_102 : memref<10240x32xf32, #tpu.memory_space<hbm>>) dst(%arg12 : memref<128x32xf32, #tpu.memory_space<vmem>>)
        "tpu.region"() ({
          %run_scoped3A_143 = tpu.sem_alloc : memref<!tpu.dma_semaphore, #tpu.memory_space<semaphore_mem>>
          %dma_start3A_144 = arith.constant 0 : i32
          %dma_start3A_145 = tpu.memref_slice %arg10[%add3A_96, %dma_start3A_144] : memref<120x128xi32, #tpu.memory_space<vmem>> -> memref<1x128xi32, #tpu.memory_space<vmem>>
          %dma_start3A_146 = tpu.memref_squeeze %dma_start3A_145 : memref<1x128xi32, #tpu.memory_space<vmem>> -> memref<128xi32, #tpu.memory_space<vmem>>
          %dma_start3A_147 = arith.constant 0 : i32
          %dma_start3A_148 = arith.constant 0 : i32
          %dma_start3A_149 = tpu.memref_slice %arg19[%dma_start3A_147, %dma_start3A_148] : memref<10240x32xf32, #tpu.memory_space<vmem_shared>> -> memref<10240x32xf32, #tpu.memory_space<vmem_shared>>
          tpu.enqueue_indirect_dma source(%arg12 : memref<128x32xf32, #tpu.memory_space<vmem>>) target(%dma_start3A_149 : memref<10240x32xf32, #tpu.memory_space<vmem_shared>>) offsets(%dma_start3A_146 : memref<128xi32, #tpu.memory_space<vmem>>) semaphore(%run_scoped3A_143 : memref<!tpu.dma_semaphore, #tpu.memory_space<semaphore_mem>>) {add = true}
          %dma_wait3A_150 = arith.constant 0 : i32
          %dma_wait3A_151 = tpu.memref_slice %arg10[%add3A_96, %dma_wait3A_150] : memref<120x128xi32, #tpu.memory_space<vmem>> -> memref<1x128xi32, #tpu.memory_space<vmem>>
          %dma_wait3A_152 = tpu.memref_squeeze %dma_wait3A_151 : memref<1x128xi32, #tpu.memory_space<vmem>> -> memref<128xi32, #tpu.memory_space<vmem>>
          %dma_wait3A_153 = arith.constant 0 : i32
          %dma_wait3A_154 = arith.constant 0 : i32
          %dma_wait3A_155 = tpu.memref_slice %arg19[%dma_wait3A_153, %dma_wait3A_154] : memref<10240x32xf32, #tpu.memory_space<vmem_shared>> -> memref<10240x32xf32, #tpu.memory_space<vmem_shared>>
          tpu.wait_indirect_dma semaphore(%run_scoped3A_143 : memref<!tpu.dma_semaphore, #tpu.memory_space<semaphore_mem>>) src(%arg12 : memref<128x32xf32, #tpu.memory_space<vmem>>) dst(%dma_wait3A_155 : memref<10240x32xf32, #tpu.memory_space<vmem_shared>>)
          tpu.yield
        }) : () -> ()
        %add3A_103 = arith.constant 4 : i32
        %add3A_104 = arith.addi %add3A_96, %add3A_103 : i32
        %dma_start3A_105 = arith.constant 0 : i32
        %dma_start3A_106 = tpu.memref_slice %arg9[%add3A_104, %dma_start3A_105] : memref<120x128xi32, #tpu.memory_space<vmem>> -> memref<1x128xi32, #tpu.memory_space<vmem>>
        %dma_start3A_107 = tpu.memref_squeeze %dma_start3A_106 : memref<1x128xi32, #tpu.memory_space<vmem>> -> memref<128xi32, #tpu.memory_space<vmem>>
        %dma_start3A_108 = arith.constant 0 : i32
        %dma_start3A_109 = arith.constant 0 : i32
        %dma_start3A_110 = tpu.memref_slice %arg2[%dma_start3A_108, %dma_start3A_109] : memref<10240x32xf32, #tpu.memory_space<hbm>> -> memref<10240x32xf32, #tpu.memory_space<hbm>>
        tpu.enqueue_indirect_dma source(%dma_start3A_110 : memref<10240x32xf32, #tpu.memory_space<hbm>>) target(%arg12 : memref<128x32xf32, #tpu.memory_space<vmem>>) offsets(%dma_start3A_107 : memref<128xi32, #tpu.memory_space<vmem>>) semaphore(%arg16 : memref<!tpu.dma_semaphore, #tpu.memory_space<semaphore_mem>>)
        %add3A_111 = arith.constant 2 : i32
        %add3A_112 = arith.addi %mul3A_79, %add3A_111 : i32
        %dma_wait3A_113 = arith.constant 0 : i32
        %dma_wait3A_114 = tpu.memref_slice %arg9[%add3A_112, %dma_wait3A_113] : memref<120x128xi32, #tpu.memory_space<vmem>> -> memref<1x128xi32, #tpu.memory_space<vmem>>
        %dma_wait3A_115 = tpu.memref_squeeze %dma_wait3A_114 : memref<1x128xi32, #tpu.memory_space<vmem>> -> memref<128xi32, #tpu.memory_space<vmem>>
        %dma_wait3A_116 = arith.constant 0 : i32
        %dma_wait3A_117 = arith.constant 0 : i32
        %dma_wait3A_118 = tpu.memref_slice %arg2[%dma_wait3A_116, %dma_wait3A_117] : memref<10240x32xf32, #tpu.memory_space<hbm>> -> memref<10240x32xf32, #tpu.memory_space<hbm>>
        tpu.wait_indirect_dma semaphore(%arg17 : memref<!tpu.dma_semaphore, #tpu.memory_space<semaphore_mem>>) src(%dma_wait3A_118 : memref<10240x32xf32, #tpu.memory_space<hbm>>) dst(%arg13 : memref<128x32xf32, #tpu.memory_space<vmem>>)
        "tpu.region"() ({
          %run_scoped3A_143 = tpu.sem_alloc : memref<!tpu.dma_semaphore, #tpu.memory_space<semaphore_mem>>
          %dma_start3A_144 = arith.constant 0 : i32
          %dma_start3A_145 = tpu.memref_slice %arg10[%add3A_112, %dma_start3A_144] : memref<120x128xi32, #tpu.memory_space<vmem>> -> memref<1x128xi32, #tpu.memory_space<vmem>>
          %dma_start3A_146 = tpu.memref_squeeze %dma_start3A_145 : memref<1x128xi32, #tpu.memory_space<vmem>> -> memref<128xi32, #tpu.memory_space<vmem>>
          %dma_start3A_147 = arith.constant 0 : i32
          %dma_start3A_148 = arith.constant 0 : i32
          %dma_start3A_149 = tpu.memref_slice %arg19[%dma_start3A_147, %dma_start3A_148] : memref<10240x32xf32, #tpu.memory_space<vmem_shared>> -> memref<10240x32xf32, #tpu.memory_space<vmem_shared>>
          tpu.enqueue_indirect_dma source(%arg13 : memref<128x32xf32, #tpu.memory_space<vmem>>) target(%dma_start3A_149 : memref<10240x32xf32, #tpu.memory_space<vmem_shared>>) offsets(%dma_start3A_146 : memref<128xi32, #tpu.memory_space<vmem>>) semaphore(%run_scoped3A_143 : memref<!tpu.dma_semaphore, #tpu.memory_space<semaphore_mem>>) {add = true}
          %dma_wait3A_150 = arith.constant 0 : i32
          %dma_wait3A_151 = tpu.memref_slice %arg10[%add3A_112, %dma_wait3A_150] : memref<120x128xi32, #tpu.memory_space<vmem>> -> memref<1x128xi32, #tpu.memory_space<vmem>>
          %dma_wait3A_152 = tpu.memref_squeeze %dma_wait3A_151 : memref<1x128xi32, #tpu.memory_space<vmem>> -> memref<128xi32, #tpu.memory_space<vmem>>
          %dma_wait3A_153 = arith.constant 0 : i32
          %dma_wait3A_154 = arith.constant 0 : i32
          %dma_wait3A_155 = tpu.memref_slice %arg19[%dma_wait3A_153, %dma_wait3A_154] : memref<10240x32xf32, #tpu.memory_space<vmem_shared>> -> memref<10240x32xf32, #tpu.memory_space<vmem_shared>>
          tpu.wait_indirect_dma semaphore(%run_scoped3A_143 : memref<!tpu.dma_semaphore, #tpu.memory_space<semaphore_mem>>) src(%arg13 : memref<128x32xf32, #tpu.memory_space<vmem>>) dst(%dma_wait3A_155 : memref<10240x32xf32, #tpu.memory_space<vmem_shared>>)
          tpu.yield
        }) : () -> ()
        %add3A_119 = arith.constant 4 : i32
        %add3A_120 = arith.addi %add3A_112, %add3A_119 : i32
        %dma_start3A_121 = arith.constant 0 : i32
        %dma_start3A_122 = tpu.memref_slice %arg9[%add3A_120, %dma_start3A_121] : memref<120x128xi32, #tpu.memory_space<vmem>> -> memref<1x128xi32, #tpu.memory_space<vmem>>
        %dma_start3A_123 = tpu.memref_squeeze %dma_start3A_122 : memref<1x128xi32, #tpu.memory_space<vmem>> -> memref<128xi32, #tpu.memory_space<vmem>>
        %dma_start3A_124 = arith.constant 0 : i32
        %dma_start3A_125 = arith.constant 0 : i32
        %dma_start3A_126 = tpu.memref_slice %arg2[%dma_start3A_124, %dma_start3A_125] : memref<10240x32xf32, #tpu.memory_space<hbm>> -> memref<10240x32xf32, #tpu.memory_space<hbm>>
        tpu.enqueue_indirect_dma source(%dma_start3A_126 : memref<10240x32xf32, #tpu.memory_space<hbm>>) target(%arg13 : memref<128x32xf32, #tpu.memory_space<vmem>>) offsets(%dma_start3A_123 : memref<128xi32, #tpu.memory_space<vmem>>) semaphore(%arg17 : memref<!tpu.dma_semaphore, #tpu.memory_space<semaphore_mem>>)
        %add3A_127 = arith.constant 3 : i32
        %add3A_128 = arith.addi %mul3A_79, %add3A_127 : i32
        %dma_wait3A_129 = arith.constant 0 : i32
        %dma_wait3A_130 = tpu.memref_slice %arg9[%add3A_128, %dma_wait3A_129] : memref<120x128xi32, #tpu.memory_space<vmem>> -> memref<1x128xi32, #tpu.memory_space<vmem>>
        %dma_wait3A_131 = tpu.memref_squeeze %dma_wait3A_130 : memref<1x128xi32, #tpu.memory_space<vmem>> -> memref<128xi32, #tpu.memory_space<vmem>>
        %dma_wait3A_132 = arith.constant 0 : i32
        %dma_wait3A_133 = arith.constant 0 : i32
        %dma_wait3A_134 = tpu.memref_slice %arg2[%dma_wait3A_132, %dma_wait3A_133] : memref<10240x32xf32, #tpu.memory_space<hbm>> -> memref<10240x32xf32, #tpu.memory_space<hbm>>
        tpu.wait_indirect_dma semaphore(%arg18 : memref<!tpu.dma_semaphore, #tpu.memory_space<semaphore_mem>>) src(%dma_wait3A_134 : memref<10240x32xf32, #tpu.memory_space<hbm>>) dst(%arg14 : memref<128x32xf32, #tpu.memory_space<vmem>>)
        "tpu.region"() ({
          %run_scoped3A_143 = tpu.sem_alloc : memref<!tpu.dma_semaphore, #tpu.memory_space<semaphore_mem>>
          %dma_start3A_144 = arith.constant 0 : i32
          %dma_start3A_145 = tpu.memref_slice %arg10[%add3A_128, %dma_start3A_144] : memref<120x128xi32, #tpu.memory_space<vmem>> -> memref<1x128xi32, #tpu.memory_space<vmem>>
          %dma_start3A_146 = tpu.memref_squeeze %dma_start3A_145 : memref<1x128xi32, #tpu.memory_space<vmem>> -> memref<128xi32, #tpu.memory_space<vmem>>
          %dma_start3A_147 = arith.constant 0 : i32
          %dma_start3A_148 = arith.constant 0 : i32
          %dma_start3A_149 = tpu.memref_slice %arg19[%dma_start3A_147, %dma_start3A_148] : memref<10240x32xf32, #tpu.memory_space<vmem_shared>> -> memref<10240x32xf32, #tpu.memory_space<vmem_shared>>
          tpu.enqueue_indirect_dma source(%arg14 : memref<128x32xf32, #tpu.memory_space<vmem>>) target(%dma_start3A_149 : memref<10240x32xf32, #tpu.memory_space<vmem_shared>>) offsets(%dma_start3A_146 : memref<128xi32, #tpu.memory_space<vmem>>) semaphore(%run_scoped3A_143 : memref<!tpu.dma_semaphore, #tpu.memory_space<semaphore_mem>>) {add = true}
          %dma_wait3A_150 = arith.constant 0 : i32
          %dma_wait3A_151 = tpu.memref_slice %arg10[%add3A_128, %dma_wait3A_150] : memref<120x128xi32, #tpu.memory_space<vmem>> -> memref<1x128xi32, #tpu.memory_space<vmem>>
          %dma_wait3A_152 = tpu.memref_squeeze %dma_wait3A_151 : memref<1x128xi32, #tpu.memory_space<vmem>> -> memref<128xi32, #tpu.memory_space<vmem>>
          %dma_wait3A_153 = arith.constant 0 : i32
          %dma_wait3A_154 = arith.constant 0 : i32
          %dma_wait3A_155 = tpu.memref_slice %arg19[%dma_wait3A_153, %dma_wait3A_154] : memref<10240x32xf32, #tpu.memory_space<vmem_shared>> -> memref<10240x32xf32, #tpu.memory_space<vmem_shared>>
          tpu.wait_indirect_dma semaphore(%run_scoped3A_143 : memref<!tpu.dma_semaphore, #tpu.memory_space<semaphore_mem>>) src(%arg14 : memref<128x32xf32, #tpu.memory_space<vmem>>) dst(%dma_wait3A_155 : memref<10240x32xf32, #tpu.memory_space<vmem_shared>>)
          tpu.yield
        }) : () -> ()
        %add3A_135 = arith.constant 4 : i32
        %add3A_136 = arith.addi %add3A_128, %add3A_135 : i32
        %dma_start3A_137 = arith.constant 0 : i32
        %dma_start3A_138 = tpu.memref_slice %arg9[%add3A_136, %dma_start3A_137] : memref<120x128xi32, #tpu.memory_space<vmem>> -> memref<1x128xi32, #tpu.memory_space<vmem>>
        %dma_start3A_139 = tpu.memref_squeeze %dma_start3A_138 : memref<1x128xi32, #tpu.memory_space<vmem>> -> memref<128xi32, #tpu.memory_space<vmem>>
        %dma_start3A_140 = arith.constant 0 : i32
        %dma_start3A_141 = arith.constant 0 : i32
        %dma_start3A_142 = tpu.memref_slice %arg2[%dma_start3A_140, %dma_start3A_141] : memref<10240x32xf32, #tpu.memory_space<hbm>> -> memref<10240x32xf32, #tpu.memory_space<hbm>>
        tpu.enqueue_indirect_dma source(%dma_start3A_142 : memref<10240x32xf32, #tpu.memory_space<hbm>>) target(%arg14 : memref<128x32xf32, #tpu.memory_space<vmem>>) offsets(%dma_start3A_139 : memref<128xi32, #tpu.memory_space<vmem>>) semaphore(%arg18 : memref<!tpu.dma_semaphore, #tpu.memory_space<semaphore_mem>>)
      }
      %scan3A_46 = arith.constant 9 : i32
      %dma_wait3A = arith.constant 36 : i32
      %dma_wait3A_47 = arith.constant 0 : i32
      %dma_wait3A_48 = tpu.memref_slice %arg9[%dma_wait3A, %dma_wait3A_47] : memref<120x128xi32, #tpu.memory_space<vmem>> -> memref<1x128xi32, #tpu.memory_space<vmem>>
      %dma_wait3A_49 = tpu.memref_squeeze %dma_wait3A_48 : memref<1x128xi32, #tpu.memory_space<vmem>> -> memref<128xi32, #tpu.memory_space<vmem>>
      %dma_wait3A_50 = arith.constant 0 : i32
      %dma_wait3A_51 = arith.constant 0 : i32
      %dma_wait3A_52 = tpu.memref_slice %arg2[%dma_wait3A_50, %dma_wait3A_51] : memref<10240x32xf32, #tpu.memory_space<hbm>> -> memref<10240x32xf32, #tpu.memory_space<hbm>>
      tpu.wait_indirect_dma semaphore(%arg15 : memref<!tpu.dma_semaphore, #tpu.memory_space<semaphore_mem>>) src(%dma_wait3A_52 : memref<10240x32xf32, #tpu.memory_space<hbm>>) dst(%arg11 : memref<128x32xf32, #tpu.memory_space<vmem>>)
      %run_scoped3A = arith.constant 36 : i32
      "tpu.region"() ({
        %run_scoped3A_77 = tpu.sem_alloc : memref<!tpu.dma_semaphore, #tpu.memory_space<semaphore_mem>>
        %dma_start3A_78 = arith.constant 0 : i32
        %dma_start3A_79 = tpu.memref_slice %arg10[%run_scoped3A, %dma_start3A_78] : memref<120x128xi32, #tpu.memory_space<vmem>> -> memref<1x128xi32, #tpu.memory_space<vmem>>
        %dma_start3A_80 = tpu.memref_squeeze %dma_start3A_79 : memref<1x128xi32, #tpu.memory_space<vmem>> -> memref<128xi32, #tpu.memory_space<vmem>>
        %dma_start3A_81 = arith.constant 0 : i32
        %dma_start3A_82 = arith.constant 0 : i32
        %dma_start3A_83 = tpu.memref_slice %arg19[%dma_start3A_81, %dma_start3A_82] : memref<10240x32xf32, #tpu.memory_space<vmem_shared>> -> memref<10240x32xf32, #tpu.memory_space<vmem_shared>>
        tpu.enqueue_indirect_dma source(%arg11 : memref<128x32xf32, #tpu.memory_space<vmem>>) target(%dma_start3A_83 : memref<10240x32xf32, #tpu.memory_space<vmem_shared>>) offsets(%dma_start3A_80 : memref<128xi32, #tpu.memory_space<vmem>>) semaphore(%run_scoped3A_77 : memref<!tpu.dma_semaphore, #tpu.memory_space<semaphore_mem>>) {add = true}
        %dma_wait3A_84 = arith.constant 0 : i32
        %dma_wait3A_85 = tpu.memref_slice %arg10[%run_scoped3A, %dma_wait3A_84] : memref<120x128xi32, #tpu.memory_space<vmem>> -> memref<1x128xi32, #tpu.memory_space<vmem>>
        %dma_wait3A_86 = tpu.memref_squeeze %dma_wait3A_85 : memref<1x128xi32, #tpu.memory_space<vmem>> -> memref<128xi32, #tpu.memory_space<vmem>>
        %dma_wait3A_87 = arith.constant 0 : i32
        %dma_wait3A_88 = arith.constant 0 : i32
        %dma_wait3A_89 = tpu.memref_slice %arg19[%dma_wait3A_87, %dma_wait3A_88] : memref<10240x32xf32, #tpu.memory_space<vmem_shared>> -> memref<10240x32xf32, #tpu.memory_space<vmem_shared>>
        tpu.wait_indirect_dma semaphore(%run_scoped3A_77 : memref<!tpu.dma_semaphore, #tpu.memory_space<semaphore_mem>>) src(%arg11 : memref<128x32xf32, #tpu.memory_space<vmem>>) dst(%dma_wait3A_89 : memref<10240x32xf32, #tpu.memory_space<vmem_shared>>)
        tpu.yield
      }) : () -> ()
      %dma_wait3A_53 = arith.constant 37 : i32
      %dma_wait3A_54 = arith.constant 0 : i32
      %dma_wait3A_55 = tpu.memref_slice %arg9[%dma_wait3A_53, %dma_wait3A_54] : memref<120x128xi32, #tpu.memory_space<vmem>> -> memref<1x128xi32, #tpu.memory_space<vmem>>
      %dma_wait3A_56 = tpu.memref_squeeze %dma_wait3A_55 : memref<1x128xi32, #tpu.memory_space<vmem>> -> memref<128xi32, #tpu.memory_space<vmem>>
      %dma_wait3A_57 = arith.constant 0 : i32
      %dma_wait3A_58 = arith.constant 0 : i32
      %dma_wait3A_59 = tpu.memref_slice %arg2[%dma_wait3A_57, %dma_wait3A_58] : memref<10240x32xf32, #tpu.memory_space<hbm>> -> memref<10240x32xf32, #tpu.memory_space<hbm>>
      tpu.wait_indirect_dma semaphore(%arg16 : memref<!tpu.dma_semaphore, #tpu.memory_space<semaphore_mem>>) src(%dma_wait3A_59 : memref<10240x32xf32, #tpu.memory_space<hbm>>) dst(%arg12 : memref<128x32xf32, #tpu.memory_space<vmem>>)
      %run_scoped3A_60 = arith.constant 37 : i32
      "tpu.region"() ({
        %run_scoped3A_77 = tpu.sem_alloc : memref<!tpu.dma_semaphore, #tpu.memory_space<semaphore_mem>>
        %dma_start3A_78 = arith.constant 0 : i32
        %dma_start3A_79 = tpu.memref_slice %arg10[%run_scoped3A_60, %dma_start3A_78] : memref<120x128xi32, #tpu.memory_space<vmem>> -> memref<1x128xi32, #tpu.memory_space<vmem>>
        %dma_start3A_80 = tpu.memref_squeeze %dma_start3A_79 : memref<1x128xi32, #tpu.memory_space<vmem>> -> memref<128xi32, #tpu.memory_space<vmem>>
        %dma_start3A_81 = arith.constant 0 : i32
        %dma_start3A_82 = arith.constant 0 : i32
        %dma_start3A_83 = tpu.memref_slice %arg19[%dma_start3A_81, %dma_start3A_82] : memref<10240x32xf32, #tpu.memory_space<vmem_shared>> -> memref<10240x32xf32, #tpu.memory_space<vmem_shared>>
        tpu.enqueue_indirect_dma source(%arg12 : memref<128x32xf32, #tpu.memory_space<vmem>>) target(%dma_start3A_83 : memref<10240x32xf32, #tpu.memory_space<vmem_shared>>) offsets(%dma_start3A_80 : memref<128xi32, #tpu.memory_space<vmem>>) semaphore(%run_scoped3A_77 : memref<!tpu.dma_semaphore, #tpu.memory_space<semaphore_mem>>) {add = true}
        %dma_wait3A_84 = arith.constant 0 : i32
        %dma_wait3A_85 = tpu.memref_slice %arg10[%run_scoped3A_60, %dma_wait3A_84] : memref<120x128xi32, #tpu.memory_space<vmem>> -> memref<1x128xi32, #tpu.memory_space<vmem>>
        %dma_wait3A_86 = tpu.memref_squeeze %dma_wait3A_85 : memref<1x128xi32, #tpu.memory_space<vmem>> -> memref<128xi32, #tpu.memory_space<vmem>>
        %dma_wait3A_87 = arith.constant 0 : i32
        %dma_wait3A_88 = arith.constant 0 : i32
        %dma_wait3A_89 = tpu.memref_slice %arg19[%dma_wait3A_87, %dma_wait3A_88] : memref<10240x32xf32, #tpu.memory_space<vmem_shared>> -> memref<10240x32xf32, #tpu.memory_space<vmem_shared>>
        tpu.wait_indirect_dma semaphore(%run_scoped3A_77 : memref<!tpu.dma_semaphore, #tpu.memory_space<semaphore_mem>>) src(%arg12 : memref<128x32xf32, #tpu.memory_space<vmem>>) dst(%dma_wait3A_89 : memref<10240x32xf32, #tpu.memory_space<vmem_shared>>)
        tpu.yield
      }) : () -> ()
      %dma_wait3A_61 = arith.constant 38 : i32
      %dma_wait3A_62 = arith.constant 0 : i32
      %dma_wait3A_63 = tpu.memref_slice %arg9[%dma_wait3A_61, %dma_wait3A_62] : memref<120x128xi32, #tpu.memory_space<vmem>> -> memref<1x128xi32, #tpu.memory_space<vmem>>
      %dma_wait3A_64 = tpu.memref_squeeze %dma_wait3A_63 : memref<1x128xi32, #tpu.memory_space<vmem>> -> memref<128xi32, #tpu.memory_space<vmem>>
      %dma_wait3A_65 = arith.constant 0 : i32
      %dma_wait3A_66 = arith.constant 0 : i32
      %dma_wait3A_67 = tpu.memref_slice %arg2[%dma_wait3A_65, %dma_wait3A_66] : memref<10240x32xf32, #tpu.memory_space<hbm>> -> memref<10240x32xf32, #tpu.memory_space<hbm>>
      tpu.wait_indirect_dma semaphore(%arg17 : memref<!tpu.dma_semaphore, #tpu.memory_space<semaphore_mem>>) src(%dma_wait3A_67 : memref<10240x32xf32, #tpu.memory_space<hbm>>) dst(%arg13 : memref<128x32xf32, #tpu.memory_space<vmem>>)
      %run_scoped3A_68 = arith.constant 38 : i32
      "tpu.region"() ({
        %run_scoped3A_77 = tpu.sem_alloc : memref<!tpu.dma_semaphore, #tpu.memory_space<semaphore_mem>>
        %dma_start3A_78 = arith.constant 0 : i32
        %dma_start3A_79 = tpu.memref_slice %arg10[%run_scoped3A_68, %dma_start3A_78] : memref<120x128xi32, #tpu.memory_space<vmem>> -> memref<1x128xi32, #tpu.memory_space<vmem>>
        %dma_start3A_80 = tpu.memref_squeeze %dma_start3A_79 : memref<1x128xi32, #tpu.memory_space<vmem>> -> memref<128xi32, #tpu.memory_space<vmem>>
        %dma_start3A_81 = arith.constant 0 : i32
        %dma_start3A_82 = arith.constant 0 : i32
        %dma_start3A_83 = tpu.memref_slice %arg19[%dma_start3A_81, %dma_start3A_82] : memref<10240x32xf32, #tpu.memory_space<vmem_shared>> -> memref<10240x32xf32, #tpu.memory_space<vmem_shared>>
        tpu.enqueue_indirect_dma source(%arg13 : memref<128x32xf32, #tpu.memory_space<vmem>>) target(%dma_start3A_83 : memref<10240x32xf32, #tpu.memory_space<vmem_shared>>) offsets(%dma_start3A_80 : memref<128xi32, #tpu.memory_space<vmem>>) semaphore(%run_scoped3A_77 : memref<!tpu.dma_semaphore, #tpu.memory_space<semaphore_mem>>) {add = true}
        %dma_wait3A_84 = arith.constant 0 : i32
        %dma_wait3A_85 = tpu.memref_slice %arg10[%run_scoped3A_68, %dma_wait3A_84] : memref<120x128xi32, #tpu.memory_space<vmem>> -> memref<1x128xi32, #tpu.memory_space<vmem>>
        %dma_wait3A_86 = tpu.memref_squeeze %dma_wait3A_85 : memref<1x128xi32, #tpu.memory_space<vmem>> -> memref<128xi32, #tpu.memory_space<vmem>>
        %dma_wait3A_87 = arith.constant 0 : i32
        %dma_wait3A_88 = arith.constant 0 : i32
        %dma_wait3A_89 = tpu.memref_slice %arg19[%dma_wait3A_87, %dma_wait3A_88] : memref<10240x32xf32, #tpu.memory_space<vmem_shared>> -> memref<10240x32xf32, #tpu.memory_space<vmem_shared>>
        tpu.wait_indirect_dma semaphore(%run_scoped3A_77 : memref<!tpu.dma_semaphore, #tpu.memory_space<semaphore_mem>>) src(%arg13 : memref<128x32xf32, #tpu.memory_space<vmem>>) dst(%dma_wait3A_89 : memref<10240x32xf32, #tpu.memory_space<vmem_shared>>)
        tpu.yield
      }) : () -> ()
      %dma_wait3A_69 = arith.constant 39 : i32
      %dma_wait3A_70 = arith.constant 0 : i32
      %dma_wait3A_71 = tpu.memref_slice %arg9[%dma_wait3A_69, %dma_wait3A_70] : memref<120x128xi32, #tpu.memory_space<vmem>> -> memref<1x128xi32, #tpu.memory_space<vmem>>
      %dma_wait3A_72 = tpu.memref_squeeze %dma_wait3A_71 : memref<1x128xi32, #tpu.memory_space<vmem>> -> memref<128xi32, #tpu.memory_space<vmem>>
      %dma_wait3A_73 = arith.constant 0 : i32
      %dma_wait3A_74 = arith.constant 0 : i32
      %dma_wait3A_75 = tpu.memref_slice %arg2[%dma_wait3A_73, %dma_wait3A_74] : memref<10240x32xf32, #tpu.memory_space<hbm>> -> memref<10240x32xf32, #tpu.memory_space<hbm>>
      tpu.wait_indirect_dma semaphore(%arg18 : memref<!tpu.dma_semaphore, #tpu.memory_space<semaphore_mem>>) src(%dma_wait3A_75 : memref<10240x32xf32, #tpu.memory_space<hbm>>) dst(%arg14 : memref<128x32xf32, #tpu.memory_space<vmem>>)
      %run_scoped3A_76 = arith.constant 39 : i32
      "tpu.region"() ({
        %run_scoped3A_77 = tpu.sem_alloc : memref<!tpu.dma_semaphore, #tpu.memory_space<semaphore_mem>>
        %dma_start3A_78 = arith.constant 0 : i32
        %dma_start3A_79 = tpu.memref_slice %arg10[%run_scoped3A_76, %dma_start3A_78] : memref<120x128xi32, #tpu.memory_space<vmem>> -> memref<1x128xi32, #tpu.memory_space<vmem>>
        %dma_start3A_80 = tpu.memref_squeeze %dma_start3A_79 : memref<1x128xi32, #tpu.memory_space<vmem>> -> memref<128xi32, #tpu.memory_space<vmem>>
        %dma_start3A_81 = arith.constant 0 : i32
        %dma_start3A_82 = arith.constant 0 : i32
        %dma_start3A_83 = tpu.memref_slice %arg19[%dma_start3A_81, %dma_start3A_82] : memref<10240x32xf32, #tpu.memory_space<vmem_shared>> -> memref<10240x32xf32, #tpu.memory_space<vmem_shared>>
        tpu.enqueue_indirect_dma source(%arg14 : memref<128x32xf32, #tpu.memory_space<vmem>>) target(%dma_start3A_83 : memref<10240x32xf32, #tpu.memory_space<vmem_shared>>) offsets(%dma_start3A_80 : memref<128xi32, #tpu.memory_space<vmem>>) semaphore(%run_scoped3A_77 : memref<!tpu.dma_semaphore, #tpu.memory_space<semaphore_mem>>) {add = true}
        %dma_wait3A_84 = arith.constant 0 : i32
        %dma_wait3A_85 = tpu.memref_slice %arg10[%run_scoped3A_76, %dma_wait3A_84] : memref<120x128xi32, #tpu.memory_space<vmem>> -> memref<1x128xi32, #tpu.memory_space<vmem>>
        %dma_wait3A_86 = tpu.memref_squeeze %dma_wait3A_85 : memref<1x128xi32, #tpu.memory_space<vmem>> -> memref<128xi32, #tpu.memory_space<vmem>>
        %dma_wait3A_87 = arith.constant 0 : i32
        %dma_wait3A_88 = arith.constant 0 : i32
        %dma_wait3A_89 = tpu.memref_slice %arg19[%dma_wait3A_87, %dma_wait3A_88] : memref<10240x32xf32, #tpu.memory_space<vmem_shared>> -> memref<10240x32xf32, #tpu.memory_space<vmem_shared>>
        tpu.wait_indirect_dma semaphore(%run_scoped3A_77 : memref<!tpu.dma_semaphore, #tpu.memory_space<semaphore_mem>>) src(%arg14 : memref<128x32xf32, #tpu.memory_space<vmem>>) dst(%dma_wait3A_89 : memref<10240x32xf32, #tpu.memory_space<vmem_shared>>)
        tpu.yield
      }) : () -> ()
    } else {
    }
    %barrier3A = arith.constant 0 : index
    tpu.barrier barrier_id(%barrier3A)
    %mul3A_10 = arith.constant 640 : i32
    %mul3A_11 = arith.muli %arg1, %mul3A_10 : i32
    %mul3A_12 = arith.constant 640 : i32
    %mul3A_13 = arith.muli %arg1, %mul3A_12 : i32
    "tpu.region"() ({
      %run_scoped3A = tpu.sem_alloc : memref<!tpu.dma_semaphore, #tpu.memory_space<semaphore_mem>>
      %dma_start3A = arith.constant 0 : i32
      %dma_start3A_14 = tpu.memref_slice %arg8[%arg0, %mul3A_13, %dma_start3A] : memref<2x10240x32xf32, #tpu.memory_space<hbm>> -> memref<1x640x32xf32, #tpu.memory_space<hbm>>
      %dma_start3A_15 = tpu.memref_squeeze %dma_start3A_14 : memref<1x640x32xf32, #tpu.memory_space<hbm>> -> memref<640x32xf32, #tpu.memory_space<hbm>>
      %dma_start3A_16 = arith.constant 0 : i32
      %dma_start3A_17 = tpu.memref_slice %arg19[%mul3A_11, %dma_start3A_16] : memref<10240x32xf32, #tpu.memory_space<vmem_shared>> -> memref<640x32xf32, #tpu.memory_space<vmem_shared>>
      tpu.enqueue_dma source(%dma_start3A_17 : memref<640x32xf32, #tpu.memory_space<vmem_shared>>) target(%dma_start3A_15 : memref<640x32xf32, #tpu.memory_space<hbm>>) target_semaphore(%run_scoped3A : memref<!tpu.dma_semaphore, #tpu.memory_space<semaphore_mem>>)
      %dma_wait3A = arith.constant 0 : i32
      %dma_wait3A_18 = tpu.memref_slice %arg8[%arg0, %mul3A_13, %dma_wait3A] : memref<2x10240x32xf32, #tpu.memory_space<hbm>> -> memref<1x640x32xf32, #tpu.memory_space<hbm>>
      %dma_wait3A_19 = tpu.memref_squeeze %dma_wait3A_18 : memref<1x640x32xf32, #tpu.memory_space<hbm>> -> memref<640x32xf32, #tpu.memory_space<hbm>>
      %dma_wait3A_20 = arith.constant 0 : i32
      %dma_wait3A_21 = tpu.memref_slice %arg19[%mul3A_11, %dma_wait3A_20] : memref<10240x32xf32, #tpu.memory_space<vmem_shared>> -> memref<640x32xf32, #tpu.memory_space<vmem_shared>>
      tpu.wait_dma2 semaphore(%run_scoped3A : memref<!tpu.dma_semaphore, #tpu.memory_space<semaphore_mem>>) src(%dma_wait3A_21 : memref<640x32xf32, #tpu.memory_space<vmem_shared>>) dst(%dma_wait3A_19 : memref<640x32xf32, #tpu.memory_space<hbm>>)
      tpu.yield
    }) : () -> ()
    return
  }
}

module attributes {stable_mosaic.version = 14 : i64} {
  func.func @_tc1_body(%arg0: i32, %arg1: memref<512x128xf32, #tpu.memory_space<vmem>>, %arg2: memref<512x128xf32, #tpu.memory_space<vmem>>, %arg3: memref<512x128xf32, #tpu.memory_space<vmem>>, %arg4: memref<512x128xf32, #tpu.memory_space<vmem>>, %arg5: memref<128x32xf32, #tpu.memory_space<vmem>>, %arg6: memref<2x512x4xf32, #tpu.memory_space<vmem>>, %arg7: memref<4x128xf32, #tpu.memory_space<vmem>>, %arg8: memref<512x128xf32, #tpu.memory_space<vmem>>) attributes {dimension_semantics = [#tpu.dimension_semantics<arbitrary>], iteration_bounds = array<i64: 5>, scalar_prefetch = 0 : i64, scratch_operands = 0 : i64, tpu.core_type = #tpu.core_type<tc>, window_params = [{transform_indices = @transform_0, window_bounds = array<i64: 512, 128>}, {transform_indices = @transform_1, window_bounds = array<i64: 512, 128>}, {transform_indices = @transform_2, window_bounds = array<i64: 512, 128>}, {transform_indices = @transform_3, window_bounds = array<i64: 512, 128>}, {pipeline_mode = #tpu.pipeline_mode<synchronous>, transform_indices = @transform_4, window_bounds = array<i64: 128, 32>}, {transform_indices = @transform_5, window_bounds = array<i64: 2, 512, 4>}, {pipeline_mode = #tpu.pipeline_mode<synchronous>, transform_indices = @transform_6, window_bounds = array<i64: 4, 128>}, {transform_indices = @transform_7, window_bounds = array<i64: 512, 128>}]} {
    %get3A = arith.constant 0 : index
    %get3A_0 = arith.constant 0 : index
    %get3A_1 = vector.load %arg5[%get3A, %get3A_0] : memref<128x32xf32, #tpu.memory_space<vmem>>, vector<128x32xf32>
    %get3A_2 = arith.constant 0 : index
    %get3A_3 = arith.constant 0 : index
    %get3A_4 = vector.load %arg1[%get3A_2, %get3A_3] : memref<512x128xf32, #tpu.memory_space<vmem>>, vector<512x128xf32>
    %dot_general3A = arith.constant dense<0.000000e+00> : vector<512x32xf32>
    %dot_general3A_5 = tpu.matmul %get3A_4, %get3A_1, %dot_general3A {dimension_numbers = #tpu.dot_dimension_numbers<[1], [0], [0], [1], [0, 0, 1, 1], [], []>, transpose_lhs_hint = false} : vector<512x128xf32>, vector<128x32xf32>, vector<512x32xf32> -> vector<512x32xf32>
    %get3A_6 = arith.constant 0 : index
    %get3A_7 = arith.constant 0 : index
    %get3A_8 = vector.load %arg2[%get3A_6, %get3A_7] : memref<512x128xf32, #tpu.memory_space<vmem>>, vector<512x128xf32>
    %dot_general3A_9 = arith.constant dense<0.000000e+00> : vector<512x32xf32>
    %dot_general3A_10 = tpu.matmul %get3A_8, %get3A_1, %dot_general3A_9 {dimension_numbers = #tpu.dot_dimension_numbers<[1], [0], [0], [1], [0, 0, 1, 1], [], []>, transpose_lhs_hint = false} : vector<512x128xf32>, vector<128x32xf32>, vector<512x32xf32> -> vector<512x32xf32>
    %get3A_11 = arith.constant 0 : index
    %get3A_12 = arith.constant 0 : index
    %get3A_13 = vector.load %arg3[%get3A_11, %get3A_12] : memref<512x128xf32, #tpu.memory_space<vmem>>, vector<512x128xf32>
    %dot_general3A_14 = arith.constant dense<0.000000e+00> : vector<512x32xf32>
    %dot_general3A_15 = tpu.matmul %get3A_13, %get3A_1, %dot_general3A_14 {dimension_numbers = #tpu.dot_dimension_numbers<[1], [0], [0], [1], [0, 0, 1, 1], [], []>, transpose_lhs_hint = false} : vector<512x128xf32>, vector<128x32xf32>, vector<512x32xf32> -> vector<512x32xf32>
    %get3A_16 = arith.constant 0 : index
    %get3A_17 = arith.constant 0 : index
    %get3A_18 = vector.load %arg4[%get3A_16, %get3A_17] : memref<512x128xf32, #tpu.memory_space<vmem>>, vector<512x128xf32>
    %dot_general3A_19 = arith.constant dense<0.000000e+00> : vector<512x32xf32>
    %dot_general3A_20 = tpu.matmul %get3A_18, %get3A_1, %dot_general3A_19 {dimension_numbers = #tpu.dot_dimension_numbers<[1], [0], [0], [1], [0, 0, 1, 1], [], []>, transpose_lhs_hint = false} : vector<512x128xf32>, vector<128x32xf32>, vector<512x32xf32> -> vector<512x32xf32>
    %concatenate3A = tpu.concatenate %dot_general3A_5, %dot_general3A_10, %dot_general3A_15, %dot_general3A_20 in 1 : vector<512x32xf32>, vector<512x32xf32>, vector<512x32xf32>, vector<512x32xf32> -> vector<512x128xf32>
    %get3A_21 = arith.constant 0 : index
    %get3A_22 = arith.constant 0 : index
    %get3A_23 = arith.constant 0 : index
    %get3A_24 = vector.load %arg6[%get3A_21, %get3A_22, %get3A_23] : memref<2x512x4xf32, #tpu.memory_space<vmem>>, vector<1x512x4xf32>
    %get3A_25 = vector.shape_cast %get3A_24 : vector<1x512x4xf32> to vector<512x4xf32>
    %get3A_26 = arith.constant 1 : index
    %get3A_27 = arith.constant 0 : index
    %get3A_28 = arith.constant 0 : index
    %get3A_29 = vector.load %arg6[%get3A_26, %get3A_27, %get3A_28] : memref<2x512x4xf32, #tpu.memory_space<vmem>>, vector<1x512x4xf32>
    %get3A_30 = vector.shape_cast %get3A_29 : vector<1x512x4xf32> to vector<512x4xf32>
    %add3A = arith.addf %get3A_25, %get3A_30 : vector<512x4xf32>
    %add3A_31 = arith.constant 1.000000e+00 : f32
    %add3A_32 = vector.broadcast %add3A_31 : f32 to vector<512x4xf32>
    %add3A_33 = arith.addf %add3A, %add3A_32 : vector<512x4xf32>
    %rsqrt3A = math.rsqrt %add3A_33 : vector<512x4xf32>
    %get3A_34 = arith.constant 0 : index
    %get3A_35 = arith.constant 0 : index
    %get3A_36 = vector.load %arg7[%get3A_34, %get3A_35] : memref<4x128xf32, #tpu.memory_space<vmem>>, vector<4x128xf32>
    %dot_general3A_37 = arith.constant dense<0.000000e+00> : vector<512x128xf32>
    %dot_general3A_38 = tpu.matmul %rsqrt3A, %get3A_36, %dot_general3A_37 {dimension_numbers = #tpu.dot_dimension_numbers<[1], [0], [0], [1], [0, 0, 1, 1], [], []>, precision = #tpu.contract_precision<fp32>, transpose_lhs_hint = false} : vector<512x4xf32>, vector<4x128xf32>, vector<512x128xf32> -> vector<512x128xf32>
    %mul3A = arith.mulf %concatenate3A, %dot_general3A_38 : vector<512x128xf32>
    %swap3A = arith.constant 0 : index
    %swap3A_39 = arith.constant 0 : index
    %swap3A_40 = vector.load %arg8[%swap3A, %swap3A_39] : memref<512x128xf32, #tpu.memory_space<vmem>>, vector<512x128xf32>
    tpu.vector_store %arg8[%swap3A, %swap3A_39], %mul3A {strides = array<i32>} : memref<512x128xf32, #tpu.memory_space<vmem>>, vector<512x128xf32>,
    return
  }
  func.func @transform_0(%arg0: i32) -> (i32, i32) {
    %add3A = arith.constant 0 : i32
    %add3A_0 = arith.addi %arg0, %add3A : i32
    %c0_i32 = arith.constant 0 : i32
    %c0_i32_1 = arith.constant 0 : i32
    return %add3A_0, %c0_i32 : i32, i32
  }
  func.func @transform_1(%arg0: i32) -> (i32, i32) {
    %add3A = arith.constant 5 : i32
    %add3A_0 = arith.addi %arg0, %add3A : i32
    %c0_i32 = arith.constant 0 : i32
    %c0_i32_1 = arith.constant 0 : i32
    return %add3A_0, %c0_i32 : i32, i32
  }
  func.func @transform_2(%arg0: i32) -> (i32, i32) {
    %add3A = arith.constant 10 : i32
    %add3A_0 = arith.addi %arg0, %add3A : i32
    %c0_i32 = arith.constant 0 : i32
    %c0_i32_1 = arith.constant 0 : i32
    return %add3A_0, %c0_i32 : i32, i32
  }
  func.func @transform_3(%arg0: i32) -> (i32, i32) {
    %add3A = arith.constant 15 : i32
    %add3A_0 = arith.addi %arg0, %add3A : i32
    %c0_i32 = arith.constant 0 : i32
    %c0_i32_1 = arith.constant 0 : i32
    return %add3A_0, %c0_i32 : i32, i32
  }
  func.func @transform_4(%arg0: i32) -> (i32, i32) {
    %c0_i32 = arith.constant 0 : i32
    %c0_i32_0 = arith.constant 0 : i32
    %c0_i32_1 = arith.constant 0 : i32
    return %c0_i32, %c0_i32_0 : i32, i32
  }
  func.func @transform_5(%arg0: i32) -> (i32, i32, i32) {
    %c0_i32 = arith.constant 0 : i32
    %c0_i32_0 = arith.constant 0 : i32
    %c0_i32_1 = arith.constant 0 : i32
    return %c0_i32, %arg0, %c0_i32_0 : i32, i32, i32
  }
  func.func @transform_6(%arg0: i32) -> (i32, i32) {
    %c0_i32 = arith.constant 0 : i32
    %c0_i32_0 = arith.constant 0 : i32
    %c0_i32_1 = arith.constant 0 : i32
    return %c0_i32, %c0_i32_0 : i32, i32
  }
  func.func @transform_7(%arg0: i32) -> (i32, i32) {
    %c0_i32 = arith.constant 0 : i32
    %c0_i32_0 = arith.constant 0 : i32
    return %arg0, %c0_i32 : i32, i32
  }
}

module attributes {stable_mosaic.version = 14 : i64} {
  func.func @_tc2_body(%arg0: i32, %arg1: memref<2x512x128xf32, #tpu.memory_space<vmem>>, %arg2: memref<512x128xf32, #tpu.memory_space<vmem>>, %arg3: memref<2x512x4xf32, #tpu.memory_space<vmem>>, %arg4: memref<4x128xf32, #tpu.memory_space<vmem>>, %arg5: memref<1x128xf32, #tpu.memory_space<vmem>>, %arg6: memref<128x128xf32, #tpu.memory_space<vmem>>, %arg7: memref<512x128xf32, #tpu.memory_space<vmem>>, %arg8: memref<512x128xf32, #tpu.memory_space<vmem>>) attributes {dimension_semantics = [#tpu.dimension_semantics<arbitrary>], iteration_bounds = array<i64: 5>, scalar_prefetch = 0 : i64, scratch_operands = 0 : i64, tpu.core_type = #tpu.core_type<tc>, window_params = [{transform_indices = @transform_0, window_bounds = array<i64: 2, 512, 128>}, {transform_indices = @transform_1, window_bounds = array<i64: 512, 128>}, {transform_indices = @transform_2, window_bounds = array<i64: 2, 512, 4>}, {pipeline_mode = #tpu.pipeline_mode<synchronous>, transform_indices = @transform_3, window_bounds = array<i64: 4, 128>}, {pipeline_mode = #tpu.pipeline_mode<synchronous>, transform_indices = @transform_4, window_bounds = array<i64: 1, 128>}, {pipeline_mode = #tpu.pipeline_mode<synchronous>, transform_indices = @transform_5, window_bounds = array<i64: 128, 128>}, {transform_indices = @transform_6, window_bounds = array<i64: 512, 128>}, {transform_indices = @transform_7, window_bounds = array<i64: 512, 128>}]} {
    %get3A = arith.constant 0 : index
    %get3A_0 = arith.constant 0 : index
    %get3A_1 = arith.constant 0 : index
    %get3A_2 = vector.load %arg3[%get3A, %get3A_0, %get3A_1] : memref<2x512x4xf32, #tpu.memory_space<vmem>>, vector<1x512x4xf32>
    %get3A_3 = vector.shape_cast %get3A_2 : vector<1x512x4xf32> to vector<512x4xf32>
    %get3A_4 = arith.constant 1 : index
    %get3A_5 = arith.constant 0 : index
    %get3A_6 = arith.constant 0 : index
    %get3A_7 = vector.load %arg3[%get3A_4, %get3A_5, %get3A_6] : memref<2x512x4xf32, #tpu.memory_space<vmem>>, vector<1x512x4xf32>
    %get3A_8 = vector.shape_cast %get3A_7 : vector<1x512x4xf32> to vector<512x4xf32>
    %add3A = arith.addf %get3A_3, %get3A_8 : vector<512x4xf32>
    %add3A_9 = arith.constant 1.000000e+00 : f32
    %add3A_10 = vector.broadcast %add3A_9 : f32 to vector<512x4xf32>
    %add3A_11 = arith.addf %add3A, %add3A_10 : vector<512x4xf32>
    %rsqrt3A = math.rsqrt %add3A_11 : vector<512x4xf32>
    %get3A_12 = arith.constant 0 : index
    %get3A_13 = arith.constant 0 : index
    %get3A_14 = vector.load %arg4[%get3A_12, %get3A_13] : memref<4x128xf32, #tpu.memory_space<vmem>>, vector<4x128xf32>
    %dot_general3A = arith.constant dense<0.000000e+00> : vector<512x128xf32>
    %dot_general3A_15 = tpu.matmul %rsqrt3A, %get3A_14, %dot_general3A {dimension_numbers = #tpu.dot_dimension_numbers<[1], [0], [0], [1], [0, 0, 1, 1], [], []>, precision = #tpu.contract_precision<fp32>, transpose_lhs_hint = false} : vector<512x4xf32>, vector<4x128xf32>, vector<512x128xf32> -> vector<512x128xf32>
    %get3A_16 = arith.constant 0 : index
    %get3A_17 = arith.constant 0 : index
    %get3A_18 = arith.constant 0 : index
    %get3A_19 = vector.load %arg1[%get3A_16, %get3A_17, %get3A_18] : memref<2x512x128xf32, #tpu.memory_space<vmem>>, vector<1x512x128xf32>
    %get3A_20 = vector.shape_cast %get3A_19 : vector<1x512x128xf32> to vector<512x128xf32>
    %get3A_21 = arith.constant 1 : index
    %get3A_22 = arith.constant 0 : index
    %get3A_23 = arith.constant 0 : index
    %get3A_24 = vector.load %arg1[%get3A_21, %get3A_22, %get3A_23] : memref<2x512x128xf32, #tpu.memory_space<vmem>>, vector<1x512x128xf32>
    %get3A_25 = vector.shape_cast %get3A_24 : vector<1x512x128xf32> to vector<512x128xf32>
    %add3A_26 = arith.addf %get3A_20, %get3A_25 : vector<512x128xf32>
    %get3A_27 = arith.constant 0 : index
    %get3A_28 = arith.constant 0 : index
    %get3A_29 = vector.load %arg2[%get3A_27, %get3A_28] : memref<512x128xf32, #tpu.memory_space<vmem>>, vector<512x128xf32>
    %add3A_30 = arith.addf %add3A_26, %get3A_29 : vector<512x128xf32>
    %mul3A = arith.mulf %add3A_30, %dot_general3A_15 : vector<512x128xf32>
    %get3A_31 = arith.constant 0 : index
    %get3A_32 = arith.constant 0 : index
    %get3A_33 = vector.load %arg5[%get3A_31, %get3A_32] : memref<1x128xf32, #tpu.memory_space<vmem>>, vector<1x128xf32>
    %add3A_34 = vector.broadcast %get3A_33 : vector<1x128xf32> to vector<512x128xf32>
    %add3A_35 = arith.addf %mul3A, %add3A_34 : vector<512x128xf32>
    %max3A = arith.constant 0.000000e+00 : f32
    %max3A_36 = vector.broadcast %max3A : f32 to vector<512x128xf32>
    %max3A_37 = arith.maximumf %add3A_35, %max3A_36 : vector<512x128xf32>
    %swap3A = arith.constant 0 : index
    %swap3A_38 = arith.constant 0 : index
    %swap3A_39 = vector.load %arg7[%swap3A, %swap3A_38] : memref<512x128xf32, #tpu.memory_space<vmem>>, vector<512x128xf32>
    tpu.vector_store %arg7[%swap3A, %swap3A_38], %max3A_37 {strides = array<i32>} : memref<512x128xf32, #tpu.memory_space<vmem>>, vector<512x128xf32>,
    %get3A_40 = arith.constant 0 : index
    %get3A_41 = arith.constant 0 : index
    %get3A_42 = vector.load %arg6[%get3A_40, %get3A_41] : memref<128x128xf32, #tpu.memory_space<vmem>>, vector<128x128xf32>
    %dot_general3A_43 = arith.constant dense<0.000000e+00> : vector<512x128xf32>
    %dot_general3A_44 = tpu.matmul %max3A_37, %get3A_42, %dot_general3A_43 {dimension_numbers = #tpu.dot_dimension_numbers<[1], [0], [0], [1], [0, 0, 1, 1], [], []>, transpose_lhs_hint = false} : vector<512x128xf32>, vector<128x128xf32>, vector<512x128xf32> -> vector<512x128xf32>
    %mul3A_45 = arith.mulf %dot_general3A_44, %dot_general3A_15 : vector<512x128xf32>
    %swap3A_46 = arith.constant 0 : index
    %swap3A_47 = arith.constant 0 : index
    %swap3A_48 = vector.load %arg8[%swap3A_46, %swap3A_47] : memref<512x128xf32, #tpu.memory_space<vmem>>, vector<512x128xf32>
    tpu.vector_store %arg8[%swap3A_46, %swap3A_47], %mul3A_45 {strides = array<i32>} : memref<512x128xf32, #tpu.memory_space<vmem>>, vector<512x128xf32>,
    return
  }
  func.func @transform_0(%arg0: i32) -> (i32, i32, i32) {
    %c0_i32 = arith.constant 0 : i32
    %c0_i32_0 = arith.constant 0 : i32
    %c0_i32_1 = arith.constant 0 : i32
    return %c0_i32, %arg0, %c0_i32_0 : i32, i32, i32
  }
  func.func @transform_1(%arg0: i32) -> (i32, i32) {
    %c0_i32 = arith.constant 0 : i32
    %c0_i32_0 = arith.constant 0 : i32
    return %arg0, %c0_i32 : i32, i32
  }
  func.func @transform_2(%arg0: i32) -> (i32, i32, i32) {
    %c0_i32 = arith.constant 0 : i32
    %c0_i32_0 = arith.constant 0 : i32
    %c0_i32_1 = arith.constant 0 : i32
    return %c0_i32, %arg0, %c0_i32_0 : i32, i32, i32
  }
  func.func @transform_3(%arg0: i32) -> (i32, i32) {
    %c0_i32 = arith.constant 0 : i32
    %c0_i32_0 = arith.constant 0 : i32
    %c0_i32_1 = arith.constant 0 : i32
    return %c0_i32, %c0_i32_0 : i32, i32
  }
  func.func @transform_4(%arg0: i32) -> (i32, i32) {
    %c0_i32 = arith.constant 0 : i32
    %c0_i32_0 = arith.constant 0 : i32
    %c0_i32_1 = arith.constant 0 : i32
    return %c0_i32, %c0_i32_0 : i32, i32
  }
  func.func @transform_5(%arg0: i32) -> (i32, i32) {
    %c0_i32 = arith.constant 0 : i32
    %c0_i32_0 = arith.constant 0 : i32
    %c0_i32_1 = arith.constant 0 : i32
    return %c0_i32, %c0_i32_0 : i32, i32
  }
  func.func @transform_6(%arg0: i32) -> (i32, i32) {
    %c0_i32 = arith.constant 0 : i32
    %c0_i32_0 = arith.constant 0 : i32
    return %arg0, %c0_i32 : i32, i32
  }
  func.func @transform_7(%arg0: i32) -> (i32, i32) {
    %c0_i32 = arith.constant 0 : i32
    %c0_i32_0 = arith.constant 0 : i32
    return %arg0, %c0_i32 : i32, i32
  }
}

module attributes {stable_mosaic.version = 14 : i64} {
  func.func @_tc3_body(%arg0: i32, %arg1: memref<2x512x128xf32, #tpu.memory_space<vmem>>, %arg2: memref<512x128xf32, #tpu.memory_space<vmem>>, %arg3: memref<512x128xf32, #tpu.memory_space<vmem>>, %arg4: memref<2x512x4xf32, #tpu.memory_space<vmem>>, %arg5: memref<4x128xf32, #tpu.memory_space<vmem>>, %arg6: memref<1x128xf32, #tpu.memory_space<vmem>>, %arg7: memref<128x4xf32, #tpu.memory_space<vmem>>, %arg8: memref<1x4xf32, #tpu.memory_space<vmem>>, %arg9: memref<512x4xf32, #tpu.memory_space<vmem>>) attributes {dimension_semantics = [#tpu.dimension_semantics<arbitrary>], iteration_bounds = array<i64: 5>, scalar_prefetch = 0 : i64, scratch_operands = 0 : i64, tpu.core_type = #tpu.core_type<tc>, window_params = [{transform_indices = @transform_0, window_bounds = array<i64: 2, 512, 128>}, {transform_indices = @transform_1, window_bounds = array<i64: 512, 128>}, {transform_indices = @transform_2, window_bounds = array<i64: 512, 128>}, {transform_indices = @transform_3, window_bounds = array<i64: 2, 512, 4>}, {pipeline_mode = #tpu.pipeline_mode<synchronous>, transform_indices = @transform_4, window_bounds = array<i64: 4, 128>}, {pipeline_mode = #tpu.pipeline_mode<synchronous>, transform_indices = @transform_5, window_bounds = array<i64: 1, 128>}, {pipeline_mode = #tpu.pipeline_mode<synchronous>, transform_indices = @transform_6, window_bounds = array<i64: 128, 4>}, {pipeline_mode = #tpu.pipeline_mode<synchronous>, transform_indices = @transform_7, window_bounds = array<i64: 1, 4>}, {transform_indices = @transform_8, window_bounds = array<i64: 512, 4>}]} {
    %get3A = arith.constant 0 : index
    %get3A_0 = arith.constant 0 : index
    %get3A_1 = arith.constant 0 : index
    %get3A_2 = vector.load %arg4[%get3A, %get3A_0, %get3A_1] : memref<2x512x4xf32, #tpu.memory_space<vmem>>, vector<1x512x4xf32>
    %get3A_3 = vector.shape_cast %get3A_2 : vector<1x512x4xf32> to vector<512x4xf32>
    %get3A_4 = arith.constant 1 : index
    %get3A_5 = arith.constant 0 : index
    %get3A_6 = arith.constant 0 : index
    %get3A_7 = vector.load %arg4[%get3A_4, %get3A_5, %get3A_6] : memref<2x512x4xf32, #tpu.memory_space<vmem>>, vector<1x512x4xf32>
    %get3A_8 = vector.shape_cast %get3A_7 : vector<1x512x4xf32> to vector<512x4xf32>
    %add3A = arith.addf %get3A_3, %get3A_8 : vector<512x4xf32>
    %add3A_9 = arith.constant 1.000000e+00 : f32
    %add3A_10 = vector.broadcast %add3A_9 : f32 to vector<512x4xf32>
    %add3A_11 = arith.addf %add3A, %add3A_10 : vector<512x4xf32>
    %rsqrt3A = math.rsqrt %add3A_11 : vector<512x4xf32>
    %get3A_12 = arith.constant 0 : index
    %get3A_13 = arith.constant 0 : index
    %get3A_14 = vector.load %arg5[%get3A_12, %get3A_13] : memref<4x128xf32, #tpu.memory_space<vmem>>, vector<4x128xf32>
    %dot_general3A = arith.constant dense<0.000000e+00> : vector<512x128xf32>
    %dot_general3A_15 = tpu.matmul %rsqrt3A, %get3A_14, %dot_general3A {dimension_numbers = #tpu.dot_dimension_numbers<[1], [0], [0], [1], [0, 0, 1, 1], [], []>, precision = #tpu.contract_precision<fp32>, transpose_lhs_hint = false} : vector<512x4xf32>, vector<4x128xf32>, vector<512x128xf32> -> vector<512x128xf32>
    %get3A_16 = arith.constant 0 : index
    %get3A_17 = arith.constant 0 : index
    %get3A_18 = arith.constant 0 : index
    %get3A_19 = vector.load %arg1[%get3A_16, %get3A_17, %get3A_18] : memref<2x512x128xf32, #tpu.memory_space<vmem>>, vector<1x512x128xf32>
    %get3A_20 = vector.shape_cast %get3A_19 : vector<1x512x128xf32> to vector<512x128xf32>
    %get3A_21 = arith.constant 1 : index
    %get3A_22 = arith.constant 0 : index
    %get3A_23 = arith.constant 0 : index
    %get3A_24 = vector.load %arg1[%get3A_21, %get3A_22, %get3A_23] : memref<2x512x128xf32, #tpu.memory_space<vmem>>, vector<1x512x128xf32>
    %get3A_25 = vector.shape_cast %get3A_24 : vector<1x512x128xf32> to vector<512x128xf32>
    %add3A_26 = arith.addf %get3A_20, %get3A_25 : vector<512x128xf32>
    %get3A_27 = arith.constant 0 : index
    %get3A_28 = arith.constant 0 : index
    %get3A_29 = vector.load %arg2[%get3A_27, %get3A_28] : memref<512x128xf32, #tpu.memory_space<vmem>>, vector<512x128xf32>
    %add3A_30 = arith.addf %add3A_26, %get3A_29 : vector<512x128xf32>
    %mul3A = arith.mulf %add3A_30, %dot_general3A_15 : vector<512x128xf32>
    %get3A_31 = arith.constant 0 : index
    %get3A_32 = arith.constant 0 : index
    %get3A_33 = vector.load %arg6[%get3A_31, %get3A_32] : memref<1x128xf32, #tpu.memory_space<vmem>>, vector<1x128xf32>
    %add3A_34 = vector.broadcast %get3A_33 : vector<1x128xf32> to vector<512x128xf32>
    %add3A_35 = arith.addf %mul3A, %add3A_34 : vector<512x128xf32>
    %get3A_36 = arith.constant 0 : index
    %get3A_37 = arith.constant 0 : index
    %get3A_38 = vector.load %arg3[%get3A_36, %get3A_37] : memref<512x128xf32, #tpu.memory_space<vmem>>, vector<512x128xf32>
    %add3A_39 = arith.addf %get3A_38, %add3A_35 : vector<512x128xf32>
    %get3A_40 = arith.constant 0 : index
    %get3A_41 = arith.constant 0 : index
    %get3A_42 = vector.load %arg7[%get3A_40, %get3A_41] : memref<128x4xf32, #tpu.memory_space<vmem>>, vector<128x4xf32>
    %dot_general3A_43 = arith.constant dense<0.000000e+00> : vector<512x4xf32>
    %dot_general3A_44 = tpu.matmul %add3A_39, %get3A_42, %dot_general3A_43 {dimension_numbers = #tpu.dot_dimension_numbers<[1], [0], [0], [1], [0, 0, 1, 1], [], []>, transpose_lhs_hint = false} : vector<512x128xf32>, vector<128x4xf32>, vector<512x4xf32> -> vector<512x4xf32>
    %get3A_45 = arith.constant 0 : index
    %get3A_46 = arith.constant 0 : index
    %get3A_47 = vector.load %arg8[%get3A_45, %get3A_46] : memref<1x4xf32, #tpu.memory_space<vmem>>, vector<1x4xf32>
    %add3A_48 = vector.broadcast %get3A_47 : vector<1x4xf32> to vector<512x4xf32>
    %add3A_49 = arith.addf %dot_general3A_44, %add3A_48 : vector<512x4xf32>
    %tanh3A = math.tanh %add3A_49 : vector<512x4xf32>
    %mul3A_50 = arith.constant 5.000000e+00 : f32
    %mul3A_51 = vector.broadcast %mul3A_50 : f32 to vector<512x4xf32>
    %mul3A_52 = arith.mulf %tanh3A, %mul3A_51 : vector<512x4xf32>
    %swap3A = arith.constant 0 : index
    %swap3A_53 = arith.constant 0 : index
    %swap3A_54 = vector.load %arg9[%swap3A, %swap3A_53] : memref<512x4xf32, #tpu.memory_space<vmem>>, vector<512x4xf32>
    tpu.vector_store %arg9[%swap3A, %swap3A_53], %mul3A_52 {strides = array<i32>} : memref<512x4xf32, #tpu.memory_space<vmem>>, vector<512x4xf32>,
    return
  }
  func.func @transform_0(%arg0: i32) -> (i32, i32, i32) {
    %c0_i32 = arith.constant 0 : i32
    %c0_i32_0 = arith.constant 0 : i32
    %c0_i32_1 = arith.constant 0 : i32
    return %c0_i32, %arg0, %c0_i32_0 : i32, i32, i32
  }
  func.func @transform_1(%arg0: i32) -> (i32, i32) {
    %c0_i32 = arith.constant 0 : i32
    %c0_i32_0 = arith.constant 0 : i32
    return %arg0, %c0_i32 : i32, i32
  }
  func.func @transform_2(%arg0: i32) -> (i32, i32) {
    %c0_i32 = arith.constant 0 : i32
    %c0_i32_0 = arith.constant 0 : i32
    return %arg0, %c0_i32 : i32, i32
  }
  func.func @transform_3(%arg0: i32) -> (i32, i32, i32) {
    %c0_i32 = arith.constant 0 : i32
    %c0_i32_0 = arith.constant 0 : i32
    %c0_i32_1 = arith.constant 0 : i32
    return %c0_i32, %arg0, %c0_i32_0 : i32, i32, i32
  }
  func.func @transform_4(%arg0: i32) -> (i32, i32) {
    %c0_i32 = arith.constant 0 : i32
    %c0_i32_0 = arith.constant 0 : i32
    %c0_i32_1 = arith.constant 0 : i32
    return %c0_i32, %c0_i32_0 : i32, i32
  }
  func.func @transform_5(%arg0: i32) -> (i32, i32) {
    %c0_i32 = arith.constant 0 : i32
    %c0_i32_0 = arith.constant 0 : i32
    %c0_i32_1 = arith.constant 0 : i32
    return %c0_i32, %c0_i32_0 : i32, i32
  }
  func.func @transform_6(%arg0: i32) -> (i32, i32) {
    %c0_i32 = arith.constant 0 : i32
    %c0_i32_0 = arith.constant 0 : i32
    %c0_i32_1 = arith.constant 0 : i32
    return %c0_i32, %c0_i32_0 : i32, i32
  }
  func.func @transform_7(%arg0: i32) -> (i32, i32) {
    %c0_i32 = arith.constant 0 : i32
    %c0_i32_0 = arith.constant 0 : i32
    %c0_i32_1 = arith.constant 0 : i32
    return %c0_i32, %c0_i32_0 : i32, i32
  }
  func.func @transform_8(%arg0: i32) -> (i32, i32) {
    %c0_i32 = arith.constant 0 : i32
    %c0_i32_0 = arith.constant 0 : i32
    return %arg0, %c0_i32 : i32, i32
  }
}

</mosaic_0001>

<sc_bundles>
// kernel: kernel.11.cloned.1.call-start
scs
__scs_entry_jumppad:
0x0: {  	(pc) =	sbr.rel $0x88, $3  }
0x1: {  	(tag) =	ssettag $0x0;
	lr =	simm.s32 $0x1  }
0x2: {  	[smem:$0x3F99] =	sst lr;
	_ =	strace $0xD0000000  }
0x3: {  	_ = 	snop  }
0x4: {  	_ = 	snop  }
0x5: {  	_ = 	snop  }
0x6: {  	_ = 	snop  }
0x7: {  	_ = 	snop  }
__scs_overlays_trampoline_lowered:
0x8: {  	[smem:$0x3FA8] =	sst s0  }
0x9: {  	[smem:$0x3FA9] =	sst s1  }
0xa: {  	[smem:$0x3FAA] =	sst s2  }
0xb: {  	[smem:$0x3FAB] =	sst s3  }
0xc: {  	[smem:$0x3FAC] =	sst s4  }
0xd: {  	[smem:$0x3FAD] =	sst s5  }
0xe: {  	[smem:$0x3FAE] =	sst s6  }
0xf: {  	[smem:$0x3FAF] =	sst s7  }
0x10: {  	[smem:$0x3FB0] =	sst s8  }
0x11: {  	[smem:$0x3FB1] =	sst s9;
	s0 =	simm.s32 @!p0 $0x0  }
0x12: {  	s1 =	sld [smem:$0x3F97];
	s0 =	simm.s32 @p0 $0x1  }
0x13: {  	[smem:$0x3FB2] =	sst s0;
	s0 =	simm.s32 @!p1 $0x0  }
0x14: {  	s2 =	sld [smem:$0x3F96];
	s0 =	simm.s32 @p1 $0x1  }
0x15: {  	[smem:$0x3FB3] =	sst s0;
	s0 =	simm.s32 @!p2 $0x0  }
0x16: {  	s3 =	sld [smem:$0x3FDB];
	s0 =	simm.s32 @p2 $0x1  }
0x17: {  	s4 =	simm.s32 $0x1BF5;
	[smem:$0x3FB5] =	sst s0  }
0x18: {  	s0 =	sld [smem:$0x3F98];
	_ =	swait.ge [sflag:s4], $0x0  }
0x19: {  	s7 =	sld [smem:$0x3F99]  }
0x1a: {  	s8 =	sadd.s32 $0xFFFFE003, lr  }
0x1b: {  	s9 =	sadd.s32 $0xFFFFFEF7, lr;
	s5 =	simm.s32 $0xFFFFFFFF;
	p2 =	slt.u32 s8, $0xFFFFF086  }
0x1c: {  	p1 =	slt.u32 s9, $0xF7A;
	s5 =	simm.s32 @!p2 $0x0  }
0x1d: {  	s5 =	simm.s32 @p1 $0x1;
	p0 =	seq.s32 s7, s2  }
0x1e: {  	s7 =	smul.u32 @!p0 $0xF7A, s2;
	p2 =	seq.s32 @!p0 s5, $0x0  }
0x1f: {  	s9 =	smul.u32 $0xF7A, s1;
	s8 =	simm.s32 @!p0 $0x1BF5;
	p2 =	por !p2, p0  }
0x20: {  	[sflag:s8] =	ssyncset.s32 @!p0 $0xFFFFF086;
	s6 =	sadd.s32 @!p0 s3, s7;
	s7 =	simm.s32 @!p0 $0x108  }
0x21: {  	s3 =	sadd.s32 s3, s9;
	s6 =	sadd.s32 @!p0 $0x88, s6;
	s7 =	simm.s32 @p2 $0x1082  }
0x22: {  	[simem:s7], [sflag:s8] =	dma.local @!p0 [hbm:s6], $0xF7A  }
0x23: {  	s9 =	sor.u32 $0xD0000000, s2;
	s6 =	simm.s32 $0x108;
	_ =	swait.ge @!p0 [sflag:s8], $0x0  }
0x24: {  	s3 =	sadd.s32 $0x88, s3;
	s6 =	simm.s32 @!p1 $0x1082;
	[sflag:s4] =	ssyncset.s32 $0xFFFFF086  }
0x25: {  	[simem:s6], [sflag:s4] =	dma.local [hbm:s3], $0xF7A  }
0x26: {  	[smem:$0x3F99] =	sst s1;
	(tag) =	ssettag s2;
	_ =	strace s9  }
0x27: {  	s1 =	sld [smem:$0x3FA9]  }
0x28: {  	s2 =	sld [smem:$0x3FAA]  }
0x29: {  	s4 =	sld [smem:$0x3FAC]  }
0x2a: {  	p0 =	seq.s32 s5, $0x0;
	s5 =	sld [smem:$0x3FAD]  }
0x2b: {  	s6 =	sld [smem:$0x3FAE]  }
0x2c: {  	s7 =	sld [smem:$0x3FAF]  }
0x2d: {  	s3 =	simm.s32 $0x108;
	s8 =	sld [smem:$0x3FB0]  }
0x2e: {  	s3 =	simm.s32 @!p0 $0x1082;
	s9 =	sld [smem:$0x3FB1]  }
0x2f: {  	lr =	sadd.s32 s0, s3;
	s0 =	sld [smem:$0x3FA8]  }
0x30: {  	s3 =	sld [smem:$0x3FAB]  }
0x31: {  	[smem:$0x3FB4] =	sst s10  }
0x32: {  	s10 =	sld [smem:$0x3FB2];
	_ =	sdelay $0x3  }
0x33: {  	p0 =	seq.s32 s10, $0x1;
	s10 =	sld [smem:$0x3FB4];
	_ =	sdelay $0x3  }
0x34: {  	[smem:$0x3FB4] =	sst s10  }
0x35: {  	s10 =	sld [smem:$0x3FB3];
	_ =	sdelay $0x3  }
0x36: {  	p1 =	seq.s32 s10, $0x1;
	s10 =	sld [smem:$0x3FB4];
	_ =	sdelay $0x3  }
0x37: {  	[smem:$0x3FB4] =	sst s10  }
0x38: {  	s10 =	sld [smem:$0x3FB5]  }
0x39: {  	_ = 	snop;
	(pc) =	sbr.ind lr, $3  }
0x3a: {  	_ = 	snop  }
0x3b: {  	_ = 	snop  }
0x3c: {  	p2 =	seq.s32 s10, $0x1;
	s10 =	sld [smem:$0x3FB4]  }
0x3d: {  	_ =	shalt  }
0x3e: {  	_ =	shalt  }
0x3f: {  	_ =	shalt  }
0x40: {  	_ =	shalt  }
0x41: {  	_ =	shalt  }
0x42: {  	_ =	shalt  }
0x43: {  	_ =	shalt  }
0x44: {  	_ =	shalt  }
0x45: {  	_ =	shalt  }
0x46: {  	_ =	shalt  }
0x47: {  	_ =	shalt  }
0x48: {  	_ =	shalt  }
0x49: {  	_ =	shalt  }
0x4a: {  	_ =	shalt  }
0x4b: {  	_ =	shalt  }
0x4c: {  	_ =	shalt  }
0x4d: {  	_ =	shalt  }
0x4e: {  	_ =	shalt  }
0x4f: {  	_ =	shalt  }
0x50: {  	_ =	shalt  }
0x51: {  	_ =	shalt  }
0x52: {  	_ =	shalt  }
0x53: {  	_ =	shalt  }
0x54: {  	_ =	shalt  }
0x55: {  	_ =	shalt  }
0x56: {  	_ =	shalt  }
0x57: {  	_ =	shalt  }
0x58: {  	_ =	shalt  }
0x59: {  	_ =	shalt  }
0x5a: {  	_ =	shalt  }
0x5b: {  	_ =	shalt  }
0x5c: {  	_ =	shalt  }
0x5d: {  	_ =	shalt  }
0x5e: {  	_ =	shalt  }
0x5f: {  	_ =	shalt  }
0x60: {  	_ =	shalt  }
0x61: {  	_ =	shalt  }
0x62: {  	_ =	shalt  }
0x63: {  	_ =	shalt  }
0x64: {  	_ =	shalt  }
0x65: {  	_ =	shalt  }
0x66: {  	_ =	shalt  }
0x67: {  	_ =	shalt  }
0x68: {  	_ =	shalt  }
0x69: {  	_ =	shalt  }
0x6a: {  	_ =	shalt  }
0x6b: {  	_ =	shalt  }
0x6c: {  	_ =	shalt  }
0x6d: {  	_ =	shalt  }
0x6e: {  	_ =	shalt  }
0x6f: {  	_ =	shalt  }
0x70: {  	_ =	shalt  }
0x71: {  	_ =	shalt  }
0x72: {  	_ =	shalt  }
0x73: {  	_ =	shalt  }
0x74: {  	_ =	shalt  }
0x75: {  	_ =	shalt  }
0x76: {  	_ =	shalt  }
0x77: {  	_ =	shalt  }
0x78: {  	_ =	shalt  }
0x79: {  	_ =	shalt  }
0x7a: {  	_ =	shalt  }
0x7b: {  	_ =	shalt  }
0x7c: {  	_ =	shalt  }
0x7d: {  	_ =	shalt  }
0x7e: {  	_ =	shalt  }
0x7f: {  	_ =	shalt  }
0x80: {  	_ =	shalt  }
0x81: {  	_ =	shalt  }
0x82: {  	_ =	shalt  }
0x83: {  	_ =	shalt  }
0x84: {  	_ =	shalt  }
0x85: {  	_ =	shalt  }
0x86: {  	_ =	shalt  }
0x87: {  	_ =	shalt  }
.Lfunc_end0:
.L_simem_size_0:
called_computation.1_lowered:
.L_overlay_start_0:
0x88: {  	s2 =	sld [smem:$0x3FD9]  }
0x89: {  	s3 =	sld [smem:$0x3FFE];
	_ =	sdelay $0x1  }
0x8a: {  	s1 =	srdreg.scid  }
0x8b: {  	s0 =	sand.u32 $0x1, s1  }
0x8c: {  	s16 =	sshll.u32 s0, $0xA;
	s2 =	sadd.s32 s3, s2  }
0x8d: {  	s2 =	sadd.s32 s2, s16  }
0x8e: {  	[smem:$0x3FC0] =	sst s2  }
0x8f: {  	_ = 	snop  }
0x90: {  	(tm) =	ssettm $0x1  }
0x91: {  	s17 =	sld [smem:$0x3FFB];
	_ =	sdelay $0x3  }
0x92: {  	_ =	strace s17  }
0x93: {  	s2 =	sld [smem:$0x3FFC];
	_ =	sdelay $0x3  }
0x94: {  	_ =	strace s2  }
0x95: {  	s2 =	sld [smem:$0x3FFD];
	_ =	sdelay $0x3  }
0x96: {  	_ =	strace s2  }
0x97: {  	_ =	strace $0x8FFFFFFF  }
0x98: {  	s18 =	sld [smem:$0x3FDB];
	_ =	sdelay $0x1  }
0x99: {  	s19 =	simm.s32 $_scs_section_size  }
0x9a: {  	s4 =	simm.s32 $_size__tile_overlayer_lowered;
	s5 =	simm.s32 $_tile_overlayer_lowered  }
0x9b: {  	s22 =	simm.s32 $0x1BFF;
	s21 =	sshll.u32 s5, $0x1;
	s2 =	sadd.s32 s19, s18  }
0x9c: {  	s6 =	simm.s32 $0x0;
	s20 =	sshll.u32 s4, $0x1;
	s4 =	sadd.s32 s21, s2  }
0x9d: {  	[timem:s6], [sflag:s22] =	dma.local [hbm:s4], s20  }
0x9e: {  	_ =	swait.ge [sflag:s22], s20  }
0x9f: {  	s3 =	ssub.s32 $0x0, s20;
	[sflag:s22] =	ssyncset.done $0x0  }
0xa0: {  	[sflag:s22] =	ssyncadd.s32 s3;
	_ =	sdelay $0x1  }
0xa1: {  	s23 =	simm.s32 $0x1B8B  }
0xa2: {  	_ =	swait.ge [sflag:s23], $0x1  }
0xa3: {  	[sflag:s23] =	ssyncset.done $0x0  }
0xa4: {  	s25 =	simm.s32 $0x1B8E;
	s24 =	sld [smem:$0x3FFE];
	[sflag:s23] =	ssyncadd.s32 $0xFFFFFFFF  }
0xa5: {  	s26 =	simm.s32 $execute0_lowered;
	[smem:$0x3FD2] =	sst s25  }
0xa6: {  	s4 =	sshll.u32 s26, $0x1;
	_ =	strace $0x80000049;
	[dreg:$0x1] =	wrdreg $0xFFFFFFFF  }
0xa7: {  	s28 =	simm.s32 $_size_execute0_lowered;
	s2 =	sadd.s32 s2, s4;
	[dreg:$0x0] =	wrdreg $0x0  }
0xa8: {  	s4 =	sshll.u32 s28, $0x1;
	[dreg:$0x2] =	wrdreg s2  }
0xa9: {  	[dreg:$0x3] =	wrdreg s4  }
0xaa: {  	[dreg:$0x4] =	wrdreg $0xC0  }
0xab: {  	_ =	task [dreg:s6], $0x5FFFF  }
0xac: {  	[dreg:$0x1] =	wrdreg $0xFFFFFFFF  }
0xad: {  	[dreg:$0x0] =	wrdreg $0x60  }
0xae: {  	[dreg:$0x2] =	wrdreg s24  }
0xaf: {  	[dreg:$0x3] =	wrdreg $0xB8000  }
0xb0: {  	[dreg:$0x4] =	wrdreg $0x9  }
0xb1: {  	_ =	task.clear_ibuf [dreg:s6], $0x5FFFF;
	_ =	strace $0x90000049  }
0xb2: {  	s29 =	simm.s32 $0x9;
	_ =	strace $0x8000004B  }
0xb3: {  	_ =	swait.ge [sflag:s29], $0x1  }
0xb4: {  	[sflag:s29] =	ssyncadd.s32 $0xFFFFFFFF  }
0xb5: {  	_ =	strace $0x9000004B  }
0xb6: {  	_ =	sfence  }
0xb7: {  	s30 =	sld [smem:$0x0];
	_ =	sdelay $0x2  }
0xb8: {  	s31 =	sshll.u32 s1, $0xD;
	s1 =	sshrl.u32 s1, $0x2  }
0xb9: {  	s3 =	sand.u32 $0x4000, s31;
	s1 =	sadd.s32 s1, s30  }
0xba: {  	s0 =	sor.u32 s3, s0;
	s1 =	sshll.u32 s1, $0x11  }
0xbb: {  	s0 =	sor.u32 s1, s0  }
0xbc: {  	s0 =	sadd.s32 $0x8F2B, s0  }
0xbd: {  	[sflag:s0] =	ssyncadd.remote.s32 $0x1  }
0xbe: {  	_ =	sfence.sel $0xFFFF  }
0xbf: {  	[dreg:$0x0] =	wrdreg $0xFFFFFFFF;
	(pc) =	sbr.abs _section_cstart, $3  }
0xc0: {  	[dreg:$0x1] =	wrdreg $0xFFFFFFFF  }
0xc1: {  	_ =	task.clear_ibuf [dreg:s6], $0x2FFFF;
	_ =	strace $0x9FFFFFFF  }
0xc2: {  	(tm) =	ssettm $0x7FFFFFFF  }
0xc3: {  	_ =	shalt  }
tec
execute0_lowered:
.L_overlay_start_1:
0x0: {  	(tag) =	ssettag $0x1  }
0x1: {  	s5 =	rddreg [dreg:$0x0]  }
0x2: {  	s2 =	rddreg [dreg:$0x1]  }
0x3: {  	s1 =	stileid.u32;
	s0 =	rddreg [dreg:$0x2];
	s3 =	simm.s32 $0x0  }
0x4: {  	s4 =	srdreg.scid;
	s16 =	simm.s32 $0x80;
	s17 =	simm.s32 $0x7800  }
0x5: {  	s18 =	simm.s32 $0x8800;
	s19 =	simm.s32 $0x100;
	s20 =	simm.s32 $0x9800  }
0x6: {  	s21 =	simm.s32 $0x180;
	s22 =	simm.s32 $0xA800;
	s23 =	simm.s32 $0x1  }
0x7: {  	s24 =	simm.s32 $0x2;
	s25 =	simm.s32 $0x3;
	s6 =	smul.u32 $0x780, s1  }
0x8: {  	s26 =	simm.s32 $0x4;
	s7 =	smul.u32 $0x280, s1;
	[smem:$0x7FF] =	sst s3  }
0x9: {  	s8 =	smul.u32 $0x5000, s1;
	s9 =	sand.u32 $0x1, s4;
	s4 =	sadd.s32 $0x2A00, s5  }
0xa: {  	s31 =	sshll.u32 s1, $0x6;
	_ =	strace $0x8000004A;
	s10 =	smul.u32 $0x50000, s9  }
0xb: {  	s30 =	ssub.s32 $0x2, s9;
	p0 =	seq.s32 s9, $0x1;
	s11 =	sadd.s32 s6, s5  }
0xc: {  	s12 =	sadd.s32 s7, s5;
	s28 =	sshrl.u32 s8, $0x3;
	s13 =	sshrl.u32 s30, $0x1  }
0xd: {  	s15 =	sadd.s32 s8, s2;
	s29 =	sadd.s32 s8, s10;
	s6 =	sadd.s32 s28, s5  }
.Ltmp0:
0xe: {  	s13 =	ssub.s32 s30, s13;
	s8 =	sadd.s32 $0xDA00, s11;
	(pc) =	sbr.rel .LBB2_1-.Ltmp0, $4  }
0xf: {  	s9 =	sadd.s32 $0x1F200, s12;
	s10 =	sadd.s32 $0x15200, s12;
	s7 =	sshrl.u32 s29, $0x3  }
0x10: {  	s12 =	smax.u32 s13, $0x1;
	s13 =	sshrl.u32 s15, $0x3;
	s15 =	simm.s32 $0x3C00  }
0x11: {  	s14 =	sadd.s32 s7, s5;
	s5 =	sadd.s32 $0x21A00, s6;
	s6 =	sor.u32 $0x1C05, s31  }
0x12: {  	s7 =	sadd.s32 $0x17A00, s11;
	s11 =	sadd.s32 $0x2BA00, s14;
	s14 =	simm.s32 $0x5  }
.LBB2_4:
0x13: {  	[tilespmem:s22], [sflag:$0x4] =	stream.indirect.gather [hbm4b:s4+s16], $0x20, s29, s16, $0xb8;
	[tilespmem:$0x10800] =	vst v63  }
0x14: {  	s28 =	simm.s32 $0x7780  }
0x15: {  	s29 =	simm.s32 $0x7700;
	s30 =	simm.s32 $0x7680;
	s31 =	simm.s32 $0x7600  }
.LBB2_8:
0x16: {  	_ =	swait.ge [sflag:s23], $0x1000  }
0x17: {  	[sflag:s23] =	ssyncset.done $0x0  }
0x18: {  	[sflag:s23] =	ssyncadd.s32 $0xFFFFF000  }
0x19: {  	[spmem:s2] =	stream.indirect.scatter.add.f32 [tilespmem:s17], [sflag:$0x5], $0x20, s31, s16, $0xb8;
	[tilespmem:$0x10800] =	vst v63  }
0x1a: {  	_ =	swait.ge [sflag:s14], $0x1000  }
0x1b: {  	[sflag:s14] =	ssyncset.done $0x0  }
0x1c: {  	[sflag:s14] =	ssyncadd.s32 $0xFFFFF000  }
0x1d: {  	_ =	swait.ge [sflag:s24], $0x1000  }
0x1e: {  	[sflag:s24] =	ssyncset.done $0x0  }
0x1f: {  	[sflag:s24] =	ssyncadd.s32 $0xFFFFF000  }
0x20: {  	[spmem:s2] =	stream.indirect.scatter.add.f32 [tilespmem:s18], [sflag:$0x5], $0x20, s30, s16, $0xb8;
	[tilespmem:$0x10800] =	vst v63  }
0x21: {  	_ =	swait.ge [sflag:s14], $0x1000  }
0x22: {  	[sflag:s14] =	ssyncset.done $0x0  }
0x23: {  	[sflag:s14] =	ssyncadd.s32 $0xFFFFF000  }
0x24: {  	_ =	swait.ge [sflag:s25], $0x1000  }
0x25: {  	[sflag:s25] =	ssyncset.done $0x0  }
0x26: {  	[sflag:s25] =	ssyncadd.s32 $0xFFFFF000  }
0x27: {  	[spmem:s2] =	stream.indirect.scatter.add.f32 [tilespmem:s20], [sflag:$0x5], $0x20, s29, s16, $0xb8;
	[tilespmem:$0x10800] =	vst v63  }
0x28: {  	_ =	swait.ge [sflag:s14], $0x1000  }
0x29: {  	[sflag:s14] =	ssyncset.done $0x0  }
0x2a: {  	[sflag:s14] =	ssyncadd.s32 $0xFFFFF000  }
0x2b: {  	_ =	swait.ge [sflag:s26], $0x1000  }
0x2c: {  	[sflag:s26] =	ssyncset.done $0x0  }
0x2d: {  	[sflag:s26] =	ssyncadd.s32 $0xFFFFF000  }
0x2e: {  	[spmem:s2] =	stream.indirect.scatter.add.f32 [tilespmem:s22], [sflag:$0x5], $0x20, s28, s16, $0xb8;
	[tilespmem:$0x10800] =	vst v63  }
0x2f: {  	_ =	swait.ge [sflag:s14], $0x1000  }
0x30: {  	s3 =	sadd.s32 $0x1, s3;
	[sflag:s14] =	ssyncset.done $0x0  }
0x31: {  	p1 =	sne.s32 s3, s12;
	[sflag:s14] =	ssyncadd.s32 $0xFFFFF000  }
.Ltmp1:
0x32: {  	[bflag:$0x0] =	sbarrier.arrive $0xFFFF;
	(pc) =	sbr.rel @!p1 .LBB2_9-.Ltmp1, $4  }
0x33: {  	[hbm:s11], [sflag:s6] =	dma.local [spmem:s13], $0xA00  }
0x34: {  	_ =	swait.ge [sflag:s14], $0xA00  }
0x35: {  	[sflag:s14] =	ssyncset.done $0x0  }
0x36: {  	[sflag:s14] =	ssyncadd.s32 $0xFFFFF600  }
.LBB2_1:
.Ltmp2:
0x37: {  	(pc) =	sbr.rel @!p0 .LBB2_2-.Ltmp2, $4  }
0x38: {  	[spmem:s13], [sflag:s6] =	dma.local [hbm:s5], $0xA00  }
0x39: {  	_ =	swait.ge [sflag:s14], $0xA00  }
0x3a: {  	[sflag:s14] =	ssyncset.done $0x0  }
0x3b: {  	s28 =	simm.s32 $0x0;
	[sflag:s14] =	ssyncadd.s32 $0xFFFFF600  }
0x3c: {  	[tilespmem:s28], [sflag:$0x5] =	stream.linear.gather [hbm4b:s9+s28], $0x1400, $0x38;
	[tilespmem:$0x10800] =	vst v63  }
0x3d: {  	_ =	swait.ge [sflag:s14], $0x1400  }
0x3e: {  	[sflag:s14] =	ssyncset.done $0x0  }
0x3f: {  	[sflag:s14] =	ssyncadd.s32 $0xFFFFEC00  }
0x40: {  	[tilespmem:s15], [sflag:$0x5] =	stream.linear.gather [hbm4b:s10+s28], $0x1400, $0x38;
	[tilespmem:$0x10800] =	vst v63  }
0x41: {  	_ =	swait.ge [sflag:s14], $0x1400  }
0x42: {  	[sflag:s14] =	ssyncset.done $0x0  }
0x43: {  	[sflag:s14] =	ssyncadd.s32 $0xFFFFEC00  }
0x44: {  	[bflag:$0x0] =	sbarrier.arrive $0xFFFF  }
0x45: {  	[tilespmem:s17], [sflag:$0x1] =	stream.indirect.gather [hbm4b:s4+s16], $0x20, s28, s16, $0xb8;
	[tilespmem:$0x10800] =	vst v63  }
0x46: {  	_ = 	snop  }
0x47: {  	[tilespmem:s18], [sflag:$0x2] =	stream.indirect.gather [hbm4b:s4+s16], $0x20, s16, s16, $0xb8;
	[tilespmem:$0x10800] =	vst v63  }
0x48: {  	_ = 	snop  }
0x49: {  	[tilespmem:s20], [sflag:$0x3] =	stream.indirect.gather [hbm4b:s4+s16], $0x20, s19, s16, $0xb8;
	[tilespmem:$0x10800] =	vst v63  }
0x4a: {  	_ = 	snop  }
0x4b: {  	[tilespmem:s22], [sflag:$0x4] =	stream.indirect.gather [hbm4b:s4+s16], $0x20, s21, s16, $0xb8;
	[tilespmem:$0x10800] =	vst v63  }
0x4c: {  	_ =	swait.ge [sflag:s23], $0x1000  }
0x4d: {  	[sflag:s23] =	ssyncset.done $0x0  }
0x4e: {  	s28 =	simm.s32 $0x3C00;
	[sflag:s23] =	ssyncadd.s32 $0xFFFFF000  }
0x4f: {  	[spmem:s2] =	stream.indirect.scatter.add.f32 [tilespmem:s17], [sflag:$0x5], $0x20, s28, s16, $0xb8;
	[tilespmem:$0x10800] =	vst v63  }
0x50: {  	_ =	swait.ge [sflag:s14], $0x1000  }
0x51: {  	[sflag:s14] =	ssyncset.done $0x0  }
0x52: {  	s28 =	simm.s32 $0x200;
	[sflag:s14] =	ssyncadd.s32 $0xFFFFF000  }
0x53: {  	[tilespmem:s17], [sflag:$0x1] =	stream.indirect.gather [hbm4b:s4+s16], $0x20, s28, s16, $0xb8;
	[tilespmem:$0x10800] =	vst v63  }
0x54: {  	_ =	swait.ge [sflag:s24], $0x1000  }
0x55: {  	[sflag:s24] =	ssyncset.done $0x0  }
0x56: {  	s28 =	simm.s32 $0x3C80;
	[sflag:s24] =	ssyncadd.s32 $0xFFFFF000  }
0x57: {  	[spmem:s2] =	stream.indirect.scatter.add.f32 [tilespmem:s18], [sflag:$0x5], $0x20, s28, s16, $0xb8;
	[tilespmem:$0x10800] =	vst v63  }
0x58: {  	_ =	swait.ge [sflag:s14], $0x1000  }
0x59: {  	[sflag:s14] =	ssyncset.done $0x0  }
0x5a: {  	s28 =	simm.s32 $0x280;
	[sflag:s14] =	ssyncadd.s32 $0xFFFFF000  }
0x5b: {  	[tilespmem:s18], [sflag:$0x2] =	stream.indirect.gather [hbm4b:s4+s16], $0x20, s28, s16, $0xb8;
	[tilespmem:$0x10800] =	vst v63  }
0x5c: {  	_ =	swait.ge [sflag:s25], $0x1000  }
0x5d: {  	[sflag:s25] =	ssyncset.done $0x0  }
0x5e: {  	s28 =	simm.s32 $0x3D00;
	[sflag:s25] =	ssyncadd.s32 $0xFFFFF000  }
0x5f: {  	[spmem:s2] =	stream.indirect.scatter.add.f32 [tilespmem:s20], [sflag:$0x5], $0x20, s28, s16, $0xb8;
	[tilespmem:$0x10800] =	vst v63  }
0x60: {  	_ =	swait.ge [sflag:s14], $0x1000  }
0x61: {  	[sflag:s14] =	ssyncset.done $0x0  }
0x62: {  	s28 =	simm.s32 $0x300;
	[sflag:s14] =	ssyncadd.s32 $0xFFFFF000  }
0x63: {  	[tilespmem:s20], [sflag:$0x3] =	stream.indirect.gather [hbm4b:s4+s16], $0x20, s28, s16, $0xb8;
	[tilespmem:$0x10800] =	vst v63  }
0x64: {  	_ =	swait.ge [sflag:s26], $0x1000  }
0x65: {  	[sflag:s26] =	ssyncset.done $0x0  }
0x66: {  	s28 =	simm.s32 $0x3D80;
	[sflag:s26] =	ssyncadd.s32 $0xFFFFF000  }
0x67: {  	[spmem:s2] =	stream.indirect.scatter.add.f32 [tilespmem:s22], [sflag:$0x5], $0x20, s28, s16, $0xb8;
	[tilespmem:$0x10800] =	vst v63  }
0x68: {  	_ =	swait.ge [sflag:s14], $0x1000  }
0x69: {  	[sflag:s14] =	ssyncset.done $0x0  }
0x6a: {  	s29 =	simm.s32 $0x380;
	s28 =	simm.s32 $0x800;
	[sflag:s14] =	ssyncadd.s32 $0xFFFFF000  }
.LBB2_6:
0x6b: {  	[tilespmem:s22], [sflag:$0x4] =	stream.indirect.gather [hbm4b:s4+s16], $0x20, s29, s16, $0xb8;
	[tilespmem:$0x10800] =	vst v63  }
0x6c: {  	s29 =	smov.u32 s28  }
0x6d: {  	p1 =	sne.s32 s28, $0x4000;
	s28 =	sadd.s32 $0x800, s28;
	_ =	swait.ge [sflag:s23], $0x1000  }
0x6e: {  	s29 =	sshra.s32 s29, $0x2;
	[sflag:s23] =	ssyncset.done $0x0  }
0x6f: {  	s30 =	sadd.s32 $0x3C00, s29;
	[sflag:s23] =	ssyncadd.s32 $0xFFFFF000  }
0x70: {  	[spmem:s2] =	stream.indirect.scatter.add.f32 [tilespmem:s17], [sflag:$0x5], $0x20, s30, s16, $0xb8;
	[tilespmem:$0x10800] =	vst v63  }
0x71: {  	_ =	swait.ge [sflag:s14], $0x1000  }
0x72: {  	[sflag:s14] =	ssyncset.done $0x0  }
0x73: {  	s30 =	sadd.s32 $0x200, s29;
	[sflag:s14] =	ssyncadd.s32 $0xFFFFF000  }
0x74: {  	[tilespmem:s17], [sflag:$0x1] =	stream.indirect.gather [hbm4b:s4+s16], $0x20, s30, s16, $0xb8;
	[tilespmem:$0x10800] =	vst v63  }
0x75: {  	_ =	swait.ge [sflag:s24], $0x1000  }
0x76: {  	[sflag:s24] =	ssyncset.done $0x0  }
0x77: {  	s30 =	sadd.s32 $0x3C80, s29;
	[sflag:s24] =	ssyncadd.s32 $0xFFFFF000  }
0x78: {  	[spmem:s2] =	stream.indirect.scatter.add.f32 [tilespmem:s18], [sflag:$0x5], $0x20, s30, s16, $0xb8;
	[tilespmem:$0x10800] =	vst v63  }
0x79: {  	_ =	swait.ge [sflag:s14], $0x1000  }
0x7a: {  	[sflag:s14] =	ssyncset.done $0x0  }
0x7b: {  	s30 =	sadd.s32 $0x280, s29;
	[sflag:s14] =	ssyncadd.s32 $0xFFFFF000  }
0x7c: {  	[tilespmem:s18], [sflag:$0x2] =	stream.indirect.gather [hbm4b:s4+s16], $0x20, s30, s16, $0xb8;
	[tilespmem:$0x10800] =	vst v63  }
0x7d: {  	_ =	swait.ge [sflag:s25], $0x1000  }
0x7e: {  	[sflag:s25] =	ssyncset.done $0x0  }
0x7f: {  	s30 =	sadd.s32 $0x3D00, s29;
	[sflag:s25] =	ssyncadd.s32 $0xFFFFF000  }
0x80: {  	[spmem:s2] =	stream.indirect.scatter.add.f32 [tilespmem:s20], [sflag:$0x5], $0x20, s30, s16, $0xb8;
	[tilespmem:$0x10800] =	vst v63  }
0x81: {  	_ =	swait.ge [sflag:s14], $0x1000  }
0x82: {  	[sflag:s14] =	ssyncset.done $0x0  }
0x83: {  	s30 =	sadd.s32 $0x300, s29;
	[sflag:s14] =	ssyncadd.s32 $0xFFFFF000  }
0x84: {  	[tilespmem:s20], [sflag:$0x3] =	stream.indirect.gather [hbm4b:s4+s16], $0x20, s30, s16, $0xb8;
	[tilespmem:$0x10800] =	vst v63  }
0x85: {  	_ =	swait.ge [sflag:s26], $0x1000  }
0x86: {  	[sflag:s26] =	ssyncset.done $0x0  }
.Ltmp3:
0x87: {  	s30 =	sadd.s32 $0x3D80, s29;
	[sflag:s26] =	ssyncadd.s32 $0xFFFFF000;
	(pc) =	sbr.rel @p1 .LBB2_6-.Ltmp3, $4  }
0x88: {  	[spmem:s2] =	stream.indirect.scatter.add.f32 [tilespmem:s22], [sflag:$0x5], $0x20, s30, s16, $0xb8;
	[tilespmem:$0x10800] =	vst v63  }
0x89: {  	_ =	swait.ge [sflag:s14], $0x1000  }
0x8a: {  	[sflag:s14] =	ssyncset.done $0x0  }
0x8b: {  	s29 =	sadd.s32 $0x380, s29;
	[sflag:s14] =	ssyncadd.s32 $0xFFFFF000  }
.Ltmp4:
0x8c: {  	(pc) =	sbr.rel .LBB2_8-.Ltmp4, $4  }
0x8d: {  	_ = 	snop  }
0x8e: {  	[tilespmem:s22], [sflag:$0x4] =	stream.indirect.gather [hbm4b:s4+s16], $0x20, s29, s16, $0xb8;
	[tilespmem:$0x10800] =	vst v63  }
0x8f: {  	s28 =	simm.s32 $0x4F80  }
0x90: {  	s29 =	simm.s32 $0x4F00;
	s30 =	simm.s32 $0x4E80;
	s31 =	simm.s32 $0x4E00  }
.LBB2_2:
0x91: {  	[tilespmem:s28], [sflag:$0x5] =	stream.linear.gather [hbm4b:s7+s28], $0x3C00, $0x38;
	[tilespmem:$0x10800] =	vst v63  }
0x92: {  	_ =	swait.ge [sflag:s14], $0x3C00  }
0x93: {  	[sflag:s14] =	ssyncset.done $0x0  }
0x94: {  	[sflag:s14] =	ssyncadd.s32 $0xFFFFC400  }
0x95: {  	[tilespmem:s15], [sflag:$0x5] =	stream.linear.gather [hbm4b:s8+s28], $0x3C00, $0x38;
	[tilespmem:$0x10800] =	vst v63  }
0x96: {  	_ =	swait.ge [sflag:s14], $0x3C00  }
0x97: {  	[sflag:s14] =	ssyncset.done $0x0  }
0x98: {  	[sflag:s14] =	ssyncadd.s32 $0xFFFFC400  }
0x99: {  	[bflag:$0x0] =	sbarrier.arrive $0xFFFF  }
0x9a: {  	[tilespmem:s17], [sflag:$0x1] =	stream.indirect.gather [hbm4b:s4+s16], $0x20, s28, s16, $0xb8;
	[tilespmem:$0x10800] =	vst v63  }
0x9b: {  	_ = 	snop  }
0x9c: {  	[tilespmem:s18], [sflag:$0x2] =	stream.indirect.gather [hbm4b:s4+s16], $0x20, s16, s16, $0xb8;
	[tilespmem:$0x10800] =	vst v63  }
0x9d: {  	_ = 	snop  }
0x9e: {  	[tilespmem:s20], [sflag:$0x3] =	stream.indirect.gather [hbm4b:s4+s16], $0x20, s19, s16, $0xb8;
	[tilespmem:$0x10800] =	vst v63  }
0x9f: {  	_ = 	snop  }
0xa0: {  	[tilespmem:s22], [sflag:$0x4] =	stream.indirect.gather [hbm4b:s4+s16], $0x20, s21, s16, $0xb8;
	[tilespmem:$0x10800] =	vst v63  }
0xa1: {  	_ =	swait.ge [sflag:s23], $0x1000  }
0xa2: {  	[sflag:s23] =	ssyncset.done $0x0  }
0xa3: {  	s28 =	simm.s32 $0x3C00;
	[sflag:s23] =	ssyncadd.s32 $0xFFFFF000  }
0xa4: {  	[spmem:s2] =	stream.indirect.scatter.add.f32 [tilespmem:s17], [sflag:$0x5], $0x20, s28, s16, $0xb8;
	[tilespmem:$0x10800] =	vst v63  }
0xa5: {  	_ =	swait.ge [sflag:s14], $0x1000  }
0xa6: {  	[sflag:s14] =	ssyncset.done $0x0  }
0xa7: {  	s28 =	simm.s32 $0x200;
	[sflag:s14] =	ssyncadd.s32 $0xFFFFF000  }
0xa8: {  	[tilespmem:s17], [sflag:$0x1] =	stream.indirect.gather [hbm4b:s4+s16], $0x20, s28, s16, $0xb8;
	[tilespmem:$0x10800] =	vst v63  }
0xa9: {  	_ =	swait.ge [sflag:s24], $0x1000  }
0xaa: {  	[sflag:s24] =	ssyncset.done $0x0  }
0xab: {  	s28 =	simm.s32 $0x3C80;
	[sflag:s24] =	ssyncadd.s32 $0xFFFFF000  }
0xac: {  	[spmem:s2] =	stream.indirect.scatter.add.f32 [tilespmem:s18], [sflag:$0x5], $0x20, s28, s16, $0xb8;
	[tilespmem:$0x10800] =	vst v63  }
0xad: {  	_ =	swait.ge [sflag:s14], $0x1000  }
0xae: {  	[sflag:s14] =	ssyncset.done $0x0  }
0xaf: {  	s28 =	simm.s32 $0x280;
	[sflag:s14] =	ssyncadd.s32 $0xFFFFF000  }
0xb0: {  	[tilespmem:s18], [sflag:$0x2] =	stream.indirect.gather [hbm4b:s4+s16], $0x20, s28, s16, $0xb8;
	[tilespmem:$0x10800] =	vst v63  }
0xb1: {  	_ =	swait.ge [sflag:s25], $0x1000  }
0xb2: {  	[sflag:s25] =	ssyncset.done $0x0  }
0xb3: {  	s28 =	simm.s32 $0x3D00;
	[sflag:s25] =	ssyncadd.s32 $0xFFFFF000  }
0xb4: {  	[spmem:s2] =	stream.indirect.scatter.add.f32 [tilespmem:s20], [sflag:$0x5], $0x20, s28, s16, $0xb8;
	[tilespmem:$0x10800] =	vst v63  }
0xb5: {  	_ =	swait.ge [sflag:s14], $0x1000  }
0xb6: {  	[sflag:s14] =	ssyncset.done $0x0  }
0xb7: {  	s28 =	simm.s32 $0x300;
	[sflag:s14] =	ssyncadd.s32 $0xFFFFF000  }
0xb8: {  	[tilespmem:s20], [sflag:$0x3] =	stream.indirect.gather [hbm4b:s4+s16], $0x20, s28, s16, $0xb8;
	[tilespmem:$0x10800] =	vst v63  }
0xb9: {  	_ =	swait.ge [sflag:s26], $0x1000  }
0xba: {  	p1 =	por $0x0, $0x0;
	[sflag:s26] =	ssyncset.done $0x0  }
.Ltmp5:
0xbb: {  	s28 =	simm.s32 $0x3D80;
	[sflag:s26] =	ssyncadd.s32 $0xFFFFF000;
	(pc) =	sbr.rel @p1 .LBB2_4-.Ltmp5, $4  }
0xbc: {  	[spmem:s2] =	stream.indirect.scatter.add.f32 [tilespmem:s22], [sflag:$0x5], $0x20, s28, s16, $0xb8;
	[tilespmem:$0x10800] =	vst v63  }
0xbd: {  	_ =	swait.ge [sflag:s14], $0x1000  }
0xbe: {  	[sflag:s14] =	ssyncset.done $0x0  }
0xbf: {  	s29 =	simm.s32 $0x380;
	s28 =	simm.s32 $0x800;
	[sflag:s14] =	ssyncadd.s32 $0xFFFFF000  }
.LBB2_3:
0xc0: {  	[tilespmem:s22], [sflag:$0x4] =	stream.indirect.gather [hbm4b:s4+s16], $0x20, s29, s16, $0xb8;
	[tilespmem:$0x10800] =	vst v63  }
0xc1: {  	s29 =	smov.u32 s28  }
0xc2: {  	p1 =	seq.s32 s28, $0xE000;
	s28 =	sadd.s32 $0x800, s28;
	_ =	swait.ge [sflag:s23], $0x1000  }
0xc3: {  	s29 =	sshra.s32 s29, $0x2;
	[sflag:s23] =	ssyncset.done $0x0  }
0xc4: {  	s30 =	sadd.s32 $0x3C00, s29;
	[sflag:s23] =	ssyncadd.s32 $0xFFFFF000  }
0xc5: {  	[spmem:s2] =	stream.indirect.scatter.add.f32 [tilespmem:s17], [sflag:$0x5], $0x20, s30, s16, $0xb8;
	[tilespmem:$0x10800] =	vst v63  }
0xc6: {  	_ =	swait.ge [sflag:s14], $0x1000  }
0xc7: {  	[sflag:s14] =	ssyncset.done $0x0  }
0xc8: {  	s30 =	sadd.s32 $0x200, s29;
	[sflag:s14] =	ssyncadd.s32 $0xFFFFF000  }
0xc9: {  	[tilespmem:s17], [sflag:$0x1] =	stream.indirect.gather [hbm4b:s4+s16], $0x20, s30, s16, $0xb8;
	[tilespmem:$0x10800] =	vst v63  }
0xca: {  	_ =	swait.ge [sflag:s24], $0x1000  }
0xcb: {  	[sflag:s24] =	ssyncset.done $0x0  }
0xcc: {  	s30 =	sadd.s32 $0x3C80, s29;
	[sflag:s24] =	ssyncadd.s32 $0xFFFFF000  }
0xcd: {  	[spmem:s2] =	stream.indirect.scatter.add.f32 [tilespmem:s18], [sflag:$0x5], $0x20, s30, s16, $0xb8;
	[tilespmem:$0x10800] =	vst v63  }
0xce: {  	_ =	swait.ge [sflag:s14], $0x1000  }
0xcf: {  	[sflag:s14] =	ssyncset.done $0x0  }
0xd0: {  	s30 =	sadd.s32 $0x280, s29;
	[sflag:s14] =	ssyncadd.s32 $0xFFFFF000  }
0xd1: {  	[tilespmem:s18], [sflag:$0x2] =	stream.indirect.gather [hbm4b:s4+s16], $0x20, s30, s16, $0xb8;
	[tilespmem:$0x10800] =	vst v63  }
0xd2: {  	_ =	swait.ge [sflag:s25], $0x1000  }
0xd3: {  	[sflag:s25] =	ssyncset.done $0x0  }
0xd4: {  	s30 =	sadd.s32 $0x3D00, s29;
	[sflag:s25] =	ssyncadd.s32 $0xFFFFF000  }
0xd5: {  	[spmem:s2] =	stream.indirect.scatter.add.f32 [tilespmem:s20], [sflag:$0x5], $0x20, s30, s16, $0xb8;
	[tilespmem:$0x10800] =	vst v63  }
0xd6: {  	_ =	swait.ge [sflag:s14], $0x1000  }
0xd7: {  	[sflag:s14] =	ssyncset.done $0x0  }
0xd8: {  	s30 =	sadd.s32 $0x300, s29;
	[sflag:s14] =	ssyncadd.s32 $0xFFFFF000  }
0xd9: {  	[tilespmem:s20], [sflag:$0x3] =	stream.indirect.gather [hbm4b:s4+s16], $0x20, s30, s16, $0xb8;
	[tilespmem:$0x10800] =	vst v63  }
0xda: {  	_ =	swait.ge [sflag:s26], $0x1000  }
0xdb: {  	[sflag:s26] =	ssyncset.done $0x0  }
.Ltmp6:
0xdc: {  	s30 =	sadd.s32 $0x3D80, s29;
	[sflag:s26] =	ssyncadd.s32 $0xFFFFF000;
	(pc) =	sbr.rel @!p1 .LBB2_3-.Ltmp6, $4  }
0xdd: {  	[spmem:s2] =	stream.indirect.scatter.add.f32 [tilespmem:s22], [sflag:$0x5], $0x20, s30, s16, $0xb8;
	[tilespmem:$0x10800] =	vst v63  }
0xde: {  	_ =	swait.ge [sflag:s14], $0x1000  }
0xdf: {  	[sflag:s14] =	ssyncset.done $0x0  }
0xe0: {  	s29 =	sadd.s32 $0x380, s29;
	[sflag:s14] =	ssyncadd.s32 $0xFFFFF000  }
.Ltmp7:
0xe1: {  	_ = 	snop;
	(pc) =	sbr.rel .LBB2_4-.Ltmp7, $1  }
0xe2: {  	_ =	sdelay $0x3  }
.LBB2_9:
0xe3: {  	_ =	sfence.sel $0x180000  }
0xe4: {  	[bflag:$0x0] =	sbarrier.arrive $0xFFFF  }
0xe5: {  	p0 =	sne.s32 s1, $0x0;
	_ =	strace $0x9000004A  }
0xe6: {  	s0 =	sadd.s32 @!p0 $0x100000, s0;
	[bflag:$0x2] =	sbarrier.arrive $0xFFFF  }
0xe7: {  	[sflag:s0] =	ssyncadd.tile.s32 @!p0 $0x1;
	_ =	shalt  }
.Lfunc_end2:
_tile_overlayer_lowered:
.L_overlay_start_2:
0xe8: {  	(tag) =	ssettag $0x2  }
0xe9: {  	s0 =	rddreg [dreg:$0x0];
	s2 =	stileid.u32  }
0xea: {  	s1 =	rddreg [dreg:$0x1];
	p0 =	sne.s32 s2, $0x0  }
0xeb: {  	s3 =	rddreg [dreg:$0x2];
	[bflag:$0x3] =	sbarrier.arrive $0xFFFF;
	s2 =	simm.s32 @!p0 $0x1C05  }
0xec: {  	[timem:s3], [sflag:s2] =	dma.local @!p0 [hbm:s0], s1  }
0xed: {  	s0 =	simm.s32 @!p0 $0x5  }
0xee: {  	_ =	swait.ge @!p0 [sflag:s0], s1  }
0xef: {  	s1 =	ssub.s32 @!p0 $0x0, s1;
	[sflag:s0] =	ssyncset.done @!p0 $0x0  }
0xf0: {  	[sflag:s0] =	ssyncadd.s32 @!p0 s1  }
0xf1: {  	[bflag:$0x3] =	sbarrier.arrive $0xFFFF  }
0xf2: {  	_ =	shalt  }

// kernel: kernel.14.cloned.1.call-start
scs
__scs_entry_jumppad:
0x0: {  	(pc) =	sbr.rel $0x88, $3  }
0x1: {  	(tag) =	ssettag $0x0;
	lr =	simm.s32 $0x1  }
0x2: {  	[smem:$0x3F99] =	sst lr;
	_ =	strace $0xD0000000  }
0x3: {  	_ = 	snop  }
0x4: {  	_ = 	snop  }
0x5: {  	_ = 	snop  }
0x6: {  	_ = 	snop  }
0x7: {  	_ = 	snop  }
__scs_overlays_trampoline_lowered:
0x8: {  	[smem:$0x3FA8] =	sst s0  }
0x9: {  	[smem:$0x3FA9] =	sst s1  }
0xa: {  	[smem:$0x3FAA] =	sst s2  }
0xb: {  	[smem:$0x3FAB] =	sst s3  }
0xc: {  	[smem:$0x3FAC] =	sst s4  }
0xd: {  	[smem:$0x3FAD] =	sst s5  }
0xe: {  	[smem:$0x3FAE] =	sst s6  }
0xf: {  	[smem:$0x3FAF] =	sst s7  }
0x10: {  	[smem:$0x3FB0] =	sst s8  }
0x11: {  	[smem:$0x3FB1] =	sst s9;
	s0 =	simm.s32 @!p0 $0x0  }
0x12: {  	s1 =	sld [smem:$0x3F97];
	s0 =	simm.s32 @p0 $0x1  }
0x13: {  	[smem:$0x3FB2] =	sst s0;
	s0 =	simm.s32 @!p1 $0x0  }
0x14: {  	s2 =	sld [smem:$0x3F96];
	s0 =	simm.s32 @p1 $0x1  }
0x15: {  	[smem:$0x3FB3] =	sst s0;
	s0 =	simm.s32 @!p2 $0x0  }
0x16: {  	s3 =	sld [smem:$0x3FDB];
	s0 =	simm.s32 @p2 $0x1  }
0x17: {  	s4 =	simm.s32 $0x1BF5;
	[smem:$0x3FB5] =	sst s0  }
0x18: {  	s0 =	sld [smem:$0x3F98];
	_ =	swait.ge [sflag:s4], $0x0  }
0x19: {  	s7 =	sld [smem:$0x3F99]  }
0x1a: {  	s8 =	sadd.s32 $0xFFFFE003, lr  }
0x1b: {  	s9 =	sadd.s32 $0xFFFFFEF7, lr;
	s5 =	simm.s32 $0xFFFFFFFF;
	p2 =	slt.u32 s8, $0xFFFFF086  }
0x1c: {  	p1 =	slt.u32 s9, $0xF7A;
	s5 =	simm.s32 @!p2 $0x0  }
0x1d: {  	s5 =	simm.s32 @p1 $0x1;
	p0 =	seq.s32 s7, s2  }
0x1e: {  	s7 =	smul.u32 @!p0 $0xF7A, s2;
	p2 =	seq.s32 @!p0 s5, $0x0  }
0x1f: {  	s9 =	smul.u32 $0xF7A, s1;
	s8 =	simm.s32 @!p0 $0x1BF5;
	p2 =	por !p2, p0  }
0x20: {  	[sflag:s8] =	ssyncset.s32 @!p0 $0xFFFFF086;
	s6 =	sadd.s32 @!p0 s3, s7;
	s7 =	simm.s32 @!p0 $0x108  }
0x21: {  	s3 =	sadd.s32 s3, s9;
	s6 =	sadd.s32 @!p0 $0x88, s6;
	s7 =	simm.s32 @p2 $0x1082  }
0x22: {  	[simem:s7], [sflag:s8] =	dma.local @!p0 [hbm:s6], $0xF7A  }
0x23: {  	s9 =	sor.u32 $0xD0000000, s2;
	s6 =	simm.s32 $0x108;
	_ =	swait.ge @!p0 [sflag:s8], $0x0  }
0x24: {  	s3 =	sadd.s32 $0x88, s3;
	s6 =	simm.s32 @!p1 $0x1082;
	[sflag:s4] =	ssyncset.s32 $0xFFFFF086  }
0x25: {  	[simem:s6], [sflag:s4] =	dma.local [hbm:s3], $0xF7A  }
0x26: {  	[smem:$0x3F99] =	sst s1;
	(tag) =	ssettag s2;
	_ =	strace s9  }
0x27: {  	s1 =	sld [smem:$0x3FA9]  }
0x28: {  	s2 =	sld [smem:$0x3FAA]  }
0x29: {  	s4 =	sld [smem:$0x3FAC]  }
0x2a: {  	p0 =	seq.s32 s5, $0x0;
	s5 =	sld [smem:$0x3FAD]  }
0x2b: {  	s6 =	sld [smem:$0x3FAE]  }
0x2c: {  	s7 =	sld [smem:$0x3FAF]  }
0x2d: {  	s3 =	simm.s32 $0x108;
	s8 =	sld [smem:$0x3FB0]  }
0x2e: {  	s3 =	simm.s32 @!p0 $0x1082;
	s9 =	sld [smem:$0x3FB1]  }
0x2f: {  	lr =	sadd.s32 s0, s3;
	s0 =	sld [smem:$0x3FA8]  }
0x30: {  	s3 =	sld [smem:$0x3FAB]  }
0x31: {  	[smem:$0x3FB4] =	sst s10  }
0x32: {  	s10 =	sld [smem:$0x3FB2];
	_ =	sdelay $0x3  }
0x33: {  	p0 =	seq.s32 s10, $0x1;
	s10 =	sld [smem:$0x3FB4];
	_ =	sdelay $0x3  }
0x34: {  	[smem:$0x3FB4] =	sst s10  }
0x35: {  	s10 =	sld [smem:$0x3FB3];
	_ =	sdelay $0x3  }
0x36: {  	p1 =	seq.s32 s10, $0x1;
	s10 =	sld [smem:$0x3FB4];
	_ =	sdelay $0x3  }
0x37: {  	[smem:$0x3FB4] =	sst s10  }
0x38: {  	s10 =	sld [smem:$0x3FB5]  }
0x39: {  	_ = 	snop;
	(pc) =	sbr.ind lr, $3  }
0x3a: {  	_ = 	snop  }
0x3b: {  	_ = 	snop  }
0x3c: {  	p2 =	seq.s32 s10, $0x1;
	s10 =	sld [smem:$0x3FB4]  }
0x3d: {  	_ =	shalt  }
0x3e: {  	_ =	shalt  }
0x3f: {  	_ =	shalt  }
0x40: {  	_ =	shalt  }
0x41: {  	_ =	shalt  }
0x42: {  	_ =	shalt  }
0x43: {  	_ =	shalt  }
0x44: {  	_ =	shalt  }
0x45: {  	_ =	shalt  }
0x46: {  	_ =	shalt  }
0x47: {  	_ =	shalt  }
0x48: {  	_ =	shalt  }
0x49: {  	_ =	shalt  }
0x4a: {  	_ =	shalt  }
0x4b: {  	_ =	shalt  }
0x4c: {  	_ =	shalt  }
0x4d: {  	_ =	shalt  }
0x4e: {  	_ =	shalt  }
0x4f: {  	_ =	shalt  }
0x50: {  	_ =	shalt  }
0x51: {  	_ =	shalt  }
0x52: {  	_ =	shalt  }
0x53: {  	_ =	shalt  }
0x54: {  	_ =	shalt  }
0x55: {  	_ =	shalt  }
0x56: {  	_ =	shalt  }
0x57: {  	_ =	shalt  }
0x58: {  	_ =	shalt  }
0x59: {  	_ =	shalt  }
0x5a: {  	_ =	shalt  }
0x5b: {  	_ =	shalt  }
0x5c: {  	_ =	shalt  }
0x5d: {  	_ =	shalt  }
0x5e: {  	_ =	shalt  }
0x5f: {  	_ =	shalt  }
0x60: {  	_ =	shalt  }
0x61: {  	_ =	shalt  }
0x62: {  	_ =	shalt  }
0x63: {  	_ =	shalt  }
0x64: {  	_ =	shalt  }
0x65: {  	_ =	shalt  }
0x66: {  	_ =	shalt  }
0x67: {  	_ =	shalt  }
0x68: {  	_ =	shalt  }
0x69: {  	_ =	shalt  }
0x6a: {  	_ =	shalt  }
0x6b: {  	_ =	shalt  }
0x6c: {  	_ =	shalt  }
0x6d: {  	_ =	shalt  }
0x6e: {  	_ =	shalt  }
0x6f: {  	_ =	shalt  }
0x70: {  	_ =	shalt  }
0x71: {  	_ =	shalt  }
0x72: {  	_ =	shalt  }
0x73: {  	_ =	shalt  }
0x74: {  	_ =	shalt  }
0x75: {  	_ =	shalt  }
0x76: {  	_ =	shalt  }
0x77: {  	_ =	shalt  }
0x78: {  	_ =	shalt  }
0x79: {  	_ =	shalt  }
0x7a: {  	_ =	shalt  }
0x7b: {  	_ =	shalt  }
0x7c: {  	_ =	shalt  }
0x7d: {  	_ =	shalt  }
0x7e: {  	_ =	shalt  }
0x7f: {  	_ =	shalt  }
0x80: {  	_ =	shalt  }
0x81: {  	_ =	shalt  }
0x82: {  	_ =	shalt  }
0x83: {  	_ =	shalt  }
0x84: {  	_ =	shalt  }
0x85: {  	_ =	shalt  }
0x86: {  	_ =	shalt  }
0x87: {  	_ =	shalt  }
.Lfunc_end0:
.L_simem_size_0:
called_computation.2_lowered:
.L_overlay_start_0:
0x88: {  	s2 =	sld [smem:$0x3FD9]  }
0x89: {  	s3 =	sld [smem:$0x3FFE];
	_ =	sdelay $0x1  }
0x8a: {  	s1 =	srdreg.scid  }
0x8b: {  	s0 =	sand.u32 $0x1, s1  }
0x8c: {  	s16 =	sshll.u32 s0, $0xA;
	s2 =	sadd.s32 s3, s2  }
0x8d: {  	s2 =	sadd.s32 s2, s16  }
0x8e: {  	[smem:$0x3FC0] =	sst s2  }
0x8f: {  	_ = 	snop  }
0x90: {  	(tm) =	ssettm $0x1  }
0x91: {  	s17 =	sld [smem:$0x3FFB];
	_ =	sdelay $0x3  }
0x92: {  	_ =	strace s17  }
0x93: {  	s2 =	sld [smem:$0x3FFC];
	_ =	sdelay $0x3  }
0x94: {  	_ =	strace s2  }
0x95: {  	s2 =	sld [smem:$0x3FFD];
	_ =	sdelay $0x3  }
0x96: {  	_ =	strace s2  }
0x97: {  	_ =	strace $0x8FFFFFFF  }
0x98: {  	s18 =	sld [smem:$0x3FDB];
	_ =	sdelay $0x1  }
0x99: {  	s19 =	simm.s32 $_scs_section_size  }
0x9a: {  	s4 =	simm.s32 $_size__tile_overlayer_lowered;
	s5 =	simm.s32 $_tile_overlayer_lowered  }
0x9b: {  	s22 =	simm.s32 $0x1BFF;
	s21 =	sshll.u32 s5, $0x1;
	s2 =	sadd.s32 s19, s18  }
0x9c: {  	s6 =	simm.s32 $0x0;
	s20 =	sshll.u32 s4, $0x1;
	s4 =	sadd.s32 s21, s2  }
0x9d: {  	[timem:s6], [sflag:s22] =	dma.local [hbm:s4], s20  }
0x9e: {  	_ =	swait.ge [sflag:s22], s20  }
0x9f: {  	s3 =	ssub.s32 $0x0, s20;
	[sflag:s22] =	ssyncset.done $0x0  }
0xa0: {  	[sflag:s22] =	ssyncadd.s32 s3;
	_ =	sdelay $0x1  }
0xa1: {  	s23 =	simm.s32 $0x1B8B  }
0xa2: {  	_ =	swait.ge [sflag:s23], $0x1  }
0xa3: {  	[sflag:s23] =	ssyncset.done $0x0  }
0xa4: {  	s25 =	simm.s32 $0x1B8E;
	s24 =	sld [smem:$0x3FFE];
	[sflag:s23] =	ssyncadd.s32 $0xFFFFFFFF  }
0xa5: {  	s26 =	simm.s32 $execute0_lowered;
	[smem:$0x3FD2] =	sst s25  }
0xa6: {  	s4 =	sshll.u32 s26, $0x1;
	_ =	strace $0x8000004C;
	[dreg:$0x1] =	wrdreg $0xFFFFFFFF  }
0xa7: {  	s28 =	simm.s32 $_size_execute0_lowered;
	s2 =	sadd.s32 s2, s4;
	[dreg:$0x0] =	wrdreg $0x0  }
0xa8: {  	s4 =	sshll.u32 s28, $0x1;
	[dreg:$0x2] =	wrdreg s2  }
0xa9: {  	[dreg:$0x3] =	wrdreg s4  }
0xaa: {  	[dreg:$0x4] =	wrdreg $0xC0  }
0xab: {  	_ =	task [dreg:s6], $0x5FFFF  }
0xac: {  	[dreg:$0x1] =	wrdreg $0xFFFFFFFF  }
0xad: {  	[dreg:$0x0] =	wrdreg $0x60  }
0xae: {  	[dreg:$0x2] =	wrdreg s24  }
0xaf: {  	[dreg:$0x3] =	wrdreg $0xB8000  }
0xb0: {  	[dreg:$0x4] =	wrdreg $0x9  }
0xb1: {  	_ =	task.clear_ibuf [dreg:s6], $0x5FFFF;
	_ =	strace $0x9000004C  }
0xb2: {  	s29 =	simm.s32 $0x9;
	_ =	strace $0x8000004E  }
0xb3: {  	_ =	swait.ge [sflag:s29], $0x1  }
0xb4: {  	[sflag:s29] =	ssyncadd.s32 $0xFFFFFFFF  }
0xb5: {  	_ =	strace $0x9000004E  }
0xb6: {  	_ =	sfence  }
0xb7: {  	s30 =	sld [smem:$0x0];
	_ =	sdelay $0x2  }
0xb8: {  	s31 =	sshll.u32 s1, $0xD;
	s1 =	sshrl.u32 s1, $0x2  }
0xb9: {  	s3 =	sand.u32 $0x4000, s31;
	s1 =	sadd.s32 s1, s30  }
0xba: {  	s0 =	sor.u32 s3, s0;
	s1 =	sshll.u32 s1, $0x11  }
0xbb: {  	s0 =	sor.u32 s1, s0  }
0xbc: {  	s0 =	sadd.s32 $0x8F2B, s0  }
0xbd: {  	[sflag:s0] =	ssyncadd.remote.s32 $0x1  }
0xbe: {  	_ =	sfence.sel $0xFFFF  }
0xbf: {  	[dreg:$0x0] =	wrdreg $0xFFFFFFFF;
	(pc) =	sbr.abs _section_cstart, $3  }
0xc0: {  	[dreg:$0x1] =	wrdreg $0xFFFFFFFF  }
0xc1: {  	_ =	task.clear_ibuf [dreg:s6], $0x2FFFF;
	_ =	strace $0x9FFFFFFF  }
0xc2: {  	(tm) =	ssettm $0x7FFFFFFF  }
0xc3: {  	_ =	shalt  }
tec
execute0_lowered:
.L_overlay_start_1:
0x0: {  	(tag) =	ssettag $0x1  }
0x1: {  	s5 =	rddreg [dreg:$0x0]  }
0x2: {  	s2 =	rddreg [dreg:$0x1]  }
0x3: {  	s1 =	stileid.u32;
	s0 =	rddreg [dreg:$0x2];
	s3 =	simm.s32 $0x0  }
0x4: {  	s4 =	srdreg.scid;
	s16 =	simm.s32 $0x80;
	s17 =	simm.s32 $0x7800  }
0x5: {  	s18 =	simm.s32 $0x8800;
	s19 =	simm.s32 $0x100;
	s20 =	simm.s32 $0x9800  }
0x6: {  	s21 =	simm.s32 $0x180;
	s22 =	simm.s32 $0xA800;
	s23 =	simm.s32 $0x1  }
0x7: {  	s24 =	simm.s32 $0x2;
	s25 =	simm.s32 $0x3;
	s6 =	smul.u32 $0x780, s1  }
0x8: {  	s26 =	simm.s32 $0x4;
	s7 =	smul.u32 $0x280, s1;
	[smem:$0x7FF] =	sst s3  }
0x9: {  	s8 =	smul.u32 $0x5000, s1;
	s9 =	sand.u32 $0x1, s4;
	s4 =	sadd.s32 $0x2A00, s5  }
0xa: {  	s31 =	sshll.u32 s1, $0x6;
	_ =	strace $0x8000004D;
	s10 =	smul.u32 $0x50000, s9  }
0xb: {  	s30 =	ssub.s32 $0x2, s9;
	p0 =	seq.s32 s9, $0x1;
	s11 =	sadd.s32 s6, s5  }
0xc: {  	s12 =	sadd.s32 s7, s5;
	s28 =	sshrl.u32 s8, $0x3;
	s13 =	sshrl.u32 s30, $0x1  }
0xd: {  	s15 =	sadd.s32 s8, s2;
	s29 =	sadd.s32 s8, s10;
	s6 =	sadd.s32 s28, s5  }
.Ltmp0:
0xe: {  	s13 =	ssub.s32 s30, s13;
	s8 =	sadd.s32 $0xDA00, s11;
	(pc) =	sbr.rel .LBB2_1-.Ltmp0, $4  }
0xf: {  	s9 =	sadd.s32 $0x1F200, s12;
	s10 =	sadd.s32 $0x15200, s12;
	s7 =	sshrl.u32 s29, $0x3  }
0x10: {  	s12 =	smax.u32 s13, $0x1;
	s13 =	sshrl.u32 s15, $0x3;
	s15 =	simm.s32 $0x3C00  }
0x11: {  	s14 =	sadd.s32 s7, s5;
	s5 =	sadd.s32 $0x21A00, s6;
	s6 =	sor.u32 $0x1C05, s31  }
0x12: {  	s7 =	sadd.s32 $0x17A00, s11;
	s11 =	sadd.s32 $0x2BA00, s14;
	s14 =	simm.s32 $0x5  }
.LBB2_4:
0x13: {  	[tilespmem:s22], [sflag:$0x4] =	stream.indirect.gather [hbm4b:s4+s16], $0x20, s29, s16, $0xb8;
	[tilespmem:$0x10800] =	vst v63  }
0x14: {  	s28 =	simm.s32 $0x7780  }
0x15: {  	s29 =	simm.s32 $0x7700;
	s30 =	simm.s32 $0x7680;
	s31 =	simm.s32 $0x7600  }
.LBB2_8:
0x16: {  	_ =	swait.ge [sflag:s23], $0x1000  }
0x17: {  	[sflag:s23] =	ssyncset.done $0x0  }
0x18: {  	[sflag:s23] =	ssyncadd.s32 $0xFFFFF000  }
0x19: {  	[spmem:s2] =	stream.indirect.scatter.add.f32 [tilespmem:s17], [sflag:$0x5], $0x20, s31, s16, $0xb8;
	[tilespmem:$0x10800] =	vst v63  }
0x1a: {  	_ =	swait.ge [sflag:s14], $0x1000  }
0x1b: {  	[sflag:s14] =	ssyncset.done $0x0  }
0x1c: {  	[sflag:s14] =	ssyncadd.s32 $0xFFFFF000  }
0x1d: {  	_ =	swait.ge [sflag:s24], $0x1000  }
0x1e: {  	[sflag:s24] =	ssyncset.done $0x0  }
0x1f: {  	[sflag:s24] =	ssyncadd.s32 $0xFFFFF000  }
0x20: {  	[spmem:s2] =	stream.indirect.scatter.add.f32 [tilespmem:s18], [sflag:$0x5], $0x20, s30, s16, $0xb8;
	[tilespmem:$0x10800] =	vst v63  }
0x21: {  	_ =	swait.ge [sflag:s14], $0x1000  }
0x22: {  	[sflag:s14] =	ssyncset.done $0x0  }
0x23: {  	[sflag:s14] =	ssyncadd.s32 $0xFFFFF000  }
0x24: {  	_ =	swait.ge [sflag:s25], $0x1000  }
0x25: {  	[sflag:s25] =	ssyncset.done $0x0  }
0x26: {  	[sflag:s25] =	ssyncadd.s32 $0xFFFFF000  }
0x27: {  	[spmem:s2] =	stream.indirect.scatter.add.f32 [tilespmem:s20], [sflag:$0x5], $0x20, s29, s16, $0xb8;
	[tilespmem:$0x10800] =	vst v63  }
0x28: {  	_ =	swait.ge [sflag:s14], $0x1000  }
0x29: {  	[sflag:s14] =	ssyncset.done $0x0  }
0x2a: {  	[sflag:s14] =	ssyncadd.s32 $0xFFFFF000  }
0x2b: {  	_ =	swait.ge [sflag:s26], $0x1000  }
0x2c: {  	[sflag:s26] =	ssyncset.done $0x0  }
0x2d: {  	[sflag:s26] =	ssyncadd.s32 $0xFFFFF000  }
0x2e: {  	[spmem:s2] =	stream.indirect.scatter.add.f32 [tilespmem:s22], [sflag:$0x5], $0x20, s28, s16, $0xb8;
	[tilespmem:$0x10800] =	vst v63  }
0x2f: {  	_ =	swait.ge [sflag:s14], $0x1000  }
0x30: {  	s3 =	sadd.s32 $0x1, s3;
	[sflag:s14] =	ssyncset.done $0x0  }
0x31: {  	p1 =	sne.s32 s3, s12;
	[sflag:s14] =	ssyncadd.s32 $0xFFFFF000  }
.Ltmp1:
0x32: {  	[bflag:$0x0] =	sbarrier.arrive $0xFFFF;
	(pc) =	sbr.rel @!p1 .LBB2_9-.Ltmp1, $4  }
0x33: {  	[hbm:s11], [sflag:s6] =	dma.local [spmem:s13], $0xA00  }
0x34: {  	_ =	swait.ge [sflag:s14], $0xA00  }
0x35: {  	[sflag:s14] =	ssyncset.done $0x0  }
0x36: {  	[sflag:s14] =	ssyncadd.s32 $0xFFFFF600  }
.LBB2_1:
.Ltmp2:
0x37: {  	(pc) =	sbr.rel @!p0 .LBB2_2-.Ltmp2, $4  }
0x38: {  	[spmem:s13], [sflag:s6] =	dma.local [hbm:s5], $0xA00  }
0x39: {  	_ =	swait.ge [sflag:s14], $0xA00  }
0x3a: {  	[sflag:s14] =	ssyncset.done $0x0  }
0x3b: {  	s28 =	simm.s32 $0x0;
	[sflag:s14] =	ssyncadd.s32 $0xFFFFF600  }
0x3c: {  	[tilespmem:s28], [sflag:$0x5] =	stream.linear.gather [hbm4b:s9+s28], $0x1400, $0x38;
	[tilespmem:$0x10800] =	vst v63  }
0x3d: {  	_ =	swait.ge [sflag:s14], $0x1400  }
0x3e: {  	[sflag:s14] =	ssyncset.done $0x0  }
0x3f: {  	[sflag:s14] =	ssyncadd.s32 $0xFFFFEC00  }
0x40: {  	[tilespmem:s15], [sflag:$0x5] =	stream.linear.gather [hbm4b:s10+s28], $0x1400, $0x38;
	[tilespmem:$0x10800] =	vst v63  }
0x41: {  	_ =	swait.ge [sflag:s14], $0x1400  }
0x42: {  	[sflag:s14] =	ssyncset.done $0x0  }
0x43: {  	[sflag:s14] =	ssyncadd.s32 $0xFFFFEC00  }
0x44: {  	[bflag:$0x0] =	sbarrier.arrive $0xFFFF  }
0x45: {  	[tilespmem:s17], [sflag:$0x1] =	stream.indirect.gather [hbm4b:s4+s16], $0x20, s28, s16, $0xb8;
	[tilespmem:$0x10800] =	vst v63  }
0x46: {  	_ = 	snop  }
0x47: {  	[tilespmem:s18], [sflag:$0x2] =	stream.indirect.gather [hbm4b:s4+s16], $0x20, s16, s16, $0xb8;
	[tilespmem:$0x10800] =	vst v63  }
0x48: {  	_ = 	snop  }
0x49: {  	[tilespmem:s20], [sflag:$0x3] =	stream.indirect.gather [hbm4b:s4+s16], $0x20, s19, s16, $0xb8;
	[tilespmem:$0x10800] =	vst v63  }
0x4a: {  	_ = 	snop  }
0x4b: {  	[tilespmem:s22], [sflag:$0x4] =	stream.indirect.gather [hbm4b:s4+s16], $0x20, s21, s16, $0xb8;
	[tilespmem:$0x10800] =	vst v63  }
0x4c: {  	_ =	swait.ge [sflag:s23], $0x1000  }
0x4d: {  	[sflag:s23] =	ssyncset.done $0x0  }
0x4e: {  	s28 =	simm.s32 $0x3C00;
	[sflag:s23] =	ssyncadd.s32 $0xFFFFF000  }
0x4f: {  	[spmem:s2] =	stream.indirect.scatter.add.f32 [tilespmem:s17], [sflag:$0x5], $0x20, s28, s16, $0xb8;
	[tilespmem:$0x10800] =	vst v63  }
0x50: {  	_ =	swait.ge [sflag:s14], $0x1000  }
0x51: {  	[sflag:s14] =	ssyncset.done $0x0  }
0x52: {  	s28 =	simm.s32 $0x200;
	[sflag:s14] =	ssyncadd.s32 $0xFFFFF000  }
0x53: {  	[tilespmem:s17], [sflag:$0x1] =	stream.indirect.gather [hbm4b:s4+s16], $0x20, s28, s16, $0xb8;
	[tilespmem:$0x10800] =	vst v63  }
0x54: {  	_ =	swait.ge [sflag:s24], $0x1000  }
0x55: {  	[sflag:s24] =	ssyncset.done $0x0  }
0x56: {  	s28 =	simm.s32 $0x3C80;
	[sflag:s24] =	ssyncadd.s32 $0xFFFFF000  }
0x57: {  	[spmem:s2] =	stream.indirect.scatter.add.f32 [tilespmem:s18], [sflag:$0x5], $0x20, s28, s16, $0xb8;
	[tilespmem:$0x10800] =	vst v63  }
0x58: {  	_ =	swait.ge [sflag:s14], $0x1000  }
0x59: {  	[sflag:s14] =	ssyncset.done $0x0  }
0x5a: {  	s28 =	simm.s32 $0x280;
	[sflag:s14] =	ssyncadd.s32 $0xFFFFF000  }
0x5b: {  	[tilespmem:s18], [sflag:$0x2] =	stream.indirect.gather [hbm4b:s4+s16], $0x20, s28, s16, $0xb8;
	[tilespmem:$0x10800] =	vst v63  }
0x5c: {  	_ =	swait.ge [sflag:s25], $0x1000  }
0x5d: {  	[sflag:s25] =	ssyncset.done $0x0  }
0x5e: {  	s28 =	simm.s32 $0x3D00;
	[sflag:s25] =	ssyncadd.s32 $0xFFFFF000  }
0x5f: {  	[spmem:s2] =	stream.indirect.scatter.add.f32 [tilespmem:s20], [sflag:$0x5], $0x20, s28, s16, $0xb8;
	[tilespmem:$0x10800] =	vst v63  }
0x60: {  	_ =	swait.ge [sflag:s14], $0x1000  }
0x61: {  	[sflag:s14] =	ssyncset.done $0x0  }
0x62: {  	s28 =	simm.s32 $0x300;
	[sflag:s14] =	ssyncadd.s32 $0xFFFFF000  }
0x63: {  	[tilespmem:s20], [sflag:$0x3] =	stream.indirect.gather [hbm4b:s4+s16], $0x20, s28, s16, $0xb8;
	[tilespmem:$0x10800] =	vst v63  }
0x64: {  	_ =	swait.ge [sflag:s26], $0x1000  }
0x65: {  	[sflag:s26] =	ssyncset.done $0x0  }
0x66: {  	s28 =	simm.s32 $0x3D80;
	[sflag:s26] =	ssyncadd.s32 $0xFFFFF000  }
0x67: {  	[spmem:s2] =	stream.indirect.scatter.add.f32 [tilespmem:s22], [sflag:$0x5], $0x20, s28, s16, $0xb8;
	[tilespmem:$0x10800] =	vst v63  }
0x68: {  	_ =	swait.ge [sflag:s14], $0x1000  }
0x69: {  	[sflag:s14] =	ssyncset.done $0x0  }
0x6a: {  	s29 =	simm.s32 $0x380;
	s28 =	simm.s32 $0x800;
	[sflag:s14] =	ssyncadd.s32 $0xFFFFF000  }
.LBB2_6:
0x6b: {  	[tilespmem:s22], [sflag:$0x4] =	stream.indirect.gather [hbm4b:s4+s16], $0x20, s29, s16, $0xb8;
	[tilespmem:$0x10800] =	vst v63  }
0x6c: {  	s29 =	smov.u32 s28  }
0x6d: {  	p1 =	sne.s32 s28, $0x4000;
	s28 =	sadd.s32 $0x800, s28;
	_ =	swait.ge [sflag:s23], $0x1000  }
0x6e: {  	s29 =	sshra.s32 s29, $0x2;
	[sflag:s23] =	ssyncset.done $0x0  }
0x6f: {  	s30 =	sadd.s32 $0x3C00, s29;
	[sflag:s23] =	ssyncadd.s32 $0xFFFFF000  }
0x70: {  	[spmem:s2] =	stream.indirect.scatter.add.f32 [tilespmem:s17], [sflag:$0x5], $0x20, s30, s16, $0xb8;
	[tilespmem:$0x10800] =	vst v63  }
0x71: {  	_ =	swait.ge [sflag:s14], $0x1000  }
0x72: {  	[sflag:s14] =	ssyncset.done $0x0  }
0x73: {  	s30 =	sadd.s32 $0x200, s29;
	[sflag:s14] =	ssyncadd.s32 $0xFFFFF000  }
0x74: {  	[tilespmem:s17], [sflag:$0x1] =	stream.indirect.gather [hbm4b:s4+s16], $0x20, s30, s16, $0xb8;
	[tilespmem:$0x10800] =	vst v63  }
0x75: {  	_ =	swait.ge [sflag:s24], $0x1000  }
0x76: {  	[sflag:s24] =	ssyncset.done $0x0  }
0x77: {  	s30 =	sadd.s32 $0x3C80, s29;
	[sflag:s24] =	ssyncadd.s32 $0xFFFFF000  }
0x78: {  	[spmem:s2] =	stream.indirect.scatter.add.f32 [tilespmem:s18], [sflag:$0x5], $0x20, s30, s16, $0xb8;
	[tilespmem:$0x10800] =	vst v63  }
0x79: {  	_ =	swait.ge [sflag:s14], $0x1000  }
0x7a: {  	[sflag:s14] =	ssyncset.done $0x0  }
0x7b: {  	s30 =	sadd.s32 $0x280, s29;
	[sflag:s14] =	ssyncadd.s32 $0xFFFFF000  }
0x7c: {  	[tilespmem:s18], [sflag:$0x2] =	stream.indirect.gather [hbm4b:s4+s16], $0x20, s30, s16, $0xb8;
	[tilespmem:$0x10800] =	vst v63  }
0x7d: {  	_ =	swait.ge [sflag:s25], $0x1000  }
0x7e: {  	[sflag:s25] =	ssyncset.done $0x0  }
0x7f: {  	s30 =	sadd.s32 $0x3D00, s29;
	[sflag:s25] =	ssyncadd.s32 $0xFFFFF000  }
0x80: {  	[spmem:s2] =	stream.indirect.scatter.add.f32 [tilespmem:s20], [sflag:$0x5], $0x20, s30, s16, $0xb8;
	[tilespmem:$0x10800] =	vst v63  }
0x81: {  	_ =	swait.ge [sflag:s14], $0x1000  }
0x82: {  	[sflag:s14] =	ssyncset.done $0x0  }
0x83: {  	s30 =	sadd.s32 $0x300, s29;
	[sflag:s14] =	ssyncadd.s32 $0xFFFFF000  }
0x84: {  	[tilespmem:s20], [sflag:$0x3] =	stream.indirect.gather [hbm4b:s4+s16], $0x20, s30, s16, $0xb8;
	[tilespmem:$0x10800] =	vst v63  }
0x85: {  	_ =	swait.ge [sflag:s26], $0x1000  }
0x86: {  	[sflag:s26] =	ssyncset.done $0x0  }
.Ltmp3:
0x87: {  	s30 =	sadd.s32 $0x3D80, s29;
	[sflag:s26] =	ssyncadd.s32 $0xFFFFF000;
	(pc) =	sbr.rel @p1 .LBB2_6-.Ltmp3, $4  }
0x88: {  	[spmem:s2] =	stream.indirect.scatter.add.f32 [tilespmem:s22], [sflag:$0x5], $0x20, s30, s16, $0xb8;
	[tilespmem:$0x10800] =	vst v63  }
0x89: {  	_ =	swait.ge [sflag:s14], $0x1000  }
0x8a: {  	[sflag:s14] =	ssyncset.done $0x0  }
0x8b: {  	s29 =	sadd.s32 $0x380, s29;
	[sflag:s14] =	ssyncadd.s32 $0xFFFFF000  }
.Ltmp4:
0x8c: {  	(pc) =	sbr.rel .LBB2_8-.Ltmp4, $4  }
0x8d: {  	_ = 	snop  }
0x8e: {  	[tilespmem:s22], [sflag:$0x4] =	stream.indirect.gather [hbm4b:s4+s16], $0x20, s29, s16, $0xb8;
	[tilespmem:$0x10800] =	vst v63  }
0x8f: {  	s28 =	simm.s32 $0x4F80  }
0x90: {  	s29 =	simm.s32 $0x4F00;
	s30 =	simm.s32 $0x4E80;
	s31 =	simm.s32 $0x4E00  }
.LBB2_2:
0x91: {  	[tilespmem:s28], [sflag:$0x5] =	stream.linear.gather [hbm4b:s7+s28], $0x3C00, $0x38;
	[tilespmem:$0x10800] =	vst v63  }
0x92: {  	_ =	swait.ge [sflag:s14], $0x3C00  }
0x93: {  	[sflag:s14] =	ssyncset.done $0x0  }
0x94: {  	[sflag:s14] =	ssyncadd.s32 $0xFFFFC400  }
0x95: {  	[tilespmem:s15], [sflag:$0x5] =	stream.linear.gather [hbm4b:s8+s28], $0x3C00, $0x38;
	[tilespmem:$0x10800] =	vst v63  }
0x96: {  	_ =	swait.ge [sflag:s14], $0x3C00  }
0x97: {  	[sflag:s14] =	ssyncset.done $0x0  }
0x98: {  	[sflag:s14] =	ssyncadd.s32 $0xFFFFC400  }
0x99: {  	[bflag:$0x0] =	sbarrier.arrive $0xFFFF  }
0x9a: {  	[tilespmem:s17], [sflag:$0x1] =	stream.indirect.gather [hbm4b:s4+s16], $0x20, s28, s16, $0xb8;
	[tilespmem:$0x10800] =	vst v63  }
0x9b: {  	_ = 	snop  }
0x9c: {  	[tilespmem:s18], [sflag:$0x2] =	stream.indirect.gather [hbm4b:s4+s16], $0x20, s16, s16, $0xb8;
	[tilespmem:$0x10800] =	vst v63  }
0x9d: {  	_ = 	snop  }
0x9e: {  	[tilespmem:s20], [sflag:$0x3] =	stream.indirect.gather [hbm4b:s4+s16], $0x20, s19, s16, $0xb8;
	[tilespmem:$0x10800] =	vst v63  }
0x9f: {  	_ = 	snop  }
0xa0: {  	[tilespmem:s22], [sflag:$0x4] =	stream.indirect.gather [hbm4b:s4+s16], $0x20, s21, s16, $0xb8;
	[tilespmem:$0x10800] =	vst v63  }
0xa1: {  	_ =	swait.ge [sflag:s23], $0x1000  }
0xa2: {  	[sflag:s23] =	ssyncset.done $0x0  }
0xa3: {  	s28 =	simm.s32 $0x3C00;
	[sflag:s23] =	ssyncadd.s32 $0xFFFFF000  }
0xa4: {  	[spmem:s2] =	stream.indirect.scatter.add.f32 [tilespmem:s17], [sflag:$0x5], $0x20, s28, s16, $0xb8;
	[tilespmem:$0x10800] =	vst v63  }
0xa5: {  	_ =	swait.ge [sflag:s14], $0x1000  }
0xa6: {  	[sflag:s14] =	ssyncset.done $0x0  }
0xa7: {  	s28 =	simm.s32 $0x200;
	[sflag:s14] =	ssyncadd.s32 $0xFFFFF000  }
0xa8: {  	[tilespmem:s17], [sflag:$0x1] =	stream.indirect.gather [hbm4b:s4+s16], $0x20, s28, s16, $0xb8;
	[tilespmem:$0x10800] =	vst v63  }
0xa9: {  	_ =	swait.ge [sflag:s24], $0x1000  }
0xaa: {  	[sflag:s24] =	ssyncset.done $0x0  }
0xab: {  	s28 =	simm.s32 $0x3C80;
	[sflag:s24] =	ssyncadd.s32 $0xFFFFF000  }
0xac: {  	[spmem:s2] =	stream.indirect.scatter.add.f32 [tilespmem:s18], [sflag:$0x5], $0x20, s28, s16, $0xb8;
	[tilespmem:$0x10800] =	vst v63  }
0xad: {  	_ =	swait.ge [sflag:s14], $0x1000  }
0xae: {  	[sflag:s14] =	ssyncset.done $0x0  }
0xaf: {  	s28 =	simm.s32 $0x280;
	[sflag:s14] =	ssyncadd.s32 $0xFFFFF000  }
0xb0: {  	[tilespmem:s18], [sflag:$0x2] =	stream.indirect.gather [hbm4b:s4+s16], $0x20, s28, s16, $0xb8;
	[tilespmem:$0x10800] =	vst v63  }
0xb1: {  	_ =	swait.ge [sflag:s25], $0x1000  }
0xb2: {  	[sflag:s25] =	ssyncset.done $0x0  }
0xb3: {  	s28 =	simm.s32 $0x3D00;
	[sflag:s25] =	ssyncadd.s32 $0xFFFFF000  }
0xb4: {  	[spmem:s2] =	stream.indirect.scatter.add.f32 [tilespmem:s20], [sflag:$0x5], $0x20, s28, s16, $0xb8;
	[tilespmem:$0x10800] =	vst v63  }
0xb5: {  	_ =	swait.ge [sflag:s14], $0x1000  }
0xb6: {  	[sflag:s14] =	ssyncset.done $0x0  }
0xb7: {  	s28 =	simm.s32 $0x300;
	[sflag:s14] =	ssyncadd.s32 $0xFFFFF000  }
0xb8: {  	[tilespmem:s20], [sflag:$0x3] =	stream.indirect.gather [hbm4b:s4+s16], $0x20, s28, s16, $0xb8;
	[tilespmem:$0x10800] =	vst v63  }
0xb9: {  	_ =	swait.ge [sflag:s26], $0x1000  }
0xba: {  	p1 =	por $0x0, $0x0;
	[sflag:s26] =	ssyncset.done $0x0  }
.Ltmp5:
0xbb: {  	s28 =	simm.s32 $0x3D80;
	[sflag:s26] =	ssyncadd.s32 $0xFFFFF000;
	(pc) =	sbr.rel @p1 .LBB2_4-.Ltmp5, $4  }
0xbc: {  	[spmem:s2] =	stream.indirect.scatter.add.f32 [tilespmem:s22], [sflag:$0x5], $0x20, s28, s16, $0xb8;
	[tilespmem:$0x10800] =	vst v63  }
0xbd: {  	_ =	swait.ge [sflag:s14], $0x1000  }
0xbe: {  	[sflag:s14] =	ssyncset.done $0x0  }
0xbf: {  	s29 =	simm.s32 $0x380;
	s28 =	simm.s32 $0x800;
	[sflag:s14] =	ssyncadd.s32 $0xFFFFF000  }
.LBB2_3:
0xc0: {  	[tilespmem:s22], [sflag:$0x4] =	stream.indirect.gather [hbm4b:s4+s16], $0x20, s29, s16, $0xb8;
	[tilespmem:$0x10800] =	vst v63  }
0xc1: {  	s29 =	smov.u32 s28  }
0xc2: {  	p1 =	seq.s32 s28, $0xE000;
	s28 =	sadd.s32 $0x800, s28;
	_ =	swait.ge [sflag:s23], $0x1000  }
0xc3: {  	s29 =	sshra.s32 s29, $0x2;
	[sflag:s23] =	ssyncset.done $0x0  }
0xc4: {  	s30 =	sadd.s32 $0x3C00, s29;
	[sflag:s23] =	ssyncadd.s32 $0xFFFFF000  }
0xc5: {  	[spmem:s2] =	stream.indirect.scatter.add.f32 [tilespmem:s17], [sflag:$0x5], $0x20, s30, s16, $0xb8;
	[tilespmem:$0x10800] =	vst v63  }
0xc6: {  	_ =	swait.ge [sflag:s14], $0x1000  }
0xc7: {  	[sflag:s14] =	ssyncset.done $0x0  }
0xc8: {  	s30 =	sadd.s32 $0x200, s29;
	[sflag:s14] =	ssyncadd.s32 $0xFFFFF000  }
0xc9: {  	[tilespmem:s17], [sflag:$0x1] =	stream.indirect.gather [hbm4b:s4+s16], $0x20, s30, s16, $0xb8;
	[tilespmem:$0x10800] =	vst v63  }
0xca: {  	_ =	swait.ge [sflag:s24], $0x1000  }
0xcb: {  	[sflag:s24] =	ssyncset.done $0x0  }
0xcc: {  	s30 =	sadd.s32 $0x3C80, s29;
	[sflag:s24] =	ssyncadd.s32 $0xFFFFF000  }
0xcd: {  	[spmem:s2] =	stream.indirect.scatter.add.f32 [tilespmem:s18], [sflag:$0x5], $0x20, s30, s16, $0xb8;
	[tilespmem:$0x10800] =	vst v63  }
0xce: {  	_ =	swait.ge [sflag:s14], $0x1000  }
0xcf: {  	[sflag:s14] =	ssyncset.done $0x0  }
0xd0: {  	s30 =	sadd.s32 $0x280, s29;
	[sflag:s14] =	ssyncadd.s32 $0xFFFFF000  }
0xd1: {  	[tilespmem:s18], [sflag:$0x2] =	stream.indirect.gather [hbm4b:s4+s16], $0x20, s30, s16, $0xb8;
	[tilespmem:$0x10800] =	vst v63  }
0xd2: {  	_ =	swait.ge [sflag:s25], $0x1000  }
0xd3: {  	[sflag:s25] =	ssyncset.done $0x0  }
0xd4: {  	s30 =	sadd.s32 $0x3D00, s29;
	[sflag:s25] =	ssyncadd.s32 $0xFFFFF000  }
0xd5: {  	[spmem:s2] =	stream.indirect.scatter.add.f32 [tilespmem:s20], [sflag:$0x5], $0x20, s30, s16, $0xb8;
	[tilespmem:$0x10800] =	vst v63  }
0xd6: {  	_ =	swait.ge [sflag:s14], $0x1000  }
0xd7: {  	[sflag:s14] =	ssyncset.done $0x0  }
0xd8: {  	s30 =	sadd.s32 $0x300, s29;
	[sflag:s14] =	ssyncadd.s32 $0xFFFFF000  }
0xd9: {  	[tilespmem:s20], [sflag:$0x3] =	stream.indirect.gather [hbm4b:s4+s16], $0x20, s30, s16, $0xb8;
	[tilespmem:$0x10800] =	vst v63  }
0xda: {  	_ =	swait.ge [sflag:s26], $0x1000  }
0xdb: {  	[sflag:s26] =	ssyncset.done $0x0  }
.Ltmp6:
0xdc: {  	s30 =	sadd.s32 $0x3D80, s29;
	[sflag:s26] =	ssyncadd.s32 $0xFFFFF000;
	(pc) =	sbr.rel @!p1 .LBB2_3-.Ltmp6, $4  }
0xdd: {  	[spmem:s2] =	stream.indirect.scatter.add.f32 [tilespmem:s22], [sflag:$0x5], $0x20, s30, s16, $0xb8;
	[tilespmem:$0x10800] =	vst v63  }
0xde: {  	_ =	swait.ge [sflag:s14], $0x1000  }
0xdf: {  	[sflag:s14] =	ssyncset.done $0x0  }
0xe0: {  	s29 =	sadd.s32 $0x380, s29;
	[sflag:s14] =	ssyncadd.s32 $0xFFFFF000  }
.Ltmp7:
0xe1: {  	_ = 	snop;
	(pc) =	sbr.rel .LBB2_4-.Ltmp7, $1  }
0xe2: {  	_ =	sdelay $0x3  }
.LBB2_9:
0xe3: {  	_ =	sfence.sel $0x180000  }
0xe4: {  	[bflag:$0x0] =	sbarrier.arrive $0xFFFF  }
0xe5: {  	p0 =	sne.s32 s1, $0x0;
	_ =	strace $0x9000004D  }
0xe6: {  	s0 =	sadd.s32 @!p0 $0x100000, s0;
	[bflag:$0x2] =	sbarrier.arrive $0xFFFF  }
0xe7: {  	[sflag:s0] =	ssyncadd.tile.s32 @!p0 $0x1;
	_ =	shalt  }
.Lfunc_end2:
_tile_overlayer_lowered:
.L_overlay_start_2:
0xe8: {  	(tag) =	ssettag $0x2  }
0xe9: {  	s0 =	rddreg [dreg:$0x0];
	s2 =	stileid.u32  }
0xea: {  	s1 =	rddreg [dreg:$0x1];
	p0 =	sne.s32 s2, $0x0  }
0xeb: {  	s3 =	rddreg [dreg:$0x2];
	[bflag:$0x3] =	sbarrier.arrive $0xFFFF;
	s2 =	simm.s32 @!p0 $0x1C05  }
0xec: {  	[timem:s3], [sflag:s2] =	dma.local @!p0 [hbm:s0], s1  }
0xed: {  	s0 =	simm.s32 @!p0 $0x5  }
0xee: {  	_ =	swait.ge @!p0 [sflag:s0], s1  }
0xef: {  	s1 =	ssub.s32 @!p0 $0x0, s1;
	[sflag:s0] =	ssyncset.done @!p0 $0x0  }
0xf0: {  	[sflag:s0] =	ssyncadd.s32 @!p0 s1  }
0xf1: {  	[bflag:$0x3] =	sbarrier.arrive $0xFFFF  }
0xf2: {  	_ =	shalt  }

// kernel: kernel.8.cloned.1.call-start
scs
__scs_entry_jumppad:
0x0: {  	(pc) =	sbr.rel $0x88, $3  }
0x1: {  	(tag) =	ssettag $0x0;
	lr =	simm.s32 $0x1  }
0x2: {  	[smem:$0x3F99] =	sst lr;
	_ =	strace $0xD0000000  }
0x3: {  	_ = 	snop  }
0x4: {  	_ = 	snop  }
0x5: {  	_ = 	snop  }
0x6: {  	_ = 	snop  }
0x7: {  	_ = 	snop  }
__scs_overlays_trampoline_lowered:
0x8: {  	[smem:$0x3FA8] =	sst s0  }
0x9: {  	[smem:$0x3FA9] =	sst s1  }
0xa: {  	[smem:$0x3FAA] =	sst s2  }
0xb: {  	[smem:$0x3FAB] =	sst s3  }
0xc: {  	[smem:$0x3FAC] =	sst s4  }
0xd: {  	[smem:$0x3FAD] =	sst s5  }
0xe: {  	[smem:$0x3FAE] =	sst s6  }
0xf: {  	[smem:$0x3FAF] =	sst s7  }
0x10: {  	[smem:$0x3FB0] =	sst s8  }
0x11: {  	[smem:$0x3FB1] =	sst s9;
	s0 =	simm.s32 @!p0 $0x0  }
0x12: {  	s1 =	sld [smem:$0x3F97];
	s0 =	simm.s32 @p0 $0x1  }
0x13: {  	[smem:$0x3FB2] =	sst s0;
	s0 =	simm.s32 @!p1 $0x0  }
0x14: {  	s2 =	sld [smem:$0x3F96];
	s0 =	simm.s32 @p1 $0x1  }
0x15: {  	[smem:$0x3FB3] =	sst s0;
	s0 =	simm.s32 @!p2 $0x0  }
0x16: {  	s3 =	sld [smem:$0x3FDB];
	s0 =	simm.s32 @p2 $0x1  }
0x17: {  	s4 =	simm.s32 $0x1BF5;
	[smem:$0x3FB5] =	sst s0  }
0x18: {  	s0 =	sld [smem:$0x3F98];
	_ =	swait.ge [sflag:s4], $0x0  }
0x19: {  	s7 =	sld [smem:$0x3F99]  }
0x1a: {  	s8 =	sadd.s32 $0xFFFFE003, lr  }
0x1b: {  	s9 =	sadd.s32 $0xFFFFFEF7, lr;
	s5 =	simm.s32 $0xFFFFFFFF;
	p2 =	slt.u32 s8, $0xFFFFF086  }
0x1c: {  	p1 =	slt.u32 s9, $0xF7A;
	s5 =	simm.s32 @!p2 $0x0  }
0x1d: {  	s5 =	simm.s32 @p1 $0x1;
	p0 =	seq.s32 s7, s2  }
0x1e: {  	s7 =	smul.u32 @!p0 $0xF7A, s2;
	p2 =	seq.s32 @!p0 s5, $0x0  }
0x1f: {  	s9 =	smul.u32 $0xF7A, s1;
	s8 =	simm.s32 @!p0 $0x1BF5;
	p2 =	por !p2, p0  }
0x20: {  	[sflag:s8] =	ssyncset.s32 @!p0 $0xFFFFF086;
	s6 =	sadd.s32 @!p0 s3, s7;
	s7 =	simm.s32 @!p0 $0x108  }
0x21: {  	s3 =	sadd.s32 s3, s9;
	s6 =	sadd.s32 @!p0 $0x88, s6;
	s7 =	simm.s32 @p2 $0x1082  }
0x22: {  	[simem:s7], [sflag:s8] =	dma.local @!p0 [hbm:s6], $0xF7A  }
0x23: {  	s9 =	sor.u32 $0xD0000000, s2;
	s6 =	simm.s32 $0x108;
	_ =	swait.ge @!p0 [sflag:s8], $0x0  }
0x24: {  	s3 =	sadd.s32 $0x88, s3;
	s6 =	simm.s32 @!p1 $0x1082;
	[sflag:s4] =	ssyncset.s32 $0xFFFFF086  }
0x25: {  	[simem:s6], [sflag:s4] =	dma.local [hbm:s3], $0xF7A  }
0x26: {  	[smem:$0x3F99] =	sst s1;
	(tag) =	ssettag s2;
	_ =	strace s9  }
0x27: {  	s1 =	sld [smem:$0x3FA9]  }
0x28: {  	s2 =	sld [smem:$0x3FAA]  }
0x29: {  	s4 =	sld [smem:$0x3FAC]  }
0x2a: {  	p0 =	seq.s32 s5, $0x0;
	s5 =	sld [smem:$0x3FAD]  }
0x2b: {  	s6 =	sld [smem:$0x3FAE]  }
0x2c: {  	s7 =	sld [smem:$0x3FAF]  }
0x2d: {  	s3 =	simm.s32 $0x108;
	s8 =	sld [smem:$0x3FB0]  }
0x2e: {  	s3 =	simm.s32 @!p0 $0x1082;
	s9 =	sld [smem:$0x3FB1]  }
0x2f: {  	lr =	sadd.s32 s0, s3;
	s0 =	sld [smem:$0x3FA8]  }
0x30: {  	s3 =	sld [smem:$0x3FAB]  }
0x31: {  	[smem:$0x3FB4] =	sst s10  }
0x32: {  	s10 =	sld [smem:$0x3FB2];
	_ =	sdelay $0x3  }
0x33: {  	p0 =	seq.s32 s10, $0x1;
	s10 =	sld [smem:$0x3FB4];
	_ =	sdelay $0x3  }
0x34: {  	[smem:$0x3FB4] =	sst s10  }
0x35: {  	s10 =	sld [smem:$0x3FB3];
	_ =	sdelay $0x3  }
0x36: {  	p1 =	seq.s32 s10, $0x1;
	s10 =	sld [smem:$0x3FB4];
	_ =	sdelay $0x3  }
0x37: {  	[smem:$0x3FB4] =	sst s10  }
0x38: {  	s10 =	sld [smem:$0x3FB5]  }
0x39: {  	_ = 	snop;
	(pc) =	sbr.ind lr, $3  }
0x3a: {  	_ = 	snop  }
0x3b: {  	_ = 	snop  }
0x3c: {  	p2 =	seq.s32 s10, $0x1;
	s10 =	sld [smem:$0x3FB4]  }
0x3d: {  	_ =	shalt  }
0x3e: {  	_ =	shalt  }
0x3f: {  	_ =	shalt  }
0x40: {  	_ =	shalt  }
0x41: {  	_ =	shalt  }
0x42: {  	_ =	shalt  }
0x43: {  	_ =	shalt  }
0x44: {  	_ =	shalt  }
0x45: {  	_ =	shalt  }
0x46: {  	_ =	shalt  }
0x47: {  	_ =	shalt  }
0x48: {  	_ =	shalt  }
0x49: {  	_ =	shalt  }
0x4a: {  	_ =	shalt  }
0x4b: {  	_ =	shalt  }
0x4c: {  	_ =	shalt  }
0x4d: {  	_ =	shalt  }
0x4e: {  	_ =	shalt  }
0x4f: {  	_ =	shalt  }
0x50: {  	_ =	shalt  }
0x51: {  	_ =	shalt  }
0x52: {  	_ =	shalt  }
0x53: {  	_ =	shalt  }
0x54: {  	_ =	shalt  }
0x55: {  	_ =	shalt  }
0x56: {  	_ =	shalt  }
0x57: {  	_ =	shalt  }
0x58: {  	_ =	shalt  }
0x59: {  	_ =	shalt  }
0x5a: {  	_ =	shalt  }
0x5b: {  	_ =	shalt  }
0x5c: {  	_ =	shalt  }
0x5d: {  	_ =	shalt  }
0x5e: {  	_ =	shalt  }
0x5f: {  	_ =	shalt  }
0x60: {  	_ =	shalt  }
0x61: {  	_ =	shalt  }
0x62: {  	_ =	shalt  }
0x63: {  	_ =	shalt  }
0x64: {  	_ =	shalt  }
0x65: {  	_ =	shalt  }
0x66: {  	_ =	shalt  }
0x67: {  	_ =	shalt  }
0x68: {  	_ =	shalt  }
0x69: {  	_ =	shalt  }
0x6a: {  	_ =	shalt  }
0x6b: {  	_ =	shalt  }
0x6c: {  	_ =	shalt  }
0x6d: {  	_ =	shalt  }
0x6e: {  	_ =	shalt  }
0x6f: {  	_ =	shalt  }
0x70: {  	_ =	shalt  }
0x71: {  	_ =	shalt  }
0x72: {  	_ =	shalt  }
0x73: {  	_ =	shalt  }
0x74: {  	_ =	shalt  }
0x75: {  	_ =	shalt  }
0x76: {  	_ =	shalt  }
0x77: {  	_ =	shalt  }
0x78: {  	_ =	shalt  }
0x79: {  	_ =	shalt  }
0x7a: {  	_ =	shalt  }
0x7b: {  	_ =	shalt  }
0x7c: {  	_ =	shalt  }
0x7d: {  	_ =	shalt  }
0x7e: {  	_ =	shalt  }
0x7f: {  	_ =	shalt  }
0x80: {  	_ =	shalt  }
0x81: {  	_ =	shalt  }
0x82: {  	_ =	shalt  }
0x83: {  	_ =	shalt  }
0x84: {  	_ =	shalt  }
0x85: {  	_ =	shalt  }
0x86: {  	_ =	shalt  }
0x87: {  	_ =	shalt  }
.Lfunc_end0:
.L_simem_size_0:
called_computation_lowered:
.L_overlay_start_0:
0x88: {  	s2 =	sld [smem:$0x3FD9]  }
0x89: {  	s3 =	sld [smem:$0x3FFE];
	_ =	sdelay $0x1  }
0x8a: {  	s1 =	srdreg.scid  }
0x8b: {  	s0 =	sand.u32 $0x1, s1  }
0x8c: {  	s17 =	sshll.u32 s0, $0xA;
	s2 =	sadd.s32 s3, s2  }
0x8d: {  	s2 =	sadd.s32 s2, s17  }
0x8e: {  	[smem:$0x3FC0] =	sst s2  }
0x8f: {  	_ = 	snop  }
0x90: {  	s2 =	sld [smem:$0x3FD0];
	(tm) =	ssettm $0x1  }
0x91: {  	s18 =	sld [smem:$0x3FFB];
	_ =	sdelay $0x3  }
0x92: {  	_ =	strace s18  }
0x93: {  	s3 =	sld [smem:$0x3FFC];
	_ =	sdelay $0x3  }
0x94: {  	_ =	strace s3  }
0x95: {  	s3 =	sld [smem:$0x3FFD];
	_ =	sdelay $0x3  }
0x96: {  	_ =	strace s3  }
0x97: {  	_ =	strace $0x8FFFFFFF  }
0x98: {  	s19 =	sld [smem:$0x3FDB];
	_ =	sdelay $0x1  }
0x99: {  	s4 =	simm.s32 $_scs_section_size  }
0x9a: {  	s5 =	simm.s32 $_size__tile_overlayer_lowered;
	s6 =	simm.s32 $_tile_overlayer_lowered  }
0x9b: {  	s22 =	simm.s32 $0x1BFF;
	s21 =	sshll.u32 s6, $0x1;
	s3 =	sadd.s32 s4, s19  }
0x9c: {  	s7 =	simm.s32 $0x0;
	s20 =	sshll.u32 s5, $0x1;
	s5 =	sadd.s32 s21, s3  }
0x9d: {  	[timem:s7], [sflag:s22] =	dma.local [hbm:s5], s20  }
0x9e: {  	_ =	swait.ge [sflag:s22], s20  }
0x9f: {  	s4 =	ssub.s32 $0x0, s20;
	[sflag:s22] =	ssyncset.done $0x0  }
0xa0: {  	[sflag:s22] =	ssyncadd.s32 s4;
	_ =	sdelay $0x1  }
0xa1: {  	s23 =	simm.s32 $0x1B8B  }
0xa2: {  	_ =	swait.ge [sflag:s23], $0x1  }
0xa3: {  	[sflag:s23] =	ssyncset.done $0x0  }
0xa4: {  	s25 =	simm.s32 $0x1B8E;
	s24 =	sld [smem:$0x3FFE];
	[sflag:s23] =	ssyncadd.s32 $0xFFFFFFFF  }
0xa5: {  	s26 =	simm.s32 $execute0_lowered;
	[smem:$0x3FD2] =	sst s25  }
0xa6: {  	s5 =	sshll.u32 s26, $0x1;
	_ =	strace $0x80000046;
	[dreg:$0x1] =	wrdreg $0xFFFFFFFF  }
0xa7: {  	s28 =	simm.s32 $_size_execute0_lowered;
	s3 =	sadd.s32 s3, s5;
	[dreg:$0x0] =	wrdreg $0x0  }
0xa8: {  	s5 =	sshll.u32 s28, $0x1;
	[dreg:$0x2] =	wrdreg s3  }
0xa9: {  	[dreg:$0x3] =	wrdreg s5  }
0xaa: {  	[dreg:$0x4] =	wrdreg $0xC0  }
0xab: {  	_ =	task [dreg:s7], $0x5FFFF  }
0xac: {  	[dreg:$0x1] =	wrdreg $0xFFFFFFFF  }
0xad: {  	[dreg:$0x0] =	wrdreg $0x60  }
0xae: {  	[dreg:$0x2] =	wrdreg s24  }
0xaf: {  	[dreg:$0x3] =	wrdreg s2  }
0xb0: {  	[dreg:$0x4] =	wrdreg $0x28800  }
0xb1: {  	[dreg:$0x5] =	wrdreg $0x9  }
0xb2: {  	_ =	task.clear_ibuf [dreg:s7], $0x6FFFF;
	_ =	strace $0x90000046  }
0xb3: {  	s29 =	simm.s32 $0x9;
	_ =	strace $0x80000048  }
0xb4: {  	_ =	swait.ge [sflag:s29], $0x1  }
0xb5: {  	[sflag:s29] =	ssyncadd.s32 $0xFFFFFFFF  }
0xb6: {  	_ =	strace $0x90000048  }
0xb7: {  	_ =	sfence  }
0xb8: {  	s30 =	sld [smem:$0x0];
	_ =	sdelay $0x2  }
0xb9: {  	s31 =	sshll.u32 s1, $0xD;
	s1 =	sshrl.u32 s1, $0x2  }
0xba: {  	s3 =	sand.u32 $0x4000, s31;
	s1 =	sadd.s32 s1, s30  }
0xbb: {  	s0 =	sor.u32 s3, s0;
	s1 =	sshll.u32 s1, $0x11  }
0xbc: {  	s0 =	sor.u32 s1, s0  }
0xbd: {  	s0 =	sadd.s32 $0x8F2B, s0  }
0xbe: {  	[sflag:s0] =	ssyncadd.remote.s32 $0x1  }
0xbf: {  	_ =	sfence.sel $0xFFFF  }
0xc0: {  	[dreg:$0x0] =	wrdreg $0xFFFFFFFF;
	(pc) =	sbr.abs _section_cstart, $3  }
0xc1: {  	[dreg:$0x1] =	wrdreg $0xFFFFFFFF  }
0xc2: {  	_ =	task.clear_ibuf [dreg:s7], $0x2FFFF;
	_ =	strace $0x9FFFFFFF  }
0xc3: {  	(tm) =	ssettm $0x7FFFFFFF  }
tec
execute0_lowered:
.L_overlay_start_1:
0x0: {  	(tag) =	ssettag $0x1  }
0x1: {  	s6 =	rddreg [dreg:$0x0]  }
0x2: {  	s0 =	srdreg.scid;
	s2 =	rddreg [dreg:$0x1]  }
0x3: {  	s3 =	rddreg [dreg:$0x2];
	s4 =	simm.s32 $0x0;
	s13 =	simm.s32 $0x80  }
0x4: {  	s14 =	simm.s32 $0x20;
	s5 =	sand.u32 $0x1, s0;
	s0 =	stileid.u32  }
0x5: {  	s15 =	simm.s32 $0x10;
	s16 =	simm.s32 $0x0;
	s8 =	smul.u32 $0x500, s0  }
0x6: {  	[smem:$0x7FF] =	sst s4;
	s1 =	sshll.u32 s5, $0x4;
	s9 =	smul.u32 $0x280, s0  }
0x7: {  	s10 =	sshll.u32 s5, $0x7;
	s5 =	ssub.s32 $0x2, s5;
	s1 =	sor.u32 s0, s1  }
0x8: {  	s31 =	sshll.u32 s0, $0x6;
	s30 =	sshrl.u32 s5, $0x1;
	s7 =	smul.u32 $0x500, s1  }
0x9: {  	s1 =	rddreg [dreg:$0x3];
	_ =	strace $0x80000047;
	s8 =	sor.u32 s10, s8  }
0xa: {  	s29 =	sshrl.u32 s9, $0x3;
	s11 =	ssub.s32 s5, s30;
	s12 =	sadd.s32 s9, s3  }
0xb: {  	s9 =	simm.s32 $0x1;
	s8 =	sshrl.u32 s8, $0x3;
	s10 =	sadd.s32 s29, s6  }
0xc: {  	s12 =	sshrl.u32 s12, $0x3;
	s7 =	sadd.s32 s7, s6;
	s8 =	sadd.s32 s8, s6  }
0xd: {  	s6 =	sadd.s32 $0xCA00, s10;
	s10 =	simm.s32 $0x2800;
	s5 =	sadd.s32 $0x2A00, s7  }
0xe: {  	s7 =	sadd.s32 $0xD000, s8;
	s8 =	smax.u32 s11, $0x1;
	s11 =	sor.u32 $0x1C01, s31  }
.LBB2_1:
0xf: {  	[tilespmem:s4], [sflag:$0x1] =	stream.linear.gather [hbm4b:s5+s4], $0x2800, $0x38;
	[tilespmem:$0x2B00] =	vst v63  }
0x10: {  	_ =	swait.ge [sflag:s9], $0x2800  }
0x11: {  	[sflag:s9] =	ssyncset.done $0x0  }
0x12: {  	[sflag:s9] =	ssyncadd.s32 $0xFFFFD800  }
0x13: {  	[tilespmem:s10], [sflag:$0x1] =	stream.linear.gather [hbm4b:s2+s4], $0x80, $0x38;
	[tilespmem:$0x2B00] =	vst v63  }
0x14: {  	_ =	swait.ge [sflag:s9], $0x80  }
0x15: {  	[sflag:s9] =	ssyncset.done $0x0  }
0x16: {  	[sflag:s9] =	ssyncadd.s32 $0xFFFFFF80  }
0x17: {  	[spmem:s12], [sflag:s11] =	dma.local [hbm:s6], $0x50  }
0x18: {  	_ =	swait.ge [sflag:s9], $0x50  }
0x19: {  	[sflag:s9] =	ssyncset.done $0x0  }
0x1a: {  	[sflag:s9] =	ssyncadd.s32 $0xFFFFFFB0  }
0x1b: {  	s17 =	simm.s32 $0x0;
	[bflag:$0x0] =	sbarrier.arrive $0xFFFF  }
0x1c: {  	[spmem:s3] =	stream.indirect.scatter.add.f32 [tilespmem:s10], [sflag:$0x1], $0x1, s17, s13, $0xb8;
	[tilespmem:$0x2B00] =	vst v63  }
0x1d: {  	_ =	swait.ge [sflag:s9], $0x80  }
0x1e: {  	s17 =	simm.s32 $0x200;
	[sflag:s9] =	ssyncset.done $0x0  }
.LBB2_2:
0x1f: {  	s18 =	sshra.s32 s17, $0x2;
	[sflag:s9] =	ssyncadd.s32 $0xFFFFFF80;
	p0 =	sne.s32 s17, $0x9E00  }
0x20: {  	[spmem:s3] =	stream.indirect.scatter.add.f32 [tilespmem:s10], [sflag:$0x1], $0x1, s18, s13, $0xb8;
	[tilespmem:$0x2B00] =	vst v63  }
.Ltmp0:
0x21: {  	_ = 	snop;
	(pc) =	sbr.rel @p0 .LBB2_2-.Ltmp0, $4  }
0x22: {  	_ = 	snop  }
0x23: {  	s17 =	sadd.s32 $0x200, s17  }
0x24: {  	_ =	swait.ge [sflag:s9], $0x80  }
0x25: {  	[sflag:s9] =	ssyncset.done $0x0  }
0x26: {  	s16 =	sadd.s32 $0x1, s16  }
0x27: {  	[sflag:s9] =	ssyncadd.s32 $0xFFFFFF80;
	p0 =	sne.s32 s16, s8  }
.Ltmp1:
0x28: {  	[bflag:$0x0] =	sbarrier.arrive $0xFFFF;
	(pc) =	sbr.rel @p0 .LBB2_1-.Ltmp1, $4  }
0x29: {  	[hbm:s7@s14], [sflag:s11] =	dma.strided [spmem:s12@s15], $0x50, s9, $0x10   }
0x2a: {  	_ =	swait.ge [sflag:s9], $0x50  }
0x2b: {  	[sflag:s9] =	ssyncset.done $0x0  }
0x2c: {  	[sflag:s9] =	ssyncadd.s32 $0xFFFFFFB0  }
0x2d: {  	_ =	sfence.sel $0x180000  }
0x2e: {  	[bflag:$0x0] =	sbarrier.arrive $0xFFFF  }
0x2f: {  	p0 =	sne.s32 s0, $0x0;
	_ =	strace $0x90000047  }
0x30: {  	s0 =	sadd.s32 @!p0 $0x100000, s1;
	[bflag:$0x2] =	sbarrier.arrive $0xFFFF  }
0x31: {  	[sflag:s0] =	ssyncadd.tile.s32 @!p0 $0x1;
	_ =	shalt  }
.Lfunc_end2:
_tile_overlayer_lowered:
.L_overlay_start_2:
0x32: {  	(tag) =	ssettag $0x2  }
0x33: {  	s0 =	rddreg [dreg:$0x0];
	s2 =	stileid.u32  }
0x34: {  	s1 =	rddreg [dreg:$0x1];
	p0 =	sne.s32 s2, $0x0  }
0x35: {  	s3 =	rddreg [dreg:$0x2];
	[bflag:$0x3] =	sbarrier.arrive $0xFFFF;
	s2 =	simm.s32 @!p0 $0x1C01  }
0x36: {  	[timem:s3], [sflag:s2] =	dma.local @!p0 [hbm:s0], s1  }
0x37: {  	s0 =	simm.s32 @!p0 $0x1  }
0x38: {  	_ =	swait.ge @!p0 [sflag:s0], s1  }
0x39: {  	s1 =	ssub.s32 @!p0 $0x0, s1;
	[sflag:s0] =	ssyncset.done @!p0 $0x0  }
0x3a: {  	[sflag:s0] =	ssyncadd.s32 @!p0 s1  }
0x3b: {  	[bflag:$0x3] =	sbarrier.arrive $0xFFFF  }
0x3c: {  	_ =	shalt  }

</sc_bundles>
